<compile_context>
chip_gen: v7x
topology: tpu7x:2x2x1
jax: 0.10.2.dev20260603
libtpu: 0.0.44.dev20260713+nightly
codegen_flags: <defaults>
</compile_context>

<pallas_src>
import dataclasses
import functools

import jax
import jax.numpy as jnp
from jax import lax
from jax.experimental import pallas as pl
from jax.experimental.pallas import tpu as pltpu
from jax.experimental.pallas import tpu_sc as plsc

N = 10000
D = 128
NC, NS, L = 2, 16, 16
NW = NC * NS
CH = 128
ACC_ROWS = 10240
ROWS_PW = ACC_ROWS // NS
HR = ACC_ROWS // L
BM = 2000

@functools.cache
def _mesh():
    return plsc.VectorSubcoreMesh(core_axis_name="c", subcore_axis_name="s")


def _sc_compiler_params():
    cp = pltpu.CompilerParams()
    if "needs_layout_passes" in pltpu.CompilerParams.__dataclass_fields__:
        cp = dataclasses.replace(cp, needs_layout_passes=False)
    return cp


def _make_deg(J):

    @functools.partial(
        pl.kernel, mesh=_mesh(), compiler_params=_sc_compiler_params(),
        out_type=jax.ShapeDtypeStruct((NC, HR, L), jnp.float32),
        scratch_types=[
            pltpu.VMEM((J, CH), jnp.int32),
            pltpu.VMEM((HR, L), jnp.float32),
            pltpu.VMEM((HR // CH, CH), jnp.int32),
            pltpu.VMEM_SHARED((HR, L), jnp.float32),
        ])
    def deg(dst_hbm, iota_hbm, out_hbm, dstv, hist, iotav, acc):
        c = lax.axis_index("c")
        s = lax.axis_index("s")
        wid = c * NS + s
        pltpu.sync_copy(dst_hbm.at[pl.ds(wid * J, J)], dstv)
        pltpu.sync_copy(iota_hbm, iotav)
        zero16 = jnp.zeros((L,), jnp.float32)

        @pl.loop(0, HR)
        def _zero(r):
            hist[r] = zero16

        rows_per = HR // NS
        pltpu.sync_copy(hist.at[pl.ds(s * rows_per, rows_per)],
                        acc.at[pl.ds(s * rows_per, rows_per)])

        ones16 = jnp.ones((L,), jnp.float32)

        @pl.loop(0, J)
        def _hist(j):
            for k in range(CH // L):
                idx = dstv[j, pl.ds(k * L, L)]
                plsc.addupdate_scatter(
                    hist,
                    [lax.shift_right_logical(idx, 4), lax.bitwise_and(idx, 15)],
                    ones16)

        plsc.subcore_barrier()
        for t in range(HR // CH):
            pltpu.sync_copy(hist.at[pl.ds(t * CH, CH)],
                            acc.at[iotav.at[t]], add=True)
        plsc.subcore_barrier()
        pltpu.sync_copy(acc.at[pl.ds(s * rows_per, rows_per)],
                        out_hbm.at[c].at[pl.ds(s * rows_per, rows_per)])

    return deg


BJ = 16


def _make_agg(J):
    assert J % BJ == 0 and BJ % 2 == 0 and BJ >= 4
    NB = J // BJ

    @functools.partial(
        pl.kernel, mesh=_mesh(),
        out_type=jax.ShapeDtypeStruct((NC, ACC_ROWS, D), jnp.float32),
        scratch_types=[
            pltpu.VMEM((2, BJ, CH), jnp.int32),
            pltpu.VMEM((2, BJ, CH), jnp.int32),
            pltpu.VMEM((CH, D), jnp.float32),
            pltpu.VMEM((CH, D), jnp.float32),
            pltpu.VMEM_SHARED((ACC_ROWS, D), jnp.float32),
            pltpu.SemaphoreType.DMA,
            pltpu.SemaphoreType.DMA,
            pltpu.SemaphoreType.DMA,
            pltpu.SemaphoreType.DMA,
            pltpu.SemaphoreType.DMA,
            pltpu.SemaphoreType.DMA,
        ])
    def agg(g_hbm, src_hbm, dst_hbm, out_hbm, srcv, dstv, bufa, bufb, acc,
            sema, semb, semsa, semsb, semis, semid):
        c = lax.axis_index("c")
        s = lax.axis_index("s")
        wid = c * NS + s
        wbase = wid * J

        def idx_copies(b, slot):
            return (pltpu.make_async_copy(
                        src_hbm.at[pl.ds(wbase + b * BJ, BJ)],
                        srcv.at[slot], semis),
                    pltpu.make_async_copy(
                        dst_hbm.at[pl.ds(wbase + b * BJ, BJ)],
                        dstv.at[slot], semid))

        for cp in idx_copies(0, 0):
            cp.start()

        zero16 = jnp.zeros((L,), jnp.float32)

        @pl.loop(0, CH)
        def _zero(r):
            for k in range(D // L):
                bufa[r, pl.ds(k * L, L)] = zero16

        base = s * ROWS_PW
        for t in range(ROWS_PW // CH):
            pltpu.sync_copy(bufa, acc.at[pl.ds(base + t * CH, CH)])
        plsc.subcore_barrier()

        def gather(sv, j, buf, sem):
            return pltpu.make_async_copy(acc.at[sv.at[j]], buf, sem)

        def scatter(dv, j, buf):
            pass

        for cp in idx_copies(0, 0):
            cp.wait()
        gather(srcv.at[0], 0, bufa, sema).start()

        @pl.loop(0, NB)
        def _block(b):
            p = lax.rem(b, 2)
            q = 1 - p
            sv = srcv.at[p]
            dv = dstv.at[p]

            @pl.when(b + 1 < NB)
            def _prefetch():
                for cp in idx_copies(b + 1, q):
                    cp.start()

            @pl.loop(0, (BJ - 2) // 2)
            def _pair(i):
                j = i * 2
                gather(sv, j, bufa, sema).wait()
                gather(sv, j + 1, bufb, semb).start()
                scatter(dv, j, bufa)
                gather(sv, j + 1, bufb, semb).wait()
                gather(sv, j + 2, bufa, sema).start()
                scatter(dv, j + 1, bufb)

            gather(sv, BJ - 2, bufa, sema).wait()
            gather(sv, BJ - 1, bufb, semb).start()
            scatter(dv, BJ - 2, bufa)
            gather(sv, BJ - 1, bufb, semb).wait()

            @pl.when(b + 1 < NB)
            def _prime_next():
                for cp in idx_copies(b + 1, q):
                    cp.wait()
                gather(srcv.at[q], 0, bufa, sema).start()

            scatter(dv, BJ - 1, bufb)

        plsc.subcore_barrier()
        for t in range(ROWS_PW // CH):
            pltpu.sync_copy(acc.at[pl.ds(base + t * CH, CH)],
                            out_hbm.at[c].at[pl.ds(base + t * CH, CH)])

    return agg


def _mm_body(x_ref, w_ref, o_ref):
    o_ref[...] = jnp.dot(x_ref[...], w_ref[...],
                         preferred_element_type=jnp.float32)


def _dis(dg):
    return lax.rsqrt(dg[:, 0:1] + dg[:, 1:2] + 1.0)


def _scale_body(h_ref, dg_ref, o_ref):
    o_ref[...] = h_ref[...] * _dis(dg_ref[...])


def _ep1_body(p_ref, g_ref, dg_ref, b_ref, w_ref, o_ref):
    dis = _dis(dg_ref[...])
    z = jnp.maximum(dis * (p_ref[0] + p_ref[1] + g_ref[...]) + b_ref[...], 0.0)
    o_ref[...] = jnp.dot(z, w_ref[...],
                         preferred_element_type=jnp.float32) * dis


def _ep2_body(p_ref, g_ref, dg_ref, b_ref, o_ref):
    dis = _dis(dg_ref[...])
    o_ref[...] = dis * (p_ref[0] + p_ref[1] + g_ref[...]) + b_ref[...]


_row_spec = pl.BlockSpec((BM, D), lambda i: (i, 0))
_dg_spec = pl.BlockSpec((BM, 2), lambda i: (i, 0))
_w_spec = pl.BlockSpec((D, D), lambda i: (0, 0))
_b_spec = pl.BlockSpec((1, D), lambda i: (0, 0))
_p_spec = pl.BlockSpec((NC, BM, D), lambda i: (0, i, 0))
_out_sds = jax.ShapeDtypeStruct((N, D), jnp.float32)
_grid = (N // BM,)


def _mm(x, w):
    return pl.pallas_call(
        _mm_body, grid=_grid, in_specs=[_row_spec, _w_spec],
        out_specs=_row_spec, out_shape=_out_sds)(x, w)


def _scale(h, dg):
    return pl.pallas_call(
        _scale_body, grid=_grid, in_specs=[_row_spec, _dg_spec],
        out_specs=_row_spec, out_shape=_out_sds)(h, dg)


def _ep1(p, g, dg, b, w):
    return pl.pallas_call(
        _ep1_body, grid=_grid,
        in_specs=[_p_spec, _row_spec, _dg_spec, _b_spec, _w_spec],
        out_specs=_row_spec, out_shape=_out_sds)(p, g, dg, b, w)


def _ep2(p, g, dg, b):
    return pl.pallas_call(
        _ep2_body, grid=_grid,
        in_specs=[_p_spec, _row_spec, _dg_spec, _b_spec],
        out_specs=_row_spec, out_shape=_out_sds)(p, g, dg, b)


def _deg_call(dst2d, iota2d, J):
    return _make_deg(J)(dst2d, iota2d)


def _agg_call(g, src2d, dst2d, J):
    return _make_agg(J)(g, src2d, dst2d)


def kernel(X, A, W1, b1, W2, b2):
    n, d_in = X.shape
    E = A.shape[1]
    assert (n, d_in) == (N, D) and W1.shape == (D, D) and W2.shape == (D, D)
    J = -(-E // (CH * NW))
    J = ((J + BJ - 1) // BJ) * BJ
    pad = J * NW * CH - E

    src = A[0].astype(jnp.int32)
    dst = A[1].astype(jnp.int32)
    src2d = jnp.concatenate(
        [src, jnp.zeros((pad,), jnp.int32)]).reshape(NW * J, CH)
    pad_dst = N + jnp.arange(pad, dtype=jnp.int32) % (ACC_ROWS - N)
    dst2d = jnp.concatenate([dst, pad_dst]).reshape(NW * J, CH)
    iota2d = jnp.arange(HR, dtype=jnp.int32).reshape(HR // CH, CH)
    b1r = b1.reshape(1, D)
    b2r = b2.reshape(1, D)

    degp = _deg_call(dst2d, iota2d, J)
    h1 = _mm(X, W1)
    dg = jnp.transpose(degp.reshape(NC, ACC_ROWS)[:, :N])

    g1 = _scale(h1, dg)
    p1 = _agg_call(g1, src2d, dst2d, J)
    g2 = _ep1(p1, g1, dg, b1r, W2)
    p2 = _agg_call(g2, src2d, dst2d, J)
    return _ep2(p2, g2, dg, b2r)

# --- scband reference (transcript-rebuilt; emitter-appended) ---
"""Pipeline reference for scband-gcn-69947837383221 (READ-ONLY COPY).

The authoritative reference and input builder live on the scoring server;
editing this copy changes nothing except your own understanding.
"""

import jax, jax.numpy as jnp
import numpy as np

N_NODES = 10000
N_EDGES = 320000
D_IN = 128
H1 = 128
H2 = 128


def setup_inputs(seed: int = 0) -> dict:
    key = jax.random.key(seed)
    k1, k2, k3, k4 = jax.random.split(key, 4)
    X = jax.random.normal(k1, (N_NODES, D_IN), dtype=jnp.float32)
    A = jax.random.randint(k2, (2, N_EDGES), 0, N_NODES, dtype=jnp.int64)
    W1 = jax.random.normal(k3, (D_IN, H1), dtype=jnp.float32) * 0.05
    b1 = jnp.zeros((H1,), dtype=jnp.float32)
    W2 = jax.random.normal(k4, (H1, H2), dtype=jnp.float32) * 0.05
    b2 = jnp.zeros((H2,), dtype=jnp.float32)
    return {"X": X, "A": A, "W1": W1, "b1": b1, "W2": W2, "b2": b2}


def _gcn_conv(X, src, dst, W, b, n_nodes):
    # PyG-style GCNConv: add self loops, symmetric normalization, linear, scatter-add aggregate at dst
    h = X @ W
    deg = jnp.zeros((n_nodes,), dtype=h.dtype).at[dst].add(1.0)
    deg_inv_sqrt = jnp.where(deg > 0, deg ** -0.5, 0.0)
    norm = deg_inv_sqrt[src] * deg_inv_sqrt[dst]
    msg = h[src] * norm[:, None]
    out = jnp.zeros((n_nodes, h.shape[1]), dtype=h.dtype).at[dst].add(msg)
    return out + b


def reference(X, A, W1, b1, W2, b2):
    n_nodes = X.shape[0]
    loops = jnp.arange(n_nodes, dtype=A.dtype)
    src = jnp.concatenate([A[0], loops])
    dst = jnp.concatenate([A[1], loops])
    # layer 1 + relu (dropout=0.0 -> identity)
    h = _gcn_conv(X, src, dst, W1, b1, n_nodes)
    h = jax.nn.relu(h)
    # final layer, no activation
    out = _gcn_conv(h, src, dst, W2, b2, n_nodes)
    return out

if __name__ == "__main__":
    import jax
    _d = setup_inputs()
    print(jax.jit(kernel)(*tuple(_d.values())))

</pallas_src>

<mosaic_0001>
#map = affine_map<(d0, d1) -> (0, 0)>
#map1 = affine_map<(d0, d1) -> (0, 0, 0)>
module attributes {stable_mosaic.version = 14 : i64} {
  func.func @agg(%arg0: i32, %arg1: i32, %arg2: memref<10000x128xf32, #tpu.memory_space<hbm>>, %arg3: memref<2560x128xi32, #tpu.memory_space<hbm>>, %arg4: memref<2560x128xi32, #tpu.memory_space<hbm>>, %arg5: memref<2x10240x128xf32, #tpu.memory_space<hbm>>, %arg6: memref<2x16x128xi32, #tpu.memory_space<vmem>>, %arg7: memref<2x16x128xi32, #tpu.memory_space<vmem>>, %arg8: memref<128x128xf32, #tpu.memory_space<vmem>>, %arg9: memref<128x128xf32, #tpu.memory_space<vmem>>, %arg10: memref<10240x128xf32, #tpu.memory_space<vmem_shared>>, %arg11: memref<!tpu.dma_semaphore, #tpu.memory_space<semaphore_mem>>, %arg12: memref<!tpu.dma_semaphore, #tpu.memory_space<semaphore_mem>>, %arg13: memref<!tpu.dma_semaphore, #tpu.memory_space<semaphore_mem>>, %arg14: memref<!tpu.dma_semaphore, #tpu.memory_space<semaphore_mem>>, %arg15: memref<!tpu.dma_semaphore, #tpu.memory_space<semaphore_mem>>, %arg16: memref<!tpu.dma_semaphore, #tpu.memory_space<semaphore_mem>>) attributes {dimension_semantics = [#tpu.dimension_semantics<core_parallel>, #tpu.dimension_semantics<subcore_parallel>], iteration_bounds = array<i64: 2, 16>, scalar_prefetch = 0 : i64, scratch_operands = 11 : i64, tpu.core_type = #tpu.core_type<sc_vector_subcore>, window_params = [{transform_indices = #map}, {transform_indices = #map}, {transform_indices = #map}, {transform_indices = #map1}]} {
    %mul3A = arith.constant 16 : i32
    %mul3A_0 = arith.muli %arg0, %mul3A : i32
    %add3A = arith.addi %mul3A_0, %arg1 : i32
    %mul3A_1 = arith.constant 80 : i32
    %mul3A_2 = arith.muli %add3A, %mul3A_1 : i32
    %add3A_3 = arith.constant 0 : i32
    %add3A_4 = arith.addi %mul3A_2, %add3A_3 : i32
    %add3A_5 = arith.constant 0 : i32
    %add3A_6 = arith.addi %mul3A_2, %add3A_5 : i32
    %dma_start3A = arith.constant 0 : i32
    %dma_start3A_7 = arith.constant 0 : i32
    %dma_start3A_8 = arith.constant 0 : i32
    %dma_start3A_9 = tpu.memref_slice %arg6[%dma_start3A, %dma_start3A_7, %dma_start3A_8] : memref<2x16x128xi32, #tpu.memory_space<vmem>> -> memref<1x16x128xi32, #tpu.memory_space<vmem>>
    %dma_start3A_10 = tpu.memref_squeeze %dma_start3A_9 : memref<1x16x128xi32, #tpu.memory_space<vmem>> -> memref<16x128xi32, #tpu.memory_space<vmem>>
    %dma_start3A_11 = arith.constant 0 : i32
    %dma_start3A_12 = tpu.memref_slice %arg3[%add3A_4, %dma_start3A_11] : memref<2560x128xi32, #tpu.memory_space<hbm>> -> memref<16x128xi32, #tpu.memory_space<hbm>>
    %dma_start3A_13 = arith.constant 0 : i32
    %dma_start3A_14 = arith.constant 0 : i32
    %dma_start3A_15 = tpu.memref_slice %arg6[%dma_start3A, %dma_start3A_13, %dma_start3A_14] : memref<2x16x128xi32, #tpu.memory_space<vmem>> -> memref<1x16x128xi32, #tpu.memory_space<vmem>>
    %dma_start3A_16 = tpu.memref_squeeze %dma_start3A_15 : memref<1x16x128xi32, #tpu.memory_space<vmem>> -> memref<16x128xi32, #tpu.memory_space<vmem>>
    %dma_start3A_17 = arith.constant 0 : i32
    %dma_start3A_18 = tpu.memref_slice %arg3[%add3A_4, %dma_start3A_17] : memref<2560x128xi32, #tpu.memory_space<hbm>> -> memref<16x128xi32, #tpu.memory_space<hbm>>
    tpu.enqueue_dma source(%dma_start3A_18 : memref<16x128xi32, #tpu.memory_space<hbm>>) target(%dma_start3A_16 : memref<16x128xi32, #tpu.memory_space<vmem>>) target_semaphore(%arg15 : memref<!tpu.dma_semaphore, #tpu.memory_space<semaphore_mem>>)
    %dma_start3A_19 = arith.constant 0 : i32
    %dma_start3A_20 = arith.constant 0 : i32
    %dma_start3A_21 = arith.constant 0 : i32
    %dma_start3A_22 = tpu.memref_slice %arg7[%dma_start3A_19, %dma_start3A_20, %dma_start3A_21] : memref<2x16x128xi32, #tpu.memory_space<vmem>> -> memref<1x16x128xi32, #tpu.memory_space<vmem>>
    %dma_start3A_23 = tpu.memref_squeeze %dma_start3A_22 : memref<1x16x128xi32, #tpu.memory_space<vmem>> -> memref<16x128xi32, #tpu.memory_space<vmem>>
    %dma_start3A_24 = arith.constant 0 : i32
    %dma_start3A_25 = tpu.memref_slice %arg4[%add3A_6, %dma_start3A_24] : memref<2560x128xi32, #tpu.memory_space<hbm>> -> memref<16x128xi32, #tpu.memory_space<hbm>>
    %dma_start3A_26 = arith.constant 0 : i32
    %dma_start3A_27 = arith.constant 0 : i32
    %dma_start3A_28 = tpu.memref_slice %arg7[%dma_start3A_19, %dma_start3A_26, %dma_start3A_27] : memref<2x16x128xi32, #tpu.memory_space<vmem>> -> memref<1x16x128xi32, #tpu.memory_space<vmem>>
    %dma_start3A_29 = tpu.memref_squeeze %dma_start3A_28 : memref<1x16x128xi32, #tpu.memory_space<vmem>> -> memref<16x128xi32, #tpu.memory_space<vmem>>
    %dma_start3A_30 = arith.constant 0 : i32
    %dma_start3A_31 = tpu.memref_slice %arg4[%add3A_6, %dma_start3A_30] : memref<2560x128xi32, #tpu.memory_space<hbm>> -> memref<16x128xi32, #tpu.memory_space<hbm>>
    tpu.enqueue_dma source(%dma_start3A_31 : memref<16x128xi32, #tpu.memory_space<hbm>>) target(%dma_start3A_29 : memref<16x128xi32, #tpu.memory_space<vmem>>) target_semaphore(%arg16 : memref<!tpu.dma_semaphore, #tpu.memory_space<semaphore_mem>>)
    %broadcast_in_dim3A = arith.constant 0.000000e+00 : f32
    %broadcast_in_dim3A_32 = vector.broadcast %broadcast_in_dim3A : f32 to vector<16xf32>
    %scan3A = arith.constant 0 : i32
    %scan3A_33 = arith.constant 128 : i32
    %scan3A_34 = arith.addi %scan3A, %scan3A_33 : i32
    %scan3A_35 = arith.constant 1 : i32
    scf.for %scan3A_116 = %scan3A to %scan3A_34 step %scan3A_35  : i32 {
      %mul3A_117 = arith.constant 1 : i32
      %mul3A_118 = arith.muli %scan3A_116, %mul3A_117 : i32
      %add3A_119 = arith.constant 0 : i32
      %add3A_120 = arith.addi %add3A_119, %mul3A_118 : i32
      %swap3A = arith.index_cast %add3A_120 : i32 to index
      %swap3A_121 = arith.constant 0 : index
      %swap3A_122 = tpu.vector_load %arg8[%swap3A, %swap3A_121] {strides = array<i32>} : memref<128x128xf32, #tpu.memory_space<vmem>>, vector<1x16xf32>,
      %swap3A_123 = vector.shape_cast %swap3A_122 : vector<1x16xf32> to vector<16xf32>
      %swap3A_124 = vector.shape_cast %broadcast_in_dim3A_32 : vector<16xf32> to vector<1x16xf32>
      tpu.vector_store %arg8[%swap3A, %swap3A_121], %swap3A_124 {strides = array<i32>} : memref<128x128xf32, #tpu.memory_space<vmem>>, vector<1x16xf32>,
      %swap3A_125 = arith.index_cast %add3A_120 : i32 to index
      %swap3A_126 = arith.constant 16 : index
      %swap3A_127 = tpu.vector_load %arg8[%swap3A_125, %swap3A_126] {strides = array<i32>} : memref<128x128xf32, #tpu.memory_space<vmem>>, vector<1x16xf32>,
      %swap3A_128 = vector.shape_cast %swap3A_127 : vector<1x16xf32> to vector<16xf32>
      %swap3A_129 = vector.shape_cast %broadcast_in_dim3A_32 : vector<16xf32> to vector<1x16xf32>
      tpu.vector_store %arg8[%swap3A_125, %swap3A_126], %swap3A_129 {strides = array<i32>} : memref<128x128xf32, #tpu.memory_space<vmem>>, vector<1x16xf32>,
      %swap3A_130 = arith.index_cast %add3A_120 : i32 to index
      %swap3A_131 = arith.constant 32 : index
      %swap3A_132 = tpu.vector_load %arg8[%swap3A_130, %swap3A_131] {strides = array<i32>} : memref<128x128xf32, #tpu.memory_space<vmem>>, vector<1x16xf32>,
      %swap3A_133 = vector.shape_cast %swap3A_132 : vector<1x16xf32> to vector<16xf32>
      %swap3A_134 = vector.shape_cast %broadcast_in_dim3A_32 : vector<16xf32> to vector<1x16xf32>
      tpu.vector_store %arg8[%swap3A_130, %swap3A_131], %swap3A_134 {strides = array<i32>} : memref<128x128xf32, #tpu.memory_space<vmem>>, vector<1x16xf32>,
      %swap3A_135 = arith.index_cast %add3A_120 : i32 to index
      %swap3A_136 = arith.constant 48 : index
      %swap3A_137 = tpu.vector_load %arg8[%swap3A_135, %swap3A_136] {strides = array<i32>} : memref<128x128xf32, #tpu.memory_space<vmem>>, vector<1x16xf32>,
      %swap3A_138 = vector.shape_cast %swap3A_137 : vector<1x16xf32> to vector<16xf32>
      %swap3A_139 = vector.shape_cast %broadcast_in_dim3A_32 : vector<16xf32> to vector<1x16xf32>
      tpu.vector_store %arg8[%swap3A_135, %swap3A_136], %swap3A_139 {strides = array<i32>} : memref<128x128xf32, #tpu.memory_space<vmem>>, vector<1x16xf32>,
      %swap3A_140 = arith.index_cast %add3A_120 : i32 to index
      %swap3A_141 = arith.constant 64 : index
      %swap3A_142 = tpu.vector_load %arg8[%swap3A_140, %swap3A_141] {strides = array<i32>} : memref<128x128xf32, #tpu.memory_space<vmem>>, vector<1x16xf32>,
      %swap3A_143 = vector.shape_cast %swap3A_142 : vector<1x16xf32> to vector<16xf32>
      %swap3A_144 = vector.shape_cast %broadcast_in_dim3A_32 : vector<16xf32> to vector<1x16xf32>
      tpu.vector_store %arg8[%swap3A_140, %swap3A_141], %swap3A_144 {strides = array<i32>} : memref<128x128xf32, #tpu.memory_space<vmem>>, vector<1x16xf32>,
      %swap3A_145 = arith.index_cast %add3A_120 : i32 to index
      %swap3A_146 = arith.constant 80 : index
      %swap3A_147 = tpu.vector_load %arg8[%swap3A_145, %swap3A_146] {strides = array<i32>} : memref<128x128xf32, #tpu.memory_space<vmem>>, vector<1x16xf32>,
      %swap3A_148 = vector.shape_cast %swap3A_147 : vector<1x16xf32> to vector<16xf32>
      %swap3A_149 = vector.shape_cast %broadcast_in_dim3A_32 : vector<16xf32> to vector<1x16xf32>
      tpu.vector_store %arg8[%swap3A_145, %swap3A_146], %swap3A_149 {strides = array<i32>} : memref<128x128xf32, #tpu.memory_space<vmem>>, vector<1x16xf32>,
      %swap3A_150 = arith.index_cast %add3A_120 : i32 to index
      %swap3A_151 = arith.constant 96 : index
      %swap3A_152 = tpu.vector_load %arg8[%swap3A_150, %swap3A_151] {strides = array<i32>} : memref<128x128xf32, #tpu.memory_space<vmem>>, vector<1x16xf32>,
      %swap3A_153 = vector.shape_cast %swap3A_152 : vector<1x16xf32> to vector<16xf32>
      %swap3A_154 = vector.shape_cast %broadcast_in_dim3A_32 : vector<16xf32> to vector<1x16xf32>
      tpu.vector_store %arg8[%swap3A_150, %swap3A_151], %swap3A_154 {strides = array<i32>} : memref<128x128xf32, #tpu.memory_space<vmem>>, vector<1x16xf32>,
      %swap3A_155 = arith.index_cast %add3A_120 : i32 to index
      %swap3A_156 = arith.constant 112 : index
      %swap3A_157 = tpu.vector_load %arg8[%swap3A_155, %swap3A_156] {strides = array<i32>} : memref<128x128xf32, #tpu.memory_space<vmem>>, vector<1x16xf32>,
      %swap3A_158 = vector.shape_cast %swap3A_157 : vector<1x16xf32> to vector<16xf32>
      %swap3A_159 = vector.shape_cast %broadcast_in_dim3A_32 : vector<16xf32> to vector<1x16xf32>
      tpu.vector_store %arg8[%swap3A_155, %swap3A_156], %swap3A_159 {strides = array<i32>} : memref<128x128xf32, #tpu.memory_space<vmem>>, vector<1x16xf32>,
    }
    %scan3A_36 = arith.constant 128 : i32
    %mul3A_37 = arith.constant 640 : i32
    %mul3A_38 = arith.muli %arg1, %mul3A_37 : i32
    %add3A_39 = arith.constant 0 : i32
    %add3A_40 = arith.addi %mul3A_38, %add3A_39 : i32
    "tpu.region"() ({
      %run_scoped3A = tpu.sem_alloc : memref<!tpu.dma_semaphore, #tpu.memory_space<semaphore_mem>>
      %dma_start3A_116 = arith.constant 0 : i32
      %dma_start3A_117 = tpu.memref_slice %arg10[%add3A_40, %dma_start3A_116] : memref<10240x128xf32, #tpu.memory_space<vmem_shared>> -> memref<128x128xf32, #tpu.memory_space<vmem_shared>>
      %dma_start3A_118 = arith.constant 0 : i32
      %dma_start3A_119 = tpu.memref_slice %arg10[%add3A_40, %dma_start3A_118] : memref<10240x128xf32, #tpu.memory_space<vmem_shared>> -> memref<128x128xf32, #tpu.memory_space<vmem_shared>>
      tpu.enqueue_dma source(%arg8 : memref<128x128xf32, #tpu.memory_space<vmem>>) target(%dma_start3A_119 : memref<128x128xf32, #tpu.memory_space<vmem_shared>>) target_semaphore(%run_scoped3A : memref<!tpu.dma_semaphore, #tpu.memory_space<semaphore_mem>>)
      %dma_wait3A_120 = arith.constant 0 : i32
      %dma_wait3A_121 = tpu.memref_slice %arg10[%add3A_40, %dma_wait3A_120] : memref<10240x128xf32, #tpu.memory_space<vmem_shared>> -> memref<128x128xf32, #tpu.memory_space<vmem_shared>>
      %dma_wait3A_122 = arith.constant 0 : i32
      %dma_wait3A_123 = tpu.memref_slice %arg10[%add3A_40, %dma_wait3A_122] : memref<10240x128xf32, #tpu.memory_space<vmem_shared>> -> memref<128x128xf32, #tpu.memory_space<vmem_shared>>
      tpu.wait_dma2 semaphore(%run_scoped3A : memref<!tpu.dma_semaphore, #tpu.memory_space<semaphore_mem>>) src(%arg8 : memref<128x128xf32, #tpu.memory_space<vmem>>) dst(%dma_wait3A_123 : memref<128x128xf32, #tpu.memory_space<vmem_shared>>)
      tpu.yield
    }) : () -> ()
    %add3A_41 = arith.constant 128 : i32
    %add3A_42 = arith.addi %mul3A_38, %add3A_41 : i32
    "tpu.region"() ({
      %run_scoped3A = tpu.sem_alloc : memref<!tpu.dma_semaphore, #tpu.memory_space<semaphore_mem>>
      %dma_start3A_116 = arith.constant 0 : i32
      %dma_start3A_117 = tpu.memref_slice %arg10[%add3A_42, %dma_start3A_116] : memref<10240x128xf32, #tpu.memory_space<vmem_shared>> -> memref<128x128xf32, #tpu.memory_space<vmem_shared>>
      %dma_start3A_118 = arith.constant 0 : i32
      %dma_start3A_119 = tpu.memref_slice %arg10[%add3A_42, %dma_start3A_118] : memref<10240x128xf32, #tpu.memory_space<vmem_shared>> -> memref<128x128xf32, #tpu.memory_space<vmem_shared>>
      tpu.enqueue_dma source(%arg8 : memref<128x128xf32, #tpu.memory_space<vmem>>) target(%dma_start3A_119 : memref<128x128xf32, #tpu.memory_space<vmem_shared>>) target_semaphore(%run_scoped3A : memref<!tpu.dma_semaphore, #tpu.memory_space<semaphore_mem>>)
      %dma_wait3A_120 = arith.constant 0 : i32
      %dma_wait3A_121 = tpu.memref_slice %arg10[%add3A_42, %dma_wait3A_120] : memref<10240x128xf32, #tpu.memory_space<vmem_shared>> -> memref<128x128xf32, #tpu.memory_space<vmem_shared>>
      %dma_wait3A_122 = arith.constant 0 : i32
      %dma_wait3A_123 = tpu.memref_slice %arg10[%add3A_42, %dma_wait3A_122] : memref<10240x128xf32, #tpu.memory_space<vmem_shared>> -> memref<128x128xf32, #tpu.memory_space<vmem_shared>>
      tpu.wait_dma2 semaphore(%run_scoped3A : memref<!tpu.dma_semaphore, #tpu.memory_space<semaphore_mem>>) src(%arg8 : memref<128x128xf32, #tpu.memory_space<vmem>>) dst(%dma_wait3A_123 : memref<128x128xf32, #tpu.memory_space<vmem_shared>>)
      tpu.yield
    }) : () -> ()
    %add3A_43 = arith.constant 256 : i32
    %add3A_44 = arith.addi %mul3A_38, %add3A_43 : i32
    "tpu.region"() ({
      %run_scoped3A = tpu.sem_alloc : memref<!tpu.dma_semaphore, #tpu.memory_space<semaphore_mem>>
      %dma_start3A_116 = arith.constant 0 : i32
      %dma_start3A_117 = tpu.memref_slice %arg10[%add3A_44, %dma_start3A_116] : memref<10240x128xf32, #tpu.memory_space<vmem_shared>> -> memref<128x128xf32, #tpu.memory_space<vmem_shared>>
      %dma_start3A_118 = arith.constant 0 : i32
      %dma_start3A_119 = tpu.memref_slice %arg10[%add3A_44, %dma_start3A_118] : memref<10240x128xf32, #tpu.memory_space<vmem_shared>> -> memref<128x128xf32, #tpu.memory_space<vmem_shared>>
      tpu.enqueue_dma source(%arg8 : memref<128x128xf32, #tpu.memory_space<vmem>>) target(%dma_start3A_119 : memref<128x128xf32, #tpu.memory_space<vmem_shared>>) target_semaphore(%run_scoped3A : memref<!tpu.dma_semaphore, #tpu.memory_space<semaphore_mem>>)
      %dma_wait3A_120 = arith.constant 0 : i32
      %dma_wait3A_121 = tpu.memref_slice %arg10[%add3A_44, %dma_wait3A_120] : memref<10240x128xf32, #tpu.memory_space<vmem_shared>> -> memref<128x128xf32, #tpu.memory_space<vmem_shared>>
      %dma_wait3A_122 = arith.constant 0 : i32
      %dma_wait3A_123 = tpu.memref_slice %arg10[%add3A_44, %dma_wait3A_122] : memref<10240x128xf32, #tpu.memory_space<vmem_shared>> -> memref<128x128xf32, #tpu.memory_space<vmem_shared>>
      tpu.wait_dma2 semaphore(%run_scoped3A : memref<!tpu.dma_semaphore, #tpu.memory_space<semaphore_mem>>) src(%arg8 : memref<128x128xf32, #tpu.memory_space<vmem>>) dst(%dma_wait3A_123 : memref<128x128xf32, #tpu.memory_space<vmem_shared>>)
      tpu.yield
    }) : () -> ()
    %add3A_45 = arith.constant 384 : i32
    %add3A_46 = arith.addi %mul3A_38, %add3A_45 : i32
    "tpu.region"() ({
      %run_scoped3A = tpu.sem_alloc : memref<!tpu.dma_semaphore, #tpu.memory_space<semaphore_mem>>
      %dma_start3A_116 = arith.constant 0 : i32
      %dma_start3A_117 = tpu.memref_slice %arg10[%add3A_46, %dma_start3A_116] : memref<10240x128xf32, #tpu.memory_space<vmem_shared>> -> memref<128x128xf32, #tpu.memory_space<vmem_shared>>
      %dma_start3A_118 = arith.constant 0 : i32
      %dma_start3A_119 = tpu.memref_slice %arg10[%add3A_46, %dma_start3A_118] : memref<10240x128xf32, #tpu.memory_space<vmem_shared>> -> memref<128x128xf32, #tpu.memory_space<vmem_shared>>
      tpu.enqueue_dma source(%arg8 : memref<128x128xf32, #tpu.memory_space<vmem>>) target(%dma_start3A_119 : memref<128x128xf32, #tpu.memory_space<vmem_shared>>) target_semaphore(%run_scoped3A : memref<!tpu.dma_semaphore, #tpu.memory_space<semaphore_mem>>)
      %dma_wait3A_120 = arith.constant 0 : i32
      %dma_wait3A_121 = tpu.memref_slice %arg10[%add3A_46, %dma_wait3A_120] : memref<10240x128xf32, #tpu.memory_space<vmem_shared>> -> memref<128x128xf32, #tpu.memory_space<vmem_shared>>
      %dma_wait3A_122 = arith.constant 0 : i32
      %dma_wait3A_123 = tpu.memref_slice %arg10[%add3A_46, %dma_wait3A_122] : memref<10240x128xf32, #tpu.memory_space<vmem_shared>> -> memref<128x128xf32, #tpu.memory_space<vmem_shared>>
      tpu.wait_dma2 semaphore(%run_scoped3A : memref<!tpu.dma_semaphore, #tpu.memory_space<semaphore_mem>>) src(%arg8 : memref<128x128xf32, #tpu.memory_space<vmem>>) dst(%dma_wait3A_123 : memref<128x128xf32, #tpu.memory_space<vmem_shared>>)
      tpu.yield
    }) : () -> ()
    %add3A_47 = arith.constant 512 : i32
    %add3A_48 = arith.addi %mul3A_38, %add3A_47 : i32
    "tpu.region"() ({
      %run_scoped3A = tpu.sem_alloc : memref<!tpu.dma_semaphore, #tpu.memory_space<semaphore_mem>>
      %dma_start3A_116 = arith.constant 0 : i32
      %dma_start3A_117 = tpu.memref_slice %arg10[%add3A_48, %dma_start3A_116] : memref<10240x128xf32, #tpu.memory_space<vmem_shared>> -> memref<128x128xf32, #tpu.memory_space<vmem_shared>>
      %dma_start3A_118 = arith.constant 0 : i32
      %dma_start3A_119 = tpu.memref_slice %arg10[%add3A_48, %dma_start3A_118] : memref<10240x128xf32, #tpu.memory_space<vmem_shared>> -> memref<128x128xf32, #tpu.memory_space<vmem_shared>>
      tpu.enqueue_dma source(%arg8 : memref<128x128xf32, #tpu.memory_space<vmem>>) target(%dma_start3A_119 : memref<128x128xf32, #tpu.memory_space<vmem_shared>>) target_semaphore(%run_scoped3A : memref<!tpu.dma_semaphore, #tpu.memory_space<semaphore_mem>>)
      %dma_wait3A_120 = arith.constant 0 : i32
      %dma_wait3A_121 = tpu.memref_slice %arg10[%add3A_48, %dma_wait3A_120] : memref<10240x128xf32, #tpu.memory_space<vmem_shared>> -> memref<128x128xf32, #tpu.memory_space<vmem_shared>>
      %dma_wait3A_122 = arith.constant 0 : i32
      %dma_wait3A_123 = tpu.memref_slice %arg10[%add3A_48, %dma_wait3A_122] : memref<10240x128xf32, #tpu.memory_space<vmem_shared>> -> memref<128x128xf32, #tpu.memory_space<vmem_shared>>
      tpu.wait_dma2 semaphore(%run_scoped3A : memref<!tpu.dma_semaphore, #tpu.memory_space<semaphore_mem>>) src(%arg8 : memref<128x128xf32, #tpu.memory_space<vmem>>) dst(%dma_wait3A_123 : memref<128x128xf32, #tpu.memory_space<vmem_shared>>)
      tpu.yield
    }) : () -> ()
    %barrier3A = arith.constant 0 : index
    tpu.barrier barrier_id(%barrier3A)
    %add3A_49 = arith.constant 0 : i32
    %add3A_50 = arith.addi %mul3A_2, %add3A_49 : i32
    %add3A_51 = arith.constant 0 : i32
    %add3A_52 = arith.addi %mul3A_2, %add3A_51 : i32
    %dma_wait3A = arith.constant 0 : i32
    %dma_wait3A_53 = arith.constant 0 : i32
    %dma_wait3A_54 = arith.constant 0 : i32
    %dma_wait3A_55 = tpu.memref_slice %arg6[%dma_wait3A, %dma_wait3A_53, %dma_wait3A_54] : memref<2x16x128xi32, #tpu.memory_space<vmem>> -> memref<1x16x128xi32, #tpu.memory_space<vmem>>
    %dma_wait3A_56 = tpu.memref_squeeze %dma_wait3A_55 : memref<1x16x128xi32, #tpu.memory_space<vmem>> -> memref<16x128xi32, #tpu.memory_space<vmem>>
    %dma_wait3A_57 = arith.constant 0 : i32
    %dma_wait3A_58 = tpu.memref_slice %arg3[%add3A_50, %dma_wait3A_57] : memref<2560x128xi32, #tpu.memory_space<hbm>> -> memref<16x128xi32, #tpu.memory_space<hbm>>
    %dma_wait3A_59 = arith.constant 0 : i32
    %dma_wait3A_60 = arith.constant 0 : i32
    %dma_wait3A_61 = tpu.memref_slice %arg6[%dma_wait3A, %dma_wait3A_59, %dma_wait3A_60] : memref<2x16x128xi32, #tpu.memory_space<vmem>> -> memref<1x16x128xi32, #tpu.memory_space<vmem>>
    %dma_wait3A_62 = tpu.memref_squeeze %dma_wait3A_61 : memref<1x16x128xi32, #tpu.memory_space<vmem>> -> memref<16x128xi32, #tpu.memory_space<vmem>>
    %dma_wait3A_63 = arith.constant 0 : i32
    %dma_wait3A_64 = tpu.memref_slice %arg3[%add3A_50, %dma_wait3A_63] : memref<2560x128xi32, #tpu.memory_space<hbm>> -> memref<16x128xi32, #tpu.memory_space<hbm>>
    tpu.wait_dma2 semaphore(%arg15 : memref<!tpu.dma_semaphore, #tpu.memory_space<semaphore_mem>>) src(%dma_wait3A_64 : memref<16x128xi32, #tpu.memory_space<hbm>>) dst(%dma_wait3A_62 : memref<16x128xi32, #tpu.memory_space<vmem>>)
    %dma_wait3A_65 = arith.constant 0 : i32
    %dma_wait3A_66 = arith.constant 0 : i32
    %dma_wait3A_67 = arith.constant 0 : i32
    %dma_wait3A_68 = tpu.memref_slice %arg7[%dma_wait3A_65, %dma_wait3A_66, %dma_wait3A_67] : memref<2x16x128xi32, #tpu.memory_space<vmem>> -> memref<1x16x128xi32, #tpu.memory_space<vmem>>
    %dma_wait3A_69 = tpu.memref_squeeze %dma_wait3A_68 : memref<1x16x128xi32, #tpu.memory_space<vmem>> -> memref<16x128xi32, #tpu.memory_space<vmem>>
    %dma_wait3A_70 = arith.constant 0 : i32
    %dma_wait3A_71 = tpu.memref_slice %arg4[%add3A_52, %dma_wait3A_70] : memref<2560x128xi32, #tpu.memory_space<hbm>> -> memref<16x128xi32, #tpu.memory_space<hbm>>
    %dma_wait3A_72 = arith.constant 0 : i32
    %dma_wait3A_73 = arith.constant 0 : i32
    %dma_wait3A_74 = tpu.memref_slice %arg7[%dma_wait3A_65, %dma_wait3A_72, %dma_wait3A_73] : memref<2x16x128xi32, #tpu.memory_space<vmem>> -> memref<1x16x128xi32, #tpu.memory_space<vmem>>
    %dma_wait3A_75 = tpu.memref_squeeze %dma_wait3A_74 : memref<1x16x128xi32, #tpu.memory_space<vmem>> -> memref<16x128xi32, #tpu.memory_space<vmem>>
    %dma_wait3A_76 = arith.constant 0 : i32
    %dma_wait3A_77 = tpu.memref_slice %arg4[%add3A_52, %dma_wait3A_76] : memref<2560x128xi32, #tpu.memory_space<hbm>> -> memref<16x128xi32, #tpu.memory_space<hbm>>
    tpu.wait_dma2 semaphore(%arg16 : memref<!tpu.dma_semaphore, #tpu.memory_space<semaphore_mem>>) src(%dma_wait3A_77 : memref<16x128xi32, #tpu.memory_space<hbm>>) dst(%dma_wait3A_75 : memref<16x128xi32, #tpu.memory_space<vmem>>)
    %dma_start3A_78 = arith.constant 0 : i32
    %dma_start3A_79 = arith.constant 0 : i32
    %dma_start3A_80 = arith.constant 0 : i32
    %dma_start3A_81 = arith.constant 0 : i32
    %dma_start3A_82 = tpu.memref_slice %arg6[%dma_start3A_78, %dma_start3A_80, %dma_start3A_81] : memref<2x16x128xi32, #tpu.memory_space<vmem>> -> memref<1x16x128xi32, #tpu.memory_space<vmem>>
    %dma_start3A_83 = tpu.memref_squeeze %dma_start3A_82 : memref<1x16x128xi32, #tpu.memory_space<vmem>> -> memref<16x128xi32, #tpu.memory_space<vmem>>
    %dma_start3A_84 = arith.constant 0 : i32
    %dma_start3A_85 = tpu.memref_slice %dma_start3A_83[%dma_start3A_79, %dma_start3A_84] : memref<16x128xi32, #tpu.memory_space<vmem>> -> memref<1x128xi32, #tpu.memory_space<vmem>>
    %dma_start3A_86 = tpu.memref_squeeze %dma_start3A_85 : memref<1x128xi32, #tpu.memory_space<vmem>> -> memref<128xi32, #tpu.memory_space<vmem>>
    %dma_start3A_87 = arith.constant 0 : i32
    %dma_start3A_88 = arith.constant 0 : i32
    %dma_start3A_89 = tpu.memref_slice %arg10[%dma_start3A_87, %dma_start3A_88] : memref<10240x128xf32, #tpu.memory_space<vmem_shared>> -> memref<10240x128xf32, #tpu.memory_space<vmem_shared>>
    tpu.enqueue_indirect_dma source(%dma_start3A_89 : memref<10240x128xf32, #tpu.memory_space<vmem_shared>>) target(%arg8 : memref<128x128xf32, #tpu.memory_space<vmem>>) offsets(%dma_start3A_86 : memref<128xi32, #tpu.memory_space<vmem>>) semaphore(%arg11 : memref<!tpu.dma_semaphore, #tpu.memory_space<semaphore_mem>>)
    %scan3A_90 = arith.constant 0 : i32
    %scan3A_91 = arith.constant 5 : i32
    %scan3A_92 = arith.addi %scan3A_90, %scan3A_91 : i32
    %scan3A_93 = arith.constant 1 : i32
    scf.for %scan3A_116 = %scan3A_90 to %scan3A_92 step %scan3A_93  : i32 {
      %mul3A_117 = arith.constant 1 : i32
      %mul3A_118 = arith.muli %scan3A_116, %mul3A_117 : i32
      %add3A_119 = arith.constant 0 : i32
      %add3A_120 = arith.addi %add3A_119, %mul3A_118 : i32
      %rem3A = arith.constant 2 : i32
      %rem3A_121 = arith.remsi %add3A_120, %rem3A : i32
      %sub3A = arith.constant 1 : i32
      %sub3A_122 = arith.subi %sub3A, %rem3A_121 : i32
      %add3A_123 = arith.constant 1 : i32
      %add3A_124 = arith.addi %add3A_120, %add3A_123 : i32
      %lt3A = arith.constant 5 : i32
      %lt3A_125 = arith.cmpi slt, %add3A_124, %lt3A : i32
      %convert_element_type3A = arith.extui %lt3A_125 : i1 to i32
      %cond3A = arith.constant 0 : i32
      %cond3A_126 = arith.cmpi ne, %convert_element_type3A, %cond3A : i32
      scf.if %cond3A_126 {
        %add3A_172 = arith.constant 1 : i32
        %add3A_173 = arith.addi %add3A_120, %add3A_172 : i32
        %mul3A_174 = arith.constant 16 : i32
        %mul3A_175 = arith.muli %add3A_173, %mul3A_174 : i32
        %add3A_176 = arith.addi %mul3A_2, %mul3A_175 : i32
        %mul3A_177 = arith.constant 16 : i32
        %mul3A_178 = arith.muli %add3A_173, %mul3A_177 : i32
        %add3A_179 = arith.addi %mul3A_2, %mul3A_178 : i32
        %dma_start3A_180 = arith.constant 0 : i32
        %dma_start3A_181 = arith.constant 0 : i32
        %dma_start3A_182 = tpu.memref_slice %arg6[%sub3A_122, %dma_start3A_180, %dma_start3A_181] : memref<2x16x128xi32, #tpu.memory_space<vmem>> -> memref<1x16x128xi32, #tpu.memory_space<vmem>>
        %dma_start3A_183 = tpu.memref_squeeze %dma_start3A_182 : memref<1x16x128xi32, #tpu.memory_space<vmem>> -> memref<16x128xi32, #tpu.memory_space<vmem>>
        %dma_start3A_184 = arith.constant 0 : i32
        %dma_start3A_185 = tpu.memref_slice %arg3[%add3A_176, %dma_start3A_184] : memref<2560x128xi32, #tpu.memory_space<hbm>> -> memref<16x128xi32, #tpu.memory_space<hbm>>
        %dma_start3A_186 = arith.constant 0 : i32
        %dma_start3A_187 = arith.constant 0 : i32
        %dma_start3A_188 = tpu.memref_slice %arg6[%sub3A_122, %dma_start3A_186, %dma_start3A_187] : memref<2x16x128xi32, #tpu.memory_space<vmem>> -> memref<1x16x128xi32, #tpu.memory_space<vmem>>
        %dma_start3A_189 = tpu.memref_squeeze %dma_start3A_188 : memref<1x16x128xi32, #tpu.memory_space<vmem>> -> memref<16x128xi32, #tpu.memory_space<vmem>>
        %dma_start3A_190 = arith.constant 0 : i32
        %dma_start3A_191 = tpu.memref_slice %arg3[%add3A_176, %dma_start3A_190] : memref<2560x128xi32, #tpu.memory_space<hbm>> -> memref<16x128xi32, #tpu.memory_space<hbm>>
        tpu.enqueue_dma source(%dma_start3A_191 : memref<16x128xi32, #tpu.memory_space<hbm>>) target(%dma_start3A_189 : memref<16x128xi32, #tpu.memory_space<vmem>>) target_semaphore(%arg15 : memref<!tpu.dma_semaphore, #tpu.memory_space<semaphore_mem>>)
        %dma_start3A_192 = arith.constant 0 : i32
        %dma_start3A_193 = arith.constant 0 : i32
        %dma_start3A_194 = tpu.memref_slice %arg7[%sub3A_122, %dma_start3A_192, %dma_start3A_193] : memref<2x16x128xi32, #tpu.memory_space<vmem>> -> memref<1x16x128xi32, #tpu.memory_space<vmem>>
        %dma_start3A_195 = tpu.memref_squeeze %dma_start3A_194 : memref<1x16x128xi32, #tpu.memory_space<vmem>> -> memref<16x128xi32, #tpu.memory_space<vmem>>
        %dma_start3A_196 = arith.constant 0 : i32
        %dma_start3A_197 = tpu.memref_slice %arg4[%add3A_179, %dma_start3A_196] : memref<2560x128xi32, #tpu.memory_space<hbm>> -> memref<16x128xi32, #tpu.memory_space<hbm>>
        %dma_start3A_198 = arith.constant 0 : i32
        %dma_start3A_199 = arith.constant 0 : i32
        %dma_start3A_200 = tpu.memref_slice %arg7[%sub3A_122, %dma_start3A_198, %dma_start3A_199] : memref<2x16x128xi32, #tpu.memory_space<vmem>> -> memref<1x16x128xi32, #tpu.memory_space<vmem>>
        %dma_start3A_201 = tpu.memref_squeeze %dma_start3A_200 : memref<1x16x128xi32, #tpu.memory_space<vmem>> -> memref<16x128xi32, #tpu.memory_space<vmem>>
        %dma_start3A_202 = arith.constant 0 : i32
        %dma_start3A_203 = tpu.memref_slice %arg4[%add3A_179, %dma_start3A_202] : memref<2560x128xi32, #tpu.memory_space<hbm>> -> memref<16x128xi32, #tpu.memory_space<hbm>>
        tpu.enqueue_dma source(%dma_start3A_203 : memref<16x128xi32, #tpu.memory_space<hbm>>) target(%dma_start3A_201 : memref<16x128xi32, #tpu.memory_space<vmem>>) target_semaphore(%arg16 : memref<!tpu.dma_semaphore, #tpu.memory_space<semaphore_mem>>)
      } else {
      }
      %scan3A_127 = arith.constant 0 : i32
      %scan3A_128 = arith.constant 7 : i32
      %scan3A_129 = arith.addi %scan3A_127, %scan3A_128 : i32
      %scan3A_130 = arith.constant 1 : i32
      scf.for %scan3A_172 = %scan3A_127 to %scan3A_129 step %scan3A_130  : i32 {
        %mul3A_173 = arith.constant 1 : i32
        %mul3A_174 = arith.muli %scan3A_172, %mul3A_173 : i32
        %add3A_175 = arith.constant 0 : i32
        %add3A_176 = arith.addi %add3A_175, %mul3A_174 : i32
        %mul3A_177 = arith.constant 2 : i32
        %mul3A_178 = arith.muli %add3A_176, %mul3A_177 : i32
        %dma_wait3A_179 = arith.constant 0 : i32
        %dma_wait3A_180 = arith.constant 0 : i32
        %dma_wait3A_181 = tpu.memref_slice %arg6[%rem3A_121, %dma_wait3A_179, %dma_wait3A_180] : memref<2x16x128xi32, #tpu.memory_space<vmem>> -> memref<1x16x128xi32, #tpu.memory_space<vmem>>
        %dma_wait3A_182 = tpu.memref_squeeze %dma_wait3A_181 : memref<1x16x128xi32, #tpu.memory_space<vmem>> -> memref<16x128xi32, #tpu.memory_space<vmem>>
        %dma_wait3A_183 = arith.constant 0 : i32
        %dma_wait3A_184 = tpu.memref_slice %dma_wait3A_182[%mul3A_178, %dma_wait3A_183] : memref<16x128xi32, #tpu.memory_space<vmem>> -> memref<1x128xi32, #tpu.memory_space<vmem>>
        %dma_wait3A_185 = tpu.memref_squeeze %dma_wait3A_184 : memref<1x128xi32, #tpu.memory_space<vmem>> -> memref<128xi32, #tpu.memory_space<vmem>>
        %dma_wait3A_186 = arith.constant 0 : i32
        %dma_wait3A_187 = arith.constant 0 : i32
        %dma_wait3A_188 = tpu.memref_slice %arg10[%dma_wait3A_186, %dma_wait3A_187] : memref<10240x128xf32, #tpu.memory_space<vmem_shared>> -> memref<10240x128xf32, #tpu.memory_space<vmem_shared>>
        tpu.wait_indirect_dma semaphore(%arg11 : memref<!tpu.dma_semaphore, #tpu.memory_space<semaphore_mem>>) src(%dma_wait3A_188 : memref<10240x128xf32, #tpu.memory_space<vmem_shared>>) dst(%arg8 : memref<128x128xf32, #tpu.memory_space<vmem>>)
        %add3A_189 = arith.constant 1 : i32
        %add3A_190 = arith.addi %mul3A_178, %add3A_189 : i32
        %dma_start3A_191 = arith.constant 0 : i32
        %dma_start3A_192 = arith.constant 0 : i32
        %dma_start3A_193 = tpu.memref_slice %arg6[%rem3A_121, %dma_start3A_191, %dma_start3A_192] : memref<2x16x128xi32, #tpu.memory_space<vmem>> -> memref<1x16x128xi32, #tpu.memory_space<vmem>>
        %dma_start3A_194 = tpu.memref_squeeze %dma_start3A_193 : memref<1x16x128xi32, #tpu.memory_space<vmem>> -> memref<16x128xi32, #tpu.memory_space<vmem>>
        %dma_start3A_195 = arith.constant 0 : i32
        %dma_start3A_196 = tpu.memref_slice %dma_start3A_194[%add3A_190, %dma_start3A_195] : memref<16x128xi32, #tpu.memory_space<vmem>> -> memref<1x128xi32, #tpu.memory_space<vmem>>
        %dma_start3A_197 = tpu.memref_squeeze %dma_start3A_196 : memref<1x128xi32, #tpu.memory_space<vmem>> -> memref<128xi32, #tpu.memory_space<vmem>>
        %dma_start3A_198 = arith.constant 0 : i32
        %dma_start3A_199 = arith.constant 0 : i32
        %dma_start3A_200 = tpu.memref_slice %arg10[%dma_start3A_198, %dma_start3A_199] : memref<10240x128xf32, #tpu.memory_space<vmem_shared>> -> memref<10240x128xf32, #tpu.memory_space<vmem_shared>>
        tpu.enqueue_indirect_dma source(%dma_start3A_200 : memref<10240x128xf32, #tpu.memory_space<vmem_shared>>) target(%arg9 : memref<128x128xf32, #tpu.memory_space<vmem>>) offsets(%dma_start3A_197 : memref<128xi32, #tpu.memory_space<vmem>>) semaphore(%arg12 : memref<!tpu.dma_semaphore, #tpu.memory_space<semaphore_mem>>)
        %add3A_201 = arith.constant 1 : i32
        %add3A_202 = arith.addi %mul3A_178, %add3A_201 : i32
        %dma_wait3A_203 = arith.constant 0 : i32
        %dma_wait3A_204 = arith.constant 0 : i32
        %dma_wait3A_205 = tpu.memref_slice %arg6[%rem3A_121, %dma_wait3A_203, %dma_wait3A_204] : memref<2x16x128xi32, #tpu.memory_space<vmem>> -> memref<1x16x128xi32, #tpu.memory_space<vmem>>
        %dma_wait3A_206 = tpu.memref_squeeze %dma_wait3A_205 : memref<1x16x128xi32, #tpu.memory_space<vmem>> -> memref<16x128xi32, #tpu.memory_space<vmem>>
        %dma_wait3A_207 = arith.constant 0 : i32
        %dma_wait3A_208 = tpu.memref_slice %dma_wait3A_206[%add3A_202, %dma_wait3A_207] : memref<16x128xi32, #tpu.memory_space<vmem>> -> memref<1x128xi32, #tpu.memory_space<vmem>>
        %dma_wait3A_209 = tpu.memref_squeeze %dma_wait3A_208 : memref<1x128xi32, #tpu.memory_space<vmem>> -> memref<128xi32, #tpu.memory_space<vmem>>
        %dma_wait3A_210 = arith.constant 0 : i32
        %dma_wait3A_211 = arith.constant 0 : i32
        %dma_wait3A_212 = tpu.memref_slice %arg10[%dma_wait3A_210, %dma_wait3A_211] : memref<10240x128xf32, #tpu.memory_space<vmem_shared>> -> memref<10240x128xf32, #tpu.memory_space<vmem_shared>>
        tpu.wait_indirect_dma semaphore(%arg12 : memref<!tpu.dma_semaphore, #tpu.memory_space<semaphore_mem>>) src(%dma_wait3A_212 : memref<10240x128xf32, #tpu.memory_space<vmem_shared>>) dst(%arg9 : memref<128x128xf32, #tpu.memory_space<vmem>>)
        %add3A_213 = arith.constant 2 : i32
        %add3A_214 = arith.addi %mul3A_178, %add3A_213 : i32
        %dma_start3A_215 = arith.constant 0 : i32
        %dma_start3A_216 = arith.constant 0 : i32
        %dma_start3A_217 = tpu.memref_slice %arg6[%rem3A_121, %dma_start3A_215, %dma_start3A_216] : memref<2x16x128xi32, #tpu.memory_space<vmem>> -> memref<1x16x128xi32, #tpu.memory_space<vmem>>
        %dma_start3A_218 = tpu.memref_squeeze %dma_start3A_217 : memref<1x16x128xi32, #tpu.memory_space<vmem>> -> memref<16x128xi32, #tpu.memory_space<vmem>>
        %dma_start3A_219 = arith.constant 0 : i32
        %dma_start3A_220 = tpu.memref_slice %dma_start3A_218[%add3A_214, %dma_start3A_219] : memref<16x128xi32, #tpu.memory_space<vmem>> -> memref<1x128xi32, #tpu.memory_space<vmem>>
        %dma_start3A_221 = tpu.memref_squeeze %dma_start3A_220 : memref<1x128xi32, #tpu.memory_space<vmem>> -> memref<128xi32, #tpu.memory_space<vmem>>
        %dma_start3A_222 = arith.constant 0 : i32
        %dma_start3A_223 = arith.constant 0 : i32
        %dma_start3A_224 = tpu.memref_slice %arg10[%dma_start3A_222, %dma_start3A_223] : memref<10240x128xf32, #tpu.memory_space<vmem_shared>> -> memref<10240x128xf32, #tpu.memory_space<vmem_shared>>
        tpu.enqueue_indirect_dma source(%dma_start3A_224 : memref<10240x128xf32, #tpu.memory_space<vmem_shared>>) target(%arg8 : memref<128x128xf32, #tpu.memory_space<vmem>>) offsets(%dma_start3A_221 : memref<128xi32, #tpu.memory_space<vmem>>) semaphore(%arg11 : memref<!tpu.dma_semaphore, #tpu.memory_space<semaphore_mem>>)
        %add3A_225 = arith.constant 1 : i32
        %add3A_226 = arith.addi %mul3A_178, %add3A_225 : i32
      }
      %scan3A_131 = arith.constant 7 : i32
      %dma_wait3A_132 = arith.constant 14 : i32
      %dma_wait3A_133 = arith.constant 0 : i32
      %dma_wait3A_134 = arith.constant 0 : i32
      %dma_wait3A_135 = tpu.memref_slice %arg6[%rem3A_121, %dma_wait3A_133, %dma_wait3A_134] : memref<2x16x128xi32, #tpu.memory_space<vmem>> -> memref<1x16x128xi32, #tpu.memory_space<vmem>>
      %dma_wait3A_136 = tpu.memref_squeeze %dma_wait3A_135 : memref<1x16x128xi32, #tpu.memory_space<vmem>> -> memref<16x128xi32, #tpu.memory_space<vmem>>
      %dma_wait3A_137 = arith.constant 0 : i32
      %dma_wait3A_138 = tpu.memref_slice %dma_wait3A_136[%dma_wait3A_132, %dma_wait3A_137] : memref<16x128xi32, #tpu.memory_space<vmem>> -> memref<1x128xi32, #tpu.memory_space<vmem>>
      %dma_wait3A_139 = tpu.memref_squeeze %dma_wait3A_138 : memref<1x128xi32, #tpu.memory_space<vmem>> -> memref<128xi32, #tpu.memory_space<vmem>>
      %dma_wait3A_140 = arith.constant 0 : i32
      %dma_wait3A_141 = arith.constant 0 : i32
      %dma_wait3A_142 = tpu.memref_slice %arg10[%dma_wait3A_140, %dma_wait3A_141] : memref<10240x128xf32, #tpu.memory_space<vmem_shared>> -> memref<10240x128xf32, #tpu.memory_space<vmem_shared>>
      tpu.wait_indirect_dma semaphore(%arg11 : memref<!tpu.dma_semaphore, #tpu.memory_space<semaphore_mem>>) src(%dma_wait3A_142 : memref<10240x128xf32, #tpu.memory_space<vmem_shared>>) dst(%arg8 : memref<128x128xf32, #tpu.memory_space<vmem>>)
      %dma_start3A_143 = arith.constant 15 : i32
      %dma_start3A_144 = arith.constant 0 : i32
      %dma_start3A_145 = arith.constant 0 : i32
      %dma_start3A_146 = tpu.memref_slice %arg6[%rem3A_121, %dma_start3A_144, %dma_start3A_145] : memref<2x16x128xi32, #tpu.memory_space<vmem>> -> memref<1x16x128xi32, #tpu.memory_space<vmem>>
      %dma_start3A_147 = tpu.memref_squeeze %dma_start3A_146 : memref<1x16x128xi32, #tpu.memory_space<vmem>> -> memref<16x128xi32, #tpu.memory_space<vmem>>
      %dma_start3A_148 = arith.constant 0 : i32
      %dma_start3A_149 = tpu.memref_slice %dma_start3A_147[%dma_start3A_143, %dma_start3A_148] : memref<16x128xi32, #tpu.memory_space<vmem>> -> memref<1x128xi32, #tpu.memory_space<vmem>>
      %dma_start3A_150 = tpu.memref_squeeze %dma_start3A_149 : memref<1x128xi32, #tpu.memory_space<vmem>> -> memref<128xi32, #tpu.memory_space<vmem>>
      %dma_start3A_151 = arith.constant 0 : i32
      %dma_start3A_152 = arith.constant 0 : i32
      %dma_start3A_153 = tpu.memref_slice %arg10[%dma_start3A_151, %dma_start3A_152] : memref<10240x128xf32, #tpu.memory_space<vmem_shared>> -> memref<10240x128xf32, #tpu.memory_space<vmem_shared>>
      tpu.enqueue_indirect_dma source(%dma_start3A_153 : memref<10240x128xf32, #tpu.memory_space<vmem_shared>>) target(%arg9 : memref<128x128xf32, #tpu.memory_space<vmem>>) offsets(%dma_start3A_150 : memref<128xi32, #tpu.memory_space<vmem>>) semaphore(%arg12 : memref<!tpu.dma_semaphore, #tpu.memory_space<semaphore_mem>>)
      %dma_wait3A_154 = arith.constant 15 : i32
      %dma_wait3A_155 = arith.constant 0 : i32
      %dma_wait3A_156 = arith.constant 0 : i32
      %dma_wait3A_157 = tpu.memref_slice %arg6[%rem3A_121, %dma_wait3A_155, %dma_wait3A_156] : memref<2x16x128xi32, #tpu.memory_space<vmem>> -> memref<1x16x128xi32, #tpu.memory_space<vmem>>
      %dma_wait3A_158 = tpu.memref_squeeze %dma_wait3A_157 : memref<1x16x128xi32, #tpu.memory_space<vmem>> -> memref<16x128xi32, #tpu.memory_space<vmem>>
      %dma_wait3A_159 = arith.constant 0 : i32
      %dma_wait3A_160 = tpu.memref_slice %dma_wait3A_158[%dma_wait3A_154, %dma_wait3A_159] : memref<16x128xi32, #tpu.memory_space<vmem>> -> memref<1x128xi32, #tpu.memory_space<vmem>>
      %dma_wait3A_161 = tpu.memref_squeeze %dma_wait3A_160 : memref<1x128xi32, #tpu.memory_space<vmem>> -> memref<128xi32, #tpu.memory_space<vmem>>
      %dma_wait3A_162 = arith.constant 0 : i32
      %dma_wait3A_163 = arith.constant 0 : i32
      %dma_wait3A_164 = tpu.memref_slice %arg10[%dma_wait3A_162, %dma_wait3A_163] : memref<10240x128xf32, #tpu.memory_space<vmem_shared>> -> memref<10240x128xf32, #tpu.memory_space<vmem_shared>>
      tpu.wait_indirect_dma semaphore(%arg12 : memref<!tpu.dma_semaphore, #tpu.memory_space<semaphore_mem>>) src(%dma_wait3A_164 : memref<10240x128xf32, #tpu.memory_space<vmem_shared>>) dst(%arg9 : memref<128x128xf32, #tpu.memory_space<vmem>>)
      %add3A_165 = arith.constant 1 : i32
      %add3A_166 = arith.addi %add3A_120, %add3A_165 : i32
      %lt3A_167 = arith.constant 5 : i32
      %lt3A_168 = arith.cmpi slt, %add3A_166, %lt3A_167 : i32
      %convert_element_type3A_169 = arith.extui %lt3A_168 : i1 to i32
      %cond3A_170 = arith.constant 0 : i32
      %cond3A_171 = arith.cmpi ne, %convert_element_type3A_169, %cond3A_170 : i32
      scf.if %cond3A_171 {
        %add3A_172 = arith.constant 1 : i32
        %add3A_173 = arith.addi %add3A_120, %add3A_172 : i32
        %mul3A_174 = arith.constant 16 : i32
        %mul3A_175 = arith.muli %add3A_173, %mul3A_174 : i32
        %add3A_176 = arith.addi %mul3A_2, %mul3A_175 : i32
        %mul3A_177 = arith.constant 16 : i32
        %mul3A_178 = arith.muli %add3A_173, %mul3A_177 : i32
        %add3A_179 = arith.addi %mul3A_2, %mul3A_178 : i32
        %dma_wait3A_180 = arith.constant 0 : i32
        %dma_wait3A_181 = arith.constant 0 : i32
        %dma_wait3A_182 = tpu.memref_slice %arg6[%sub3A_122, %dma_wait3A_180, %dma_wait3A_181] : memref<2x16x128xi32, #tpu.memory_space<vmem>> -> memref<1x16x128xi32, #tpu.memory_space<vmem>>
        %dma_wait3A_183 = tpu.memref_squeeze %dma_wait3A_182 : memref<1x16x128xi32, #tpu.memory_space<vmem>> -> memref<16x128xi32, #tpu.memory_space<vmem>>
        %dma_wait3A_184 = arith.constant 0 : i32
        %dma_wait3A_185 = tpu.memref_slice %arg3[%add3A_176, %dma_wait3A_184] : memref<2560x128xi32, #tpu.memory_space<hbm>> -> memref<16x128xi32, #tpu.memory_space<hbm>>
        %dma_wait3A_186 = arith.constant 0 : i32
        %dma_wait3A_187 = arith.constant 0 : i32
        %dma_wait3A_188 = tpu.memref_slice %arg6[%sub3A_122, %dma_wait3A_186, %dma_wait3A_187] : memref<2x16x128xi32, #tpu.memory_space<vmem>> -> memref<1x16x128xi32, #tpu.memory_space<vmem>>
        %dma_wait3A_189 = tpu.memref_squeeze %dma_wait3A_188 : memref<1x16x128xi32, #tpu.memory_space<vmem>> -> memref<16x128xi32, #tpu.memory_space<vmem>>
        %dma_wait3A_190 = arith.constant 0 : i32
        %dma_wait3A_191 = tpu.memref_slice %arg3[%add3A_176, %dma_wait3A_190] : memref<2560x128xi32, #tpu.memory_space<hbm>> -> memref<16x128xi32, #tpu.memory_space<hbm>>
        tpu.wait_dma2 semaphore(%arg15 : memref<!tpu.dma_semaphore, #tpu.memory_space<semaphore_mem>>) src(%dma_wait3A_191 : memref<16x128xi32, #tpu.memory_space<hbm>>) dst(%dma_wait3A_189 : memref<16x128xi32, #tpu.memory_space<vmem>>)
        %dma_wait3A_192 = arith.constant 0 : i32
        %dma_wait3A_193 = arith.constant 0 : i32
        %dma_wait3A_194 = tpu.memref_slice %arg7[%sub3A_122, %dma_wait3A_192, %dma_wait3A_193] : memref<2x16x128xi32, #tpu.memory_space<vmem>> -> memref<1x16x128xi32, #tpu.memory_space<vmem>>
        %dma_wait3A_195 = tpu.memref_squeeze %dma_wait3A_194 : memref<1x16x128xi32, #tpu.memory_space<vmem>> -> memref<16x128xi32, #tpu.memory_space<vmem>>
        %dma_wait3A_196 = arith.constant 0 : i32
        %dma_wait3A_197 = tpu.memref_slice %arg4[%add3A_179, %dma_wait3A_196] : memref<2560x128xi32, #tpu.memory_space<hbm>> -> memref<16x128xi32, #tpu.memory_space<hbm>>
        %dma_wait3A_198 = arith.constant 0 : i32
        %dma_wait3A_199 = arith.constant 0 : i32
        %dma_wait3A_200 = tpu.memref_slice %arg7[%sub3A_122, %dma_wait3A_198, %dma_wait3A_199] : memref<2x16x128xi32, #tpu.memory_space<vmem>> -> memref<1x16x128xi32, #tpu.memory_space<vmem>>
        %dma_wait3A_201 = tpu.memref_squeeze %dma_wait3A_200 : memref<1x16x128xi32, #tpu.memory_space<vmem>> -> memref<16x128xi32, #tpu.memory_space<vmem>>
        %dma_wait3A_202 = arith.constant 0 : i32
        %dma_wait3A_203 = tpu.memref_slice %arg4[%add3A_179, %dma_wait3A_202] : memref<2560x128xi32, #tpu.memory_space<hbm>> -> memref<16x128xi32, #tpu.memory_space<hbm>>
        tpu.wait_dma2 semaphore(%arg16 : memref<!tpu.dma_semaphore, #tpu.memory_space<semaphore_mem>>) src(%dma_wait3A_203 : memref<16x128xi32, #tpu.memory_space<hbm>>) dst(%dma_wait3A_201 : memref<16x128xi32, #tpu.memory_space<vmem>>)
        %dma_start3A_204 = arith.constant 0 : i32
        %dma_start3A_205 = arith.constant 0 : i32
        %dma_start3A_206 = arith.constant 0 : i32
        %dma_start3A_207 = tpu.memref_slice %arg6[%sub3A_122, %dma_start3A_205, %dma_start3A_206] : memref<2x16x128xi32, #tpu.memory_space<vmem>> -> memref<1x16x128xi32, #tpu.memory_space<vmem>>
        %dma_start3A_208 = tpu.memref_squeeze %dma_start3A_207 : memref<1x16x128xi32, #tpu.memory_space<vmem>> -> memref<16x128xi32, #tpu.memory_space<vmem>>
        %dma_start3A_209 = arith.constant 0 : i32
        %dma_start3A_210 = tpu.memref_slice %dma_start3A_208[%dma_start3A_204, %dma_start3A_209] : memref<16x128xi32, #tpu.memory_space<vmem>> -> memref<1x128xi32, #tpu.memory_space<vmem>>
        %dma_start3A_211 = tpu.memref_squeeze %dma_start3A_210 : memref<1x128xi32, #tpu.memory_space<vmem>> -> memref<128xi32, #tpu.memory_space<vmem>>
        %dma_start3A_212 = arith.constant 0 : i32
        %dma_start3A_213 = arith.constant 0 : i32
        %dma_start3A_214 = tpu.memref_slice %arg10[%dma_start3A_212, %dma_start3A_213] : memref<10240x128xf32, #tpu.memory_space<vmem_shared>> -> memref<10240x128xf32, #tpu.memory_space<vmem_shared>>
        tpu.enqueue_indirect_dma source(%dma_start3A_214 : memref<10240x128xf32, #tpu.memory_space<vmem_shared>>) target(%arg8 : memref<128x128xf32, #tpu.memory_space<vmem>>) offsets(%dma_start3A_211 : memref<128xi32, #tpu.memory_space<vmem>>) semaphore(%arg11 : memref<!tpu.dma_semaphore, #tpu.memory_space<semaphore_mem>>)
      } else {
      }
    }
    %scan3A_94 = arith.constant 5 : i32
    %barrier3A_95 = arith.constant 0 : index
    tpu.barrier barrier_id(%barrier3A_95)
    %add3A_96 = arith.constant 0 : i32
    %add3A_97 = arith.addi %mul3A_38, %add3A_96 : i32
    %add3A_98 = arith.constant 0 : i32
    %add3A_99 = arith.addi %mul3A_38, %add3A_98 : i32
    "tpu.region"() ({
      %run_scoped3A = tpu.sem_alloc : memref<!tpu.dma_semaphore, #tpu.memory_space<semaphore_mem>>
      %dma_start3A_116 = arith.constant 0 : i32
      %dma_start3A_117 = arith.constant 0 : i32
      %dma_start3A_118 = tpu.memref_slice %arg5[%arg0, %dma_start3A_116, %dma_start3A_117] : memref<2x10240x128xf32, #tpu.memory_space<hbm>> -> memref<1x10240x128xf32, #tpu.memory_space<hbm>>
      %dma_start3A_119 = tpu.memref_squeeze %dma_start3A_118 : memref<1x10240x128xf32, #tpu.memory_space<hbm>> -> memref<10240x128xf32, #tpu.memory_space<hbm>>
      %dma_start3A_120 = arith.constant 0 : i32
      %dma_start3A_121 = tpu.memref_slice %dma_start3A_119[%add3A_99, %dma_start3A_120] : memref<10240x128xf32, #tpu.memory_space<hbm>> -> memref<128x128xf32, #tpu.memory_space<hbm>>
      %dma_start3A_122 = arith.constant 0 : i32
      %dma_start3A_123 = tpu.memref_slice %arg10[%add3A_97, %dma_start3A_122] : memref<10240x128xf32, #tpu.memory_space<vmem_shared>> -> memref<128x128xf32, #tpu.memory_space<vmem_shared>>
      tpu.enqueue_dma source(%dma_start3A_123 : memref<128x128xf32, #tpu.memory_space<vmem_shared>>) target(%dma_start3A_121 : memref<128x128xf32, #tpu.memory_space<hbm>>) target_semaphore(%run_scoped3A : memref<!tpu.dma_semaphore, #tpu.memory_space<semaphore_mem>>)
      %dma_wait3A_124 = arith.constant 0 : i32
      %dma_wait3A_125 = arith.constant 0 : i32
      %dma_wait3A_126 = tpu.memref_slice %arg5[%arg0, %dma_wait3A_124, %dma_wait3A_125] : memref<2x10240x128xf32, #tpu.memory_space<hbm>> -> memref<1x10240x128xf32, #tpu.memory_space<hbm>>
      %dma_wait3A_127 = tpu.memref_squeeze %dma_wait3A_126 : memref<1x10240x128xf32, #tpu.memory_space<hbm>> -> memref<10240x128xf32, #tpu.memory_space<hbm>>
      %dma_wait3A_128 = arith.constant 0 : i32
      %dma_wait3A_129 = tpu.memref_slice %dma_wait3A_127[%add3A_99, %dma_wait3A_128] : memref<10240x128xf32, #tpu.memory_space<hbm>> -> memref<128x128xf32, #tpu.memory_space<hbm>>
      %dma_wait3A_130 = arith.constant 0 : i32
      %dma_wait3A_131 = tpu.memref_slice %arg10[%add3A_97, %dma_wait3A_130] : memref<10240x128xf32, #tpu.memory_space<vmem_shared>> -> memref<128x128xf32, #tpu.memory_space<vmem_shared>>
      tpu.wait_dma2 semaphore(%run_scoped3A : memref<!tpu.dma_semaphore, #tpu.memory_space<semaphore_mem>>) src(%dma_wait3A_131 : memref<128x128xf32, #tpu.memory_space<vmem_shared>>) dst(%dma_wait3A_129 : memref<128x128xf32, #tpu.memory_space<hbm>>)
      tpu.yield
    }) : () -> ()
    %add3A_100 = arith.constant 128 : i32
    %add3A_101 = arith.addi %mul3A_38, %add3A_100 : i32
    %add3A_102 = arith.constant 128 : i32
    %add3A_103 = arith.addi %mul3A_38, %add3A_102 : i32
    "tpu.region"() ({
      %run_scoped3A = tpu.sem_alloc : memref<!tpu.dma_semaphore, #tpu.memory_space<semaphore_mem>>
      %dma_start3A_116 = arith.constant 0 : i32
      %dma_start3A_117 = arith.constant 0 : i32
      %dma_start3A_118 = tpu.memref_slice %arg5[%arg0, %dma_start3A_116, %dma_start3A_117] : memref<2x10240x128xf32, #tpu.memory_space<hbm>> -> memref<1x10240x128xf32, #tpu.memory_space<hbm>>
      %dma_start3A_119 = tpu.memref_squeeze %dma_start3A_118 : memref<1x10240x128xf32, #tpu.memory_space<hbm>> -> memref<10240x128xf32, #tpu.memory_space<hbm>>
      %dma_start3A_120 = arith.constant 0 : i32
      %dma_start3A_121 = tpu.memref_slice %dma_start3A_119[%add3A_103, %dma_start3A_120] : memref<10240x128xf32, #tpu.memory_space<hbm>> -> memref<128x128xf32, #tpu.memory_space<hbm>>
      %dma_start3A_122 = arith.constant 0 : i32
      %dma_start3A_123 = tpu.memref_slice %arg10[%add3A_101, %dma_start3A_122] : memref<10240x128xf32, #tpu.memory_space<vmem_shared>> -> memref<128x128xf32, #tpu.memory_space<vmem_shared>>
      tpu.enqueue_dma source(%dma_start3A_123 : memref<128x128xf32, #tpu.memory_space<vmem_shared>>) target(%dma_start3A_121 : memref<128x128xf32, #tpu.memory_space<hbm>>) target_semaphore(%run_scoped3A : memref<!tpu.dma_semaphore, #tpu.memory_space<semaphore_mem>>)
      %dma_wait3A_124 = arith.constant 0 : i32
      %dma_wait3A_125 = arith.constant 0 : i32
      %dma_wait3A_126 = tpu.memref_slice %arg5[%arg0, %dma_wait3A_124, %dma_wait3A_125] : memref<2x10240x128xf32, #tpu.memory_space<hbm>> -> memref<1x10240x128xf32, #tpu.memory_space<hbm>>
      %dma_wait3A_127 = tpu.memref_squeeze %dma_wait3A_126 : memref<1x10240x128xf32, #tpu.memory_space<hbm>> -> memref<10240x128xf32, #tpu.memory_space<hbm>>
      %dma_wait3A_128 = arith.constant 0 : i32
      %dma_wait3A_129 = tpu.memref_slice %dma_wait3A_127[%add3A_103, %dma_wait3A_128] : memref<10240x128xf32, #tpu.memory_space<hbm>> -> memref<128x128xf32, #tpu.memory_space<hbm>>
      %dma_wait3A_130 = arith.constant 0 : i32
      %dma_wait3A_131 = tpu.memref_slice %arg10[%add3A_101, %dma_wait3A_130] : memref<10240x128xf32, #tpu.memory_space<vmem_shared>> -> memref<128x128xf32, #tpu.memory_space<vmem_shared>>
      tpu.wait_dma2 semaphore(%run_scoped3A : memref<!tpu.dma_semaphore, #tpu.memory_space<semaphore_mem>>) src(%dma_wait3A_131 : memref<128x128xf32, #tpu.memory_space<vmem_shared>>) dst(%dma_wait3A_129 : memref<128x128xf32, #tpu.memory_space<hbm>>)
      tpu.yield
    }) : () -> ()
    %add3A_104 = arith.constant 256 : i32
    %add3A_105 = arith.addi %mul3A_38, %add3A_104 : i32
    %add3A_106 = arith.constant 256 : i32
    %add3A_107 = arith.addi %mul3A_38, %add3A_106 : i32
    "tpu.region"() ({
      %run_scoped3A = tpu.sem_alloc : memref<!tpu.dma_semaphore, #tpu.memory_space<semaphore_mem>>
      %dma_start3A_116 = arith.constant 0 : i32
      %dma_start3A_117 = arith.constant 0 : i32
      %dma_start3A_118 = tpu.memref_slice %arg5[%arg0, %dma_start3A_116, %dma_start3A_117] : memref<2x10240x128xf32, #tpu.memory_space<hbm>> -> memref<1x10240x128xf32, #tpu.memory_space<hbm>>
      %dma_start3A_119 = tpu.memref_squeeze %dma_start3A_118 : memref<1x10240x128xf32, #tpu.memory_space<hbm>> -> memref<10240x128xf32, #tpu.memory_space<hbm>>
      %dma_start3A_120 = arith.constant 0 : i32
      %dma_start3A_121 = tpu.memref_slice %dma_start3A_119[%add3A_107, %dma_start3A_120] : memref<10240x128xf32, #tpu.memory_space<hbm>> -> memref<128x128xf32, #tpu.memory_space<hbm>>
      %dma_start3A_122 = arith.constant 0 : i32
      %dma_start3A_123 = tpu.memref_slice %arg10[%add3A_105, %dma_start3A_122] : memref<10240x128xf32, #tpu.memory_space<vmem_shared>> -> memref<128x128xf32, #tpu.memory_space<vmem_shared>>
      tpu.enqueue_dma source(%dma_start3A_123 : memref<128x128xf32, #tpu.memory_space<vmem_shared>>) target(%dma_start3A_121 : memref<128x128xf32, #tpu.memory_space<hbm>>) target_semaphore(%run_scoped3A : memref<!tpu.dma_semaphore, #tpu.memory_space<semaphore_mem>>)
      %dma_wait3A_124 = arith.constant 0 : i32
      %dma_wait3A_125 = arith.constant 0 : i32
      %dma_wait3A_126 = tpu.memref_slice %arg5[%arg0, %dma_wait3A_124, %dma_wait3A_125] : memref<2x10240x128xf32, #tpu.memory_space<hbm>> -> memref<1x10240x128xf32, #tpu.memory_space<hbm>>
      %dma_wait3A_127 = tpu.memref_squeeze %dma_wait3A_126 : memref<1x10240x128xf32, #tpu.memory_space<hbm>> -> memref<10240x128xf32, #tpu.memory_space<hbm>>
      %dma_wait3A_128 = arith.constant 0 : i32
      %dma_wait3A_129 = tpu.memref_slice %dma_wait3A_127[%add3A_107, %dma_wait3A_128] : memref<10240x128xf32, #tpu.memory_space<hbm>> -> memref<128x128xf32, #tpu.memory_space<hbm>>
      %dma_wait3A_130 = arith.constant 0 : i32
      %dma_wait3A_131 = tpu.memref_slice %arg10[%add3A_105, %dma_wait3A_130] : memref<10240x128xf32, #tpu.memory_space<vmem_shared>> -> memref<128x128xf32, #tpu.memory_space<vmem_shared>>
      tpu.wait_dma2 semaphore(%run_scoped3A : memref<!tpu.dma_semaphore, #tpu.memory_space<semaphore_mem>>) src(%dma_wait3A_131 : memref<128x128xf32, #tpu.memory_space<vmem_shared>>) dst(%dma_wait3A_129 : memref<128x128xf32, #tpu.memory_space<hbm>>)
      tpu.yield
    }) : () -> ()
    %add3A_108 = arith.constant 384 : i32
    %add3A_109 = arith.addi %mul3A_38, %add3A_108 : i32
    %add3A_110 = arith.constant 384 : i32
    %add3A_111 = arith.addi %mul3A_38, %add3A_110 : i32
    "tpu.region"() ({
      %run_scoped3A = tpu.sem_alloc : memref<!tpu.dma_semaphore, #tpu.memory_space<semaphore_mem>>
      %dma_start3A_116 = arith.constant 0 : i32
      %dma_start3A_117 = arith.constant 0 : i32
      %dma_start3A_118 = tpu.memref_slice %arg5[%arg0, %dma_start3A_116, %dma_start3A_117] : memref<2x10240x128xf32, #tpu.memory_space<hbm>> -> memref<1x10240x128xf32, #tpu.memory_space<hbm>>
      %dma_start3A_119 = tpu.memref_squeeze %dma_start3A_118 : memref<1x10240x128xf32, #tpu.memory_space<hbm>> -> memref<10240x128xf32, #tpu.memory_space<hbm>>
      %dma_start3A_120 = arith.constant 0 : i32
      %dma_start3A_121 = tpu.memref_slice %dma_start3A_119[%add3A_111, %dma_start3A_120] : memref<10240x128xf32, #tpu.memory_space<hbm>> -> memref<128x128xf32, #tpu.memory_space<hbm>>
      %dma_start3A_122 = arith.constant 0 : i32
      %dma_start3A_123 = tpu.memref_slice %arg10[%add3A_109, %dma_start3A_122] : memref<10240x128xf32, #tpu.memory_space<vmem_shared>> -> memref<128x128xf32, #tpu.memory_space<vmem_shared>>
      tpu.enqueue_dma source(%dma_start3A_123 : memref<128x128xf32, #tpu.memory_space<vmem_shared>>) target(%dma_start3A_121 : memref<128x128xf32, #tpu.memory_space<hbm>>) target_semaphore(%run_scoped3A : memref<!tpu.dma_semaphore, #tpu.memory_space<semaphore_mem>>)
      %dma_wait3A_124 = arith.constant 0 : i32
      %dma_wait3A_125 = arith.constant 0 : i32
      %dma_wait3A_126 = tpu.memref_slice %arg5[%arg0, %dma_wait3A_124, %dma_wait3A_125] : memref<2x10240x128xf32, #tpu.memory_space<hbm>> -> memref<1x10240x128xf32, #tpu.memory_space<hbm>>
      %dma_wait3A_127 = tpu.memref_squeeze %dma_wait3A_126 : memref<1x10240x128xf32, #tpu.memory_space<hbm>> -> memref<10240x128xf32, #tpu.memory_space<hbm>>
      %dma_wait3A_128 = arith.constant 0 : i32
      %dma_wait3A_129 = tpu.memref_slice %dma_wait3A_127[%add3A_111, %dma_wait3A_128] : memref<10240x128xf32, #tpu.memory_space<hbm>> -> memref<128x128xf32, #tpu.memory_space<hbm>>
      %dma_wait3A_130 = arith.constant 0 : i32
      %dma_wait3A_131 = tpu.memref_slice %arg10[%add3A_109, %dma_wait3A_130] : memref<10240x128xf32, #tpu.memory_space<vmem_shared>> -> memref<128x128xf32, #tpu.memory_space<vmem_shared>>
      tpu.wait_dma2 semaphore(%run_scoped3A : memref<!tpu.dma_semaphore, #tpu.memory_space<semaphore_mem>>) src(%dma_wait3A_131 : memref<128x128xf32, #tpu.memory_space<vmem_shared>>) dst(%dma_wait3A_129 : memref<128x128xf32, #tpu.memory_space<hbm>>)
      tpu.yield
    }) : () -> ()
    %add3A_112 = arith.constant 512 : i32
    %add3A_113 = arith.addi %mul3A_38, %add3A_112 : i32
    %add3A_114 = arith.constant 512 : i32
    %add3A_115 = arith.addi %mul3A_38, %add3A_114 : i32
    "tpu.region"() ({
      %run_scoped3A = tpu.sem_alloc : memref<!tpu.dma_semaphore, #tpu.memory_space<semaphore_mem>>
      %dma_start3A_116 = arith.constant 0 : i32
      %dma_start3A_117 = arith.constant 0 : i32
      %dma_start3A_118 = tpu.memref_slice %arg5[%arg0, %dma_start3A_116, %dma_start3A_117] : memref<2x10240x128xf32, #tpu.memory_space<hbm>> -> memref<1x10240x128xf32, #tpu.memory_space<hbm>>
      %dma_start3A_119 = tpu.memref_squeeze %dma_start3A_118 : memref<1x10240x128xf32, #tpu.memory_space<hbm>> -> memref<10240x128xf32, #tpu.memory_space<hbm>>
      %dma_start3A_120 = arith.constant 0 : i32
      %dma_start3A_121 = tpu.memref_slice %dma_start3A_119[%add3A_115, %dma_start3A_120] : memref<10240x128xf32, #tpu.memory_space<hbm>> -> memref<128x128xf32, #tpu.memory_space<hbm>>
      %dma_start3A_122 = arith.constant 0 : i32
      %dma_start3A_123 = tpu.memref_slice %arg10[%add3A_113, %dma_start3A_122] : memref<10240x128xf32, #tpu.memory_space<vmem_shared>> -> memref<128x128xf32, #tpu.memory_space<vmem_shared>>
      tpu.enqueue_dma source(%dma_start3A_123 : memref<128x128xf32, #tpu.memory_space<vmem_shared>>) target(%dma_start3A_121 : memref<128x128xf32, #tpu.memory_space<hbm>>) target_semaphore(%run_scoped3A : memref<!tpu.dma_semaphore, #tpu.memory_space<semaphore_mem>>)
      %dma_wait3A_124 = arith.constant 0 : i32
      %dma_wait3A_125 = arith.constant 0 : i32
      %dma_wait3A_126 = tpu.memref_slice %arg5[%arg0, %dma_wait3A_124, %dma_wait3A_125] : memref<2x10240x128xf32, #tpu.memory_space<hbm>> -> memref<1x10240x128xf32, #tpu.memory_space<hbm>>
      %dma_wait3A_127 = tpu.memref_squeeze %dma_wait3A_126 : memref<1x10240x128xf32, #tpu.memory_space<hbm>> -> memref<10240x128xf32, #tpu.memory_space<hbm>>
      %dma_wait3A_128 = arith.constant 0 : i32
      %dma_wait3A_129 = tpu.memref_slice %dma_wait3A_127[%add3A_115, %dma_wait3A_128] : memref<10240x128xf32, #tpu.memory_space<hbm>> -> memref<128x128xf32, #tpu.memory_space<hbm>>
      %dma_wait3A_130 = arith.constant 0 : i32
      %dma_wait3A_131 = tpu.memref_slice %arg10[%add3A_113, %dma_wait3A_130] : memref<10240x128xf32, #tpu.memory_space<vmem_shared>> -> memref<128x128xf32, #tpu.memory_space<vmem_shared>>
      tpu.wait_dma2 semaphore(%run_scoped3A : memref<!tpu.dma_semaphore, #tpu.memory_space<semaphore_mem>>) src(%dma_wait3A_131 : memref<128x128xf32, #tpu.memory_space<vmem_shared>>) dst(%dma_wait3A_129 : memref<128x128xf32, #tpu.memory_space<hbm>>)
      tpu.yield
    }) : () -> ()
    return
  }
}

#map = affine_map<(d0, d1) -> (0, 0)>
#map1 = affine_map<(d0, d1) -> (0, 0, 0)>
module attributes {stable_mosaic.version = 14 : i64} {
  func.func @deg(%arg0: i32, %arg1: i32, %arg2: memref<2560x128xi32, #tpu.memory_space<hbm>>, %arg3: memref<5x128xi32, #tpu.memory_space<hbm>>, %arg4: memref<2x640x16xf32, #tpu.memory_space<hbm>>, %arg5: memref<80x128xi32, #tpu.memory_space<vmem>>, %arg6: memref<640x16xf32, #tpu.memory_space<vmem>>, %arg7: memref<5x128xi32, #tpu.memory_space<vmem>>, %arg8: memref<640x16xf32, #tpu.memory_space<vmem_shared>>) attributes {dimension_semantics = [#tpu.dimension_semantics<core_parallel>, #tpu.dimension_semantics<subcore_parallel>], iteration_bounds = array<i64: 2, 16>, scalar_prefetch = 0 : i64, scratch_operands = 4 : i64, tpu.core_type = #tpu.core_type<sc_vector_subcore>, window_params = [{transform_indices = #map}, {transform_indices = #map}, {transform_indices = #map1}]} {
    %mul3A = arith.constant 16 : i32
    %mul3A_0 = arith.muli %arg0, %mul3A : i32
    %add3A = arith.addi %mul3A_0, %arg1 : i32
    %mul3A_1 = arith.constant 80 : i32
    %mul3A_2 = arith.muli %add3A, %mul3A_1 : i32
    "tpu.region"() ({
      %run_scoped3A_28 = tpu.sem_alloc : memref<!tpu.dma_semaphore, #tpu.memory_space<semaphore_mem>>
      %dma_start3A = arith.constant 0 : i32
      %dma_start3A_29 = tpu.memref_slice %arg2[%mul3A_2, %dma_start3A] : memref<2560x128xi32, #tpu.memory_space<hbm>> -> memref<80x128xi32, #tpu.memory_space<hbm>>
      %dma_start3A_30 = arith.constant 0 : i32
      %dma_start3A_31 = tpu.memref_slice %arg2[%mul3A_2, %dma_start3A_30] : memref<2560x128xi32, #tpu.memory_space<hbm>> -> memref<80x128xi32, #tpu.memory_space<hbm>>
      tpu.enqueue_dma source(%dma_start3A_31 : memref<80x128xi32, #tpu.memory_space<hbm>>) target(%arg5 : memref<80x128xi32, #tpu.memory_space<vmem>>) target_semaphore(%run_scoped3A_28 : memref<!tpu.dma_semaphore, #tpu.memory_space<semaphore_mem>>)
      %dma_wait3A = arith.constant 0 : i32
      %dma_wait3A_32 = tpu.memref_slice %arg2[%mul3A_2, %dma_wait3A] : memref<2560x128xi32, #tpu.memory_space<hbm>> -> memref<80x128xi32, #tpu.memory_space<hbm>>
      %dma_wait3A_33 = arith.constant 0 : i32
      %dma_wait3A_34 = tpu.memref_slice %arg2[%mul3A_2, %dma_wait3A_33] : memref<2560x128xi32, #tpu.memory_space<hbm>> -> memref<80x128xi32, #tpu.memory_space<hbm>>
      tpu.wait_dma2 semaphore(%run_scoped3A_28 : memref<!tpu.dma_semaphore, #tpu.memory_space<semaphore_mem>>) src(%dma_wait3A_34 : memref<80x128xi32, #tpu.memory_space<hbm>>) dst(%arg5 : memref<80x128xi32, #tpu.memory_space<vmem>>)
      tpu.yield
    }) : () -> ()
    "tpu.region"() ({
      %run_scoped3A_28 = tpu.sem_alloc : memref<!tpu.dma_semaphore, #tpu.memory_space<semaphore_mem>>
      tpu.enqueue_dma source(%arg3 : memref<5x128xi32, #tpu.memory_space<hbm>>) target(%arg7 : memref<5x128xi32, #tpu.memory_space<vmem>>) target_semaphore(%run_scoped3A_28 : memref<!tpu.dma_semaphore, #tpu.memory_space<semaphore_mem>>)
      tpu.wait_dma2 semaphore(%run_scoped3A_28 : memref<!tpu.dma_semaphore, #tpu.memory_space<semaphore_mem>>) src(%arg3 : memref<5x128xi32, #tpu.memory_space<hbm>>) dst(%arg7 : memref<5x128xi32, #tpu.memory_space<vmem>>)
      tpu.yield
    }) : () -> ()
    %broadcast_in_dim3A = arith.constant 0.000000e+00 : f32
    %broadcast_in_dim3A_3 = vector.broadcast %broadcast_in_dim3A : f32 to vector<16xf32>
    %scan3A = arith.constant 0 : i32
    %scan3A_4 = arith.constant 640 : i32
    %scan3A_5 = arith.addi %scan3A, %scan3A_4 : i32
    %scan3A_6 = arith.constant 1 : i32
    scf.for %scan3A_28 = %scan3A to %scan3A_5 step %scan3A_6  : i32 {
      %mul3A_29 = arith.constant 1 : i32
      %mul3A_30 = arith.muli %scan3A_28, %mul3A_29 : i32
      %add3A_31 = arith.constant 0 : i32
      %add3A_32 = arith.addi %add3A_31, %mul3A_30 : i32
      %swap3A = arith.index_cast %add3A_32 : i32 to index
      %swap3A_33 = arith.constant 0 : index
      %swap3A_34 = tpu.vector_load %arg6[%swap3A, %swap3A_33] {strides = array<i32>} : memref<640x16xf32, #tpu.memory_space<vmem>>, vector<16xf32>,
      tpu.vector_store %arg6[%swap3A, %swap3A_33], %broadcast_in_dim3A_3 {strides = array<i32>} : memref<640x16xf32, #tpu.memory_space<vmem>>, vector<16xf32>,
    }
    %scan3A_7 = arith.constant 640 : i32
    %mul3A_8 = arith.constant 40 : i32
    %mul3A_9 = arith.muli %arg1, %mul3A_8 : i32
    %mul3A_10 = arith.constant 40 : i32
    %mul3A_11 = arith.muli %arg1, %mul3A_10 : i32
    "tpu.region"() ({
      %run_scoped3A_28 = tpu.sem_alloc : memref<!tpu.dma_semaphore, #tpu.memory_space<semaphore_mem>>
      %dma_start3A = arith.constant 0 : i32
      %dma_start3A_29 = tpu.memref_slice %arg6[%mul3A_9, %dma_start3A] : memref<640x16xf32, #tpu.memory_space<vmem>> -> memref<40x16xf32, #tpu.memory_space<vmem>>
      %dma_start3A_30 = arith.constant 0 : i32
      %dma_start3A_31 = tpu.memref_slice %arg8[%mul3A_11, %dma_start3A_30] : memref<640x16xf32, #tpu.memory_space<vmem_shared>> -> memref<40x16xf32, #tpu.memory_space<vmem_shared>>
      %dma_start3A_32 = arith.constant 0 : i32
      %dma_start3A_33 = tpu.memref_slice %arg8[%mul3A_11, %dma_start3A_32] : memref<640x16xf32, #tpu.memory_space<vmem_shared>> -> memref<40x16xf32, #tpu.memory_space<vmem_shared>>
      %dma_start3A_34 = arith.constant 0 : i32
      %dma_start3A_35 = tpu.memref_slice %arg6[%mul3A_9, %dma_start3A_34] : memref<640x16xf32, #tpu.memory_space<vmem>> -> memref<40x16xf32, #tpu.memory_space<vmem>>
      tpu.enqueue_dma source(%dma_start3A_35 : memref<40x16xf32, #tpu.memory_space<vmem>>) target(%dma_start3A_33 : memref<40x16xf32, #tpu.memory_space<vmem_shared>>) target_semaphore(%run_scoped3A_28 : memref<!tpu.dma_semaphore, #tpu.memory_space<semaphore_mem>>)
      %dma_wait3A = arith.constant 0 : i32
      %dma_wait3A_36 = tpu.memref_slice %arg6[%mul3A_9, %dma_wait3A] : memref<640x16xf32, #tpu.memory_space<vmem>> -> memref<40x16xf32, #tpu.memory_space<vmem>>
      %dma_wait3A_37 = arith.constant 0 : i32
      %dma_wait3A_38 = tpu.memref_slice %arg8[%mul3A_11, %dma_wait3A_37] : memref<640x16xf32, #tpu.memory_space<vmem_shared>> -> memref<40x16xf32, #tpu.memory_space<vmem_shared>>
      %dma_wait3A_39 = arith.constant 0 : i32
      %dma_wait3A_40 = tpu.memref_slice %arg8[%mul3A_11, %dma_wait3A_39] : memref<640x16xf32, #tpu.memory_space<vmem_shared>> -> memref<40x16xf32, #tpu.memory_space<vmem_shared>>
      %dma_wait3A_41 = arith.constant 0 : i32
      %dma_wait3A_42 = tpu.memref_slice %arg6[%mul3A_9, %dma_wait3A_41] : memref<640x16xf32, #tpu.memory_space<vmem>> -> memref<40x16xf32, #tpu.memory_space<vmem>>
      tpu.wait_dma2 semaphore(%run_scoped3A_28 : memref<!tpu.dma_semaphore, #tpu.memory_space<semaphore_mem>>) src(%dma_wait3A_42 : memref<40x16xf32, #tpu.memory_space<vmem>>) dst(%dma_wait3A_40 : memref<40x16xf32, #tpu.memory_space<vmem_shared>>)
      tpu.yield
    }) : () -> ()
    %broadcast_in_dim3A_12 = arith.constant 1.000000e+00 : f32
    %broadcast_in_dim3A_13 = vector.broadcast %broadcast_in_dim3A_12 : f32 to vector<16xf32>
    %scan3A_14 = arith.constant 0 : i32
    %scan3A_15 = arith.constant 80 : i32
    %scan3A_16 = arith.addi %scan3A_14, %scan3A_15 : i32
    %scan3A_17 = arith.constant 1 : i32
    scf.for %scan3A_28 = %scan3A_14 to %scan3A_16 step %scan3A_17  : i32 {
      %mul3A_29 = arith.constant 1 : i32
      %mul3A_30 = arith.muli %scan3A_28, %mul3A_29 : i32
      %add3A_31 = arith.constant 0 : i32
      %add3A_32 = arith.addi %add3A_31, %mul3A_30 : i32
      %get3A = arith.index_cast %add3A_32 : i32 to index
      %get3A_33 = arith.constant 0 : index
      %get3A_34 = tpu.vector_load %arg5[%get3A, %get3A_33] {strides = array<i32>} : memref<80x128xi32, #tpu.memory_space<vmem>>, vector<16xi32>,
      %shift_right_logical3A = arith.constant 4 : i32
      %shift_right_logical3A_35 = vector.broadcast %shift_right_logical3A : i32 to vector<16xi32>
      %shift_right_logical3A_36 = arith.shrui %get3A_34, %shift_right_logical3A_35 : vector<16xi32>
      %and3A = arith.constant 15 : i32
      %and3A_37 = vector.broadcast %and3A : i32 to vector<16xi32>
      %and3A_38 = arith.andi %get3A_34, %and3A_37 : vector<16xi32>
      tpu.vector_store_idx %arg6[%shift_right_logical3A_36, %and3A_38], %broadcast_in_dim3A_13 {add = true} : memref<640x16xf32, #tpu.memory_space<vmem>>[vector<16xi32>, vector<16xi32>], vector<16xf32>,
      %get3A_39 = arith.index_cast %add3A_32 : i32 to index
      %get3A_40 = arith.constant 16 : index
      %get3A_41 = tpu.vector_load %arg5[%get3A_39, %get3A_40] {strides = array<i32>} : memref<80x128xi32, #tpu.memory_space<vmem>>, vector<16xi32>,
      %shift_right_logical3A_42 = arith.constant 4 : i32
      %shift_right_logical3A_43 = vector.broadcast %shift_right_logical3A_42 : i32 to vector<16xi32>
      %shift_right_logical3A_44 = arith.shrui %get3A_41, %shift_right_logical3A_43 : vector<16xi32>
      %and3A_45 = arith.constant 15 : i32
      %and3A_46 = vector.broadcast %and3A_45 : i32 to vector<16xi32>
      %and3A_47 = arith.andi %get3A_41, %and3A_46 : vector<16xi32>
      tpu.vector_store_idx %arg6[%shift_right_logical3A_44, %and3A_47], %broadcast_in_dim3A_13 {add = true} : memref<640x16xf32, #tpu.memory_space<vmem>>[vector<16xi32>, vector<16xi32>], vector<16xf32>,
      %get3A_48 = arith.index_cast %add3A_32 : i32 to index
      %get3A_49 = arith.constant 32 : index
      %get3A_50 = tpu.vector_load %arg5[%get3A_48, %get3A_49] {strides = array<i32>} : memref<80x128xi32, #tpu.memory_space<vmem>>, vector<16xi32>,
      %shift_right_logical3A_51 = arith.constant 4 : i32
      %shift_right_logical3A_52 = vector.broadcast %shift_right_logical3A_51 : i32 to vector<16xi32>
      %shift_right_logical3A_53 = arith.shrui %get3A_50, %shift_right_logical3A_52 : vector<16xi32>
      %and3A_54 = arith.constant 15 : i32
      %and3A_55 = vector.broadcast %and3A_54 : i32 to vector<16xi32>
      %and3A_56 = arith.andi %get3A_50, %and3A_55 : vector<16xi32>
      tpu.vector_store_idx %arg6[%shift_right_logical3A_53, %and3A_56], %broadcast_in_dim3A_13 {add = true} : memref<640x16xf32, #tpu.memory_space<vmem>>[vector<16xi32>, vector<16xi32>], vector<16xf32>,
      %get3A_57 = arith.index_cast %add3A_32 : i32 to index
      %get3A_58 = arith.constant 48 : index
      %get3A_59 = tpu.vector_load %arg5[%get3A_57, %get3A_58] {strides = array<i32>} : memref<80x128xi32, #tpu.memory_space<vmem>>, vector<16xi32>,
      %shift_right_logical3A_60 = arith.constant 4 : i32
      %shift_right_logical3A_61 = vector.broadcast %shift_right_logical3A_60 : i32 to vector<16xi32>
      %shift_right_logical3A_62 = arith.shrui %get3A_59, %shift_right_logical3A_61 : vector<16xi32>
      %and3A_63 = arith.constant 15 : i32
      %and3A_64 = vector.broadcast %and3A_63 : i32 to vector<16xi32>
      %and3A_65 = arith.andi %get3A_59, %and3A_64 : vector<16xi32>
      tpu.vector_store_idx %arg6[%shift_right_logical3A_62, %and3A_65], %broadcast_in_dim3A_13 {add = true} : memref<640x16xf32, #tpu.memory_space<vmem>>[vector<16xi32>, vector<16xi32>], vector<16xf32>,
      %get3A_66 = arith.index_cast %add3A_32 : i32 to index
      %get3A_67 = arith.constant 64 : index
      %get3A_68 = tpu.vector_load %arg5[%get3A_66, %get3A_67] {strides = array<i32>} : memref<80x128xi32, #tpu.memory_space<vmem>>, vector<16xi32>,
      %shift_right_logical3A_69 = arith.constant 4 : i32
      %shift_right_logical3A_70 = vector.broadcast %shift_right_logical3A_69 : i32 to vector<16xi32>
      %shift_right_logical3A_71 = arith.shrui %get3A_68, %shift_right_logical3A_70 : vector<16xi32>
      %and3A_72 = arith.constant 15 : i32
      %and3A_73 = vector.broadcast %and3A_72 : i32 to vector<16xi32>
      %and3A_74 = arith.andi %get3A_68, %and3A_73 : vector<16xi32>
      tpu.vector_store_idx %arg6[%shift_right_logical3A_71, %and3A_74], %broadcast_in_dim3A_13 {add = true} : memref<640x16xf32, #tpu.memory_space<vmem>>[vector<16xi32>, vector<16xi32>], vector<16xf32>,
      %get3A_75 = arith.index_cast %add3A_32 : i32 to index
      %get3A_76 = arith.constant 80 : index
      %get3A_77 = tpu.vector_load %arg5[%get3A_75, %get3A_76] {strides = array<i32>} : memref<80x128xi32, #tpu.memory_space<vmem>>, vector<16xi32>,
      %shift_right_logical3A_78 = arith.constant 4 : i32
      %shift_right_logical3A_79 = vector.broadcast %shift_right_logical3A_78 : i32 to vector<16xi32>
      %shift_right_logical3A_80 = arith.shrui %get3A_77, %shift_right_logical3A_79 : vector<16xi32>
      %and3A_81 = arith.constant 15 : i32
      %and3A_82 = vector.broadcast %and3A_81 : i32 to vector<16xi32>
      %and3A_83 = arith.andi %get3A_77, %and3A_82 : vector<16xi32>
      tpu.vector_store_idx %arg6[%shift_right_logical3A_80, %and3A_83], %broadcast_in_dim3A_13 {add = true} : memref<640x16xf32, #tpu.memory_space<vmem>>[vector<16xi32>, vector<16xi32>], vector<16xf32>,
      %get3A_84 = arith.index_cast %add3A_32 : i32 to index
      %get3A_85 = arith.constant 96 : index
      %get3A_86 = tpu.vector_load %arg5[%get3A_84, %get3A_85] {strides = array<i32>} : memref<80x128xi32, #tpu.memory_space<vmem>>, vector<16xi32>,
      %shift_right_logical3A_87 = arith.constant 4 : i32
      %shift_right_logical3A_88 = vector.broadcast %shift_right_logical3A_87 : i32 to vector<16xi32>
      %shift_right_logical3A_89 = arith.shrui %get3A_86, %shift_right_logical3A_88 : vector<16xi32>
      %and3A_90 = arith.constant 15 : i32
      %and3A_91 = vector.broadcast %and3A_90 : i32 to vector<16xi32>
      %and3A_92 = arith.andi %get3A_86, %and3A_91 : vector<16xi32>
      tpu.vector_store_idx %arg6[%shift_right_logical3A_89, %and3A_92], %broadcast_in_dim3A_13 {add = true} : memref<640x16xf32, #tpu.memory_space<vmem>>[vector<16xi32>, vector<16xi32>], vector<16xf32>,
      %get3A_93 = arith.index_cast %add3A_32 : i32 to index
      %get3A_94 = arith.constant 112 : index
      %get3A_95 = tpu.vector_load %arg5[%get3A_93, %get3A_94] {strides = array<i32>} : memref<80x128xi32, #tpu.memory_space<vmem>>, vector<16xi32>,
      %shift_right_logical3A_96 = arith.constant 4 : i32
      %shift_right_logical3A_97 = vector.broadcast %shift_right_logical3A_96 : i32 to vector<16xi32>
      %shift_right_logical3A_98 = arith.shrui %get3A_95, %shift_right_logical3A_97 : vector<16xi32>
      %and3A_99 = arith.constant 15 : i32
      %and3A_100 = vector.broadcast %and3A_99 : i32 to vector<16xi32>
      %and3A_101 = arith.andi %get3A_95, %and3A_100 : vector<16xi32>
      tpu.vector_store_idx %arg6[%shift_right_logical3A_98, %and3A_101], %broadcast_in_dim3A_13 {add = true} : memref<640x16xf32, #tpu.memory_space<vmem>>[vector<16xi32>, vector<16xi32>], vector<16xf32>,
    }
    %scan3A_18 = arith.constant 80 : i32
    %barrier3A = arith.constant 0 : index
    tpu.barrier barrier_id(%barrier3A)
    %run_scoped3A = arith.constant 0 : i32
    "tpu.region"() ({
      %run_scoped3A_28 = tpu.sem_alloc : memref<!tpu.dma_semaphore, #tpu.memory_space<semaphore_mem>>
      %dma_start3A = arith.constant 0 : i32
      %dma_start3A_29 = arith.constant 0 : i32
      %dma_start3A_30 = tpu.memref_slice %arg6[%dma_start3A, %dma_start3A_29] : memref<640x16xf32, #tpu.memory_space<vmem>> -> memref<128x16xf32, #tpu.memory_space<vmem>>
      %dma_start3A_31 = arith.constant 0 : i32
      %dma_start3A_32 = tpu.memref_slice %arg7[%run_scoped3A, %dma_start3A_31] : memref<5x128xi32, #tpu.memory_space<vmem>> -> memref<1x128xi32, #tpu.memory_space<vmem>>
      %dma_start3A_33 = tpu.memref_squeeze %dma_start3A_32 : memref<1x128xi32, #tpu.memory_space<vmem>> -> memref<128xi32, #tpu.memory_space<vmem>>
      %dma_start3A_34 = arith.constant 0 : i32
      %dma_start3A_35 = arith.constant 0 : i32
      %dma_start3A_36 = tpu.memref_slice %arg8[%dma_start3A_34, %dma_start3A_35] : memref<640x16xf32, #tpu.memory_space<vmem_shared>> -> memref<640x16xf32, #tpu.memory_space<vmem_shared>>
      tpu.enqueue_indirect_dma source(%dma_start3A_30 : memref<128x16xf32, #tpu.memory_space<vmem>>) target(%dma_start3A_36 : memref<640x16xf32, #tpu.memory_space<vmem_shared>>) offsets(%dma_start3A_33 : memref<128xi32, #tpu.memory_space<vmem>>) semaphore(%run_scoped3A_28 : memref<!tpu.dma_semaphore, #tpu.memory_space<semaphore_mem>>) {add = true}
      %dma_wait3A = arith.constant 0 : i32
      %dma_wait3A_37 = arith.constant 0 : i32
      %dma_wait3A_38 = tpu.memref_slice %arg6[%dma_wait3A, %dma_wait3A_37] : memref<640x16xf32, #tpu.memory_space<vmem>> -> memref<128x16xf32, #tpu.memory_space<vmem>>
      %dma_wait3A_39 = arith.constant 0 : i32
      %dma_wait3A_40 = tpu.memref_slice %arg7[%run_scoped3A, %dma_wait3A_39] : memref<5x128xi32, #tpu.memory_space<vmem>> -> memref<1x128xi32, #tpu.memory_space<vmem>>
      %dma_wait3A_41 = tpu.memref_squeeze %dma_wait3A_40 : memref<1x128xi32, #tpu.memory_space<vmem>> -> memref<128xi32, #tpu.memory_space<vmem>>
      %dma_wait3A_42 = arith.constant 0 : i32
      %dma_wait3A_43 = arith.constant 0 : i32
      %dma_wait3A_44 = tpu.memref_slice %arg8[%dma_wait3A_42, %dma_wait3A_43] : memref<640x16xf32, #tpu.memory_space<vmem_shared>> -> memref<640x16xf32, #tpu.memory_space<vmem_shared>>
      tpu.wait_indirect_dma semaphore(%run_scoped3A_28 : memref<!tpu.dma_semaphore, #tpu.memory_space<semaphore_mem>>) src(%dma_wait3A_38 : memref<128x16xf32, #tpu.memory_space<vmem>>) dst(%dma_wait3A_44 : memref<640x16xf32, #tpu.memory_space<vmem_shared>>)
      tpu.yield
    }) : () -> ()
    %run_scoped3A_19 = arith.constant 1 : i32
    "tpu.region"() ({
      %run_scoped3A_28 = tpu.sem_alloc : memref<!tpu.dma_semaphore, #tpu.memory_space<semaphore_mem>>
      %dma_start3A = arith.constant 128 : i32
      %dma_start3A_29 = arith.constant 0 : i32
      %dma_start3A_30 = tpu.memref_slice %arg6[%dma_start3A, %dma_start3A_29] : memref<640x16xf32, #tpu.memory_space<vmem>> -> memref<128x16xf32, #tpu.memory_space<vmem>>
      %dma_start3A_31 = arith.constant 0 : i32
      %dma_start3A_32 = tpu.memref_slice %arg7[%run_scoped3A_19, %dma_start3A_31] : memref<5x128xi32, #tpu.memory_space<vmem>> -> memref<1x128xi32, #tpu.memory_space<vmem>>
      %dma_start3A_33 = tpu.memref_squeeze %dma_start3A_32 : memref<1x128xi32, #tpu.memory_space<vmem>> -> memref<128xi32, #tpu.memory_space<vmem>>
      %dma_start3A_34 = arith.constant 0 : i32
      %dma_start3A_35 = arith.constant 0 : i32
      %dma_start3A_36 = tpu.memref_slice %arg8[%dma_start3A_34, %dma_start3A_35] : memref<640x16xf32, #tpu.memory_space<vmem_shared>> -> memref<640x16xf32, #tpu.memory_space<vmem_shared>>
      tpu.enqueue_indirect_dma source(%dma_start3A_30 : memref<128x16xf32, #tpu.memory_space<vmem>>) target(%dma_start3A_36 : memref<640x16xf32, #tpu.memory_space<vmem_shared>>) offsets(%dma_start3A_33 : memref<128xi32, #tpu.memory_space<vmem>>) semaphore(%run_scoped3A_28 : memref<!tpu.dma_semaphore, #tpu.memory_space<semaphore_mem>>) {add = true}
      %dma_wait3A = arith.constant 128 : i32
      %dma_wait3A_37 = arith.constant 0 : i32
      %dma_wait3A_38 = tpu.memref_slice %arg6[%dma_wait3A, %dma_wait3A_37] : memref<640x16xf32, #tpu.memory_space<vmem>> -> memref<128x16xf32, #tpu.memory_space<vmem>>
      %dma_wait3A_39 = arith.constant 0 : i32
      %dma_wait3A_40 = tpu.memref_slice %arg7[%run_scoped3A_19, %dma_wait3A_39] : memref<5x128xi32, #tpu.memory_space<vmem>> -> memref<1x128xi32, #tpu.memory_space<vmem>>
      %dma_wait3A_41 = tpu.memref_squeeze %dma_wait3A_40 : memref<1x128xi32, #tpu.memory_space<vmem>> -> memref<128xi32, #tpu.memory_space<vmem>>
      %dma_wait3A_42 = arith.constant 0 : i32
      %dma_wait3A_43 = arith.constant 0 : i32
      %dma_wait3A_44 = tpu.memref_slice %arg8[%dma_wait3A_42, %dma_wait3A_43] : memref<640x16xf32, #tpu.memory_space<vmem_shared>> -> memref<640x16xf32, #tpu.memory_space<vmem_shared>>
      tpu.wait_indirect_dma semaphore(%run_scoped3A_28 : memref<!tpu.dma_semaphore, #tpu.memory_space<semaphore_mem>>) src(%dma_wait3A_38 : memref<128x16xf32, #tpu.memory_space<vmem>>) dst(%dma_wait3A_44 : memref<640x16xf32, #tpu.memory_space<vmem_shared>>)
      tpu.yield
    }) : () -> ()
    %run_scoped3A_20 = arith.constant 2 : i32
    "tpu.region"() ({
      %run_scoped3A_28 = tpu.sem_alloc : memref<!tpu.dma_semaphore, #tpu.memory_space<semaphore_mem>>
      %dma_start3A = arith.constant 256 : i32
      %dma_start3A_29 = arith.constant 0 : i32
      %dma_start3A_30 = tpu.memref_slice %arg6[%dma_start3A, %dma_start3A_29] : memref<640x16xf32, #tpu.memory_space<vmem>> -> memref<128x16xf32, #tpu.memory_space<vmem>>
      %dma_start3A_31 = arith.constant 0 : i32
      %dma_start3A_32 = tpu.memref_slice %arg7[%run_scoped3A_20, %dma_start3A_31] : memref<5x128xi32, #tpu.memory_space<vmem>> -> memref<1x128xi32, #tpu.memory_space<vmem>>
      %dma_start3A_33 = tpu.memref_squeeze %dma_start3A_32 : memref<1x128xi32, #tpu.memory_space<vmem>> -> memref<128xi32, #tpu.memory_space<vmem>>
      %dma_start3A_34 = arith.constant 0 : i32
      %dma_start3A_35 = arith.constant 0 : i32
      %dma_start3A_36 = tpu.memref_slice %arg8[%dma_start3A_34, %dma_start3A_35] : memref<640x16xf32, #tpu.memory_space<vmem_shared>> -> memref<640x16xf32, #tpu.memory_space<vmem_shared>>
      tpu.enqueue_indirect_dma source(%dma_start3A_30 : memref<128x16xf32, #tpu.memory_space<vmem>>) target(%dma_start3A_36 : memref<640x16xf32, #tpu.memory_space<vmem_shared>>) offsets(%dma_start3A_33 : memref<128xi32, #tpu.memory_space<vmem>>) semaphore(%run_scoped3A_28 : memref<!tpu.dma_semaphore, #tpu.memory_space<semaphore_mem>>) {add = true}
      %dma_wait3A = arith.constant 256 : i32
      %dma_wait3A_37 = arith.constant 0 : i32
      %dma_wait3A_38 = tpu.memref_slice %arg6[%dma_wait3A, %dma_wait3A_37] : memref<640x16xf32, #tpu.memory_space<vmem>> -> memref<128x16xf32, #tpu.memory_space<vmem>>
      %dma_wait3A_39 = arith.constant 0 : i32
      %dma_wait3A_40 = tpu.memref_slice %arg7[%run_scoped3A_20, %dma_wait3A_39] : memref<5x128xi32, #tpu.memory_space<vmem>> -> memref<1x128xi32, #tpu.memory_space<vmem>>
      %dma_wait3A_41 = tpu.memref_squeeze %dma_wait3A_40 : memref<1x128xi32, #tpu.memory_space<vmem>> -> memref<128xi32, #tpu.memory_space<vmem>>
      %dma_wait3A_42 = arith.constant 0 : i32
      %dma_wait3A_43 = arith.constant 0 : i32
      %dma_wait3A_44 = tpu.memref_slice %arg8[%dma_wait3A_42, %dma_wait3A_43] : memref<640x16xf32, #tpu.memory_space<vmem_shared>> -> memref<640x16xf32, #tpu.memory_space<vmem_shared>>
      tpu.wait_indirect_dma semaphore(%run_scoped3A_28 : memref<!tpu.dma_semaphore, #tpu.memory_space<semaphore_mem>>) src(%dma_wait3A_38 : memref<128x16xf32, #tpu.memory_space<vmem>>) dst(%dma_wait3A_44 : memref<640x16xf32, #tpu.memory_space<vmem_shared>>)
      tpu.yield
    }) : () -> ()
    %run_scoped3A_21 = arith.constant 3 : i32
    "tpu.region"() ({
      %run_scoped3A_28 = tpu.sem_alloc : memref<!tpu.dma_semaphore, #tpu.memory_space<semaphore_mem>>
      %dma_start3A = arith.constant 384 : i32
      %dma_start3A_29 = arith.constant 0 : i32
      %dma_start3A_30 = tpu.memref_slice %arg6[%dma_start3A, %dma_start3A_29] : memref<640x16xf32, #tpu.memory_space<vmem>> -> memref<128x16xf32, #tpu.memory_space<vmem>>
      %dma_start3A_31 = arith.constant 0 : i32
      %dma_start3A_32 = tpu.memref_slice %arg7[%run_scoped3A_21, %dma_start3A_31] : memref<5x128xi32, #tpu.memory_space<vmem>> -> memref<1x128xi32, #tpu.memory_space<vmem>>
      %dma_start3A_33 = tpu.memref_squeeze %dma_start3A_32 : memref<1x128xi32, #tpu.memory_space<vmem>> -> memref<128xi32, #tpu.memory_space<vmem>>
      %dma_start3A_34 = arith.constant 0 : i32
      %dma_start3A_35 = arith.constant 0 : i32
      %dma_start3A_36 = tpu.memref_slice %arg8[%dma_start3A_34, %dma_start3A_35] : memref<640x16xf32, #tpu.memory_space<vmem_shared>> -> memref<640x16xf32, #tpu.memory_space<vmem_shared>>
      tpu.enqueue_indirect_dma source(%dma_start3A_30 : memref<128x16xf32, #tpu.memory_space<vmem>>) target(%dma_start3A_36 : memref<640x16xf32, #tpu.memory_space<vmem_shared>>) offsets(%dma_start3A_33 : memref<128xi32, #tpu.memory_space<vmem>>) semaphore(%run_scoped3A_28 : memref<!tpu.dma_semaphore, #tpu.memory_space<semaphore_mem>>) {add = true}
      %dma_wait3A = arith.constant 384 : i32
      %dma_wait3A_37 = arith.constant 0 : i32
      %dma_wait3A_38 = tpu.memref_slice %arg6[%dma_wait3A, %dma_wait3A_37] : memref<640x16xf32, #tpu.memory_space<vmem>> -> memref<128x16xf32, #tpu.memory_space<vmem>>
      %dma_wait3A_39 = arith.constant 0 : i32
      %dma_wait3A_40 = tpu.memref_slice %arg7[%run_scoped3A_21, %dma_wait3A_39] : memref<5x128xi32, #tpu.memory_space<vmem>> -> memref<1x128xi32, #tpu.memory_space<vmem>>
      %dma_wait3A_41 = tpu.memref_squeeze %dma_wait3A_40 : memref<1x128xi32, #tpu.memory_space<vmem>> -> memref<128xi32, #tpu.memory_space<vmem>>
      %dma_wait3A_42 = arith.constant 0 : i32
      %dma_wait3A_43 = arith.constant 0 : i32
      %dma_wait3A_44 = tpu.memref_slice %arg8[%dma_wait3A_42, %dma_wait3A_43] : memref<640x16xf32, #tpu.memory_space<vmem_shared>> -> memref<640x16xf32, #tpu.memory_space<vmem_shared>>
      tpu.wait_indirect_dma semaphore(%run_scoped3A_28 : memref<!tpu.dma_semaphore, #tpu.memory_space<semaphore_mem>>) src(%dma_wait3A_38 : memref<128x16xf32, #tpu.memory_space<vmem>>) dst(%dma_wait3A_44 : memref<640x16xf32, #tpu.memory_space<vmem_shared>>)
      tpu.yield
    }) : () -> ()
    %run_scoped3A_22 = arith.constant 4 : i32
    "tpu.region"() ({
      %run_scoped3A_28 = tpu.sem_alloc : memref<!tpu.dma_semaphore, #tpu.memory_space<semaphore_mem>>
      %dma_start3A = arith.constant 512 : i32
      %dma_start3A_29 = arith.constant 0 : i32
      %dma_start3A_30 = tpu.memref_slice %arg6[%dma_start3A, %dma_start3A_29] : memref<640x16xf32, #tpu.memory_space<vmem>> -> memref<128x16xf32, #tpu.memory_space<vmem>>
      %dma_start3A_31 = arith.constant 0 : i32
      %dma_start3A_32 = tpu.memref_slice %arg7[%run_scoped3A_22, %dma_start3A_31] : memref<5x128xi32, #tpu.memory_space<vmem>> -> memref<1x128xi32, #tpu.memory_space<vmem>>
      %dma_start3A_33 = tpu.memref_squeeze %dma_start3A_32 : memref<1x128xi32, #tpu.memory_space<vmem>> -> memref<128xi32, #tpu.memory_space<vmem>>
      %dma_start3A_34 = arith.constant 0 : i32
      %dma_start3A_35 = arith.constant 0 : i32
      %dma_start3A_36 = tpu.memref_slice %arg8[%dma_start3A_34, %dma_start3A_35] : memref<640x16xf32, #tpu.memory_space<vmem_shared>> -> memref<640x16xf32, #tpu.memory_space<vmem_shared>>
      tpu.enqueue_indirect_dma source(%dma_start3A_30 : memref<128x16xf32, #tpu.memory_space<vmem>>) target(%dma_start3A_36 : memref<640x16xf32, #tpu.memory_space<vmem_shared>>) offsets(%dma_start3A_33 : memref<128xi32, #tpu.memory_space<vmem>>) semaphore(%run_scoped3A_28 : memref<!tpu.dma_semaphore, #tpu.memory_space<semaphore_mem>>) {add = true}
      %dma_wait3A = arith.constant 512 : i32
      %dma_wait3A_37 = arith.constant 0 : i32
      %dma_wait3A_38 = tpu.memref_slice %arg6[%dma_wait3A, %dma_wait3A_37] : memref<640x16xf32, #tpu.memory_space<vmem>> -> memref<128x16xf32, #tpu.memory_space<vmem>>
      %dma_wait3A_39 = arith.constant 0 : i32
      %dma_wait3A_40 = tpu.memref_slice %arg7[%run_scoped3A_22, %dma_wait3A_39] : memref<5x128xi32, #tpu.memory_space<vmem>> -> memref<1x128xi32, #tpu.memory_space<vmem>>
      %dma_wait3A_41 = tpu.memref_squeeze %dma_wait3A_40 : memref<1x128xi32, #tpu.memory_space<vmem>> -> memref<128xi32, #tpu.memory_space<vmem>>
      %dma_wait3A_42 = arith.constant 0 : i32
      %dma_wait3A_43 = arith.constant 0 : i32
      %dma_wait3A_44 = tpu.memref_slice %arg8[%dma_wait3A_42, %dma_wait3A_43] : memref<640x16xf32, #tpu.memory_space<vmem_shared>> -> memref<640x16xf32, #tpu.memory_space<vmem_shared>>
      tpu.wait_indirect_dma semaphore(%run_scoped3A_28 : memref<!tpu.dma_semaphore, #tpu.memory_space<semaphore_mem>>) src(%dma_wait3A_38 : memref<128x16xf32, #tpu.memory_space<vmem>>) dst(%dma_wait3A_44 : memref<640x16xf32, #tpu.memory_space<vmem_shared>>)
      tpu.yield
    }) : () -> ()
    %barrier3A_23 = arith.constant 0 : index
    tpu.barrier barrier_id(%barrier3A_23)
    %mul3A_24 = arith.constant 40 : i32
    %mul3A_25 = arith.muli %arg1, %mul3A_24 : i32
    %mul3A_26 = arith.constant 40 : i32
    %mul3A_27 = arith.muli %arg1, %mul3A_26 : i32
    "tpu.region"() ({
      %run_scoped3A_28 = tpu.sem_alloc : memref<!tpu.dma_semaphore, #tpu.memory_space<semaphore_mem>>
      %dma_start3A = arith.constant 0 : i32
      %dma_start3A_29 = arith.constant 0 : i32
      %dma_start3A_30 = tpu.memref_slice %arg4[%arg0, %dma_start3A, %dma_start3A_29] : memref<2x640x16xf32, #tpu.memory_space<hbm>> -> memref<1x640x16xf32, #tpu.memory_space<hbm>>
      %dma_start3A_31 = tpu.memref_squeeze %dma_start3A_30 : memref<1x640x16xf32, #tpu.memory_space<hbm>> -> memref<640x16xf32, #tpu.memory_space<hbm>>
      %dma_start3A_32 = arith.constant 0 : i32
      %dma_start3A_33 = tpu.memref_slice %dma_start3A_31[%mul3A_27, %dma_start3A_32] : memref<640x16xf32, #tpu.memory_space<hbm>> -> memref<40x16xf32, #tpu.memory_space<hbm>>
      %dma_start3A_34 = arith.constant 0 : i32
      %dma_start3A_35 = tpu.memref_slice %arg8[%mul3A_25, %dma_start3A_34] : memref<640x16xf32, #tpu.memory_space<vmem_shared>> -> memref<40x16xf32, #tpu.memory_space<vmem_shared>>
      tpu.enqueue_dma source(%dma_start3A_35 : memref<40x16xf32, #tpu.memory_space<vmem_shared>>) target(%dma_start3A_33 : memref<40x16xf32, #tpu.memory_space<hbm>>) target_semaphore(%run_scoped3A_28 : memref<!tpu.dma_semaphore, #tpu.memory_space<semaphore_mem>>)
      %dma_wait3A = arith.constant 0 : i32
      %dma_wait3A_36 = arith.constant 0 : i32
      %dma_wait3A_37 = tpu.memref_slice %arg4[%arg0, %dma_wait3A, %dma_wait3A_36] : memref<2x640x16xf32, #tpu.memory_space<hbm>> -> memref<1x640x16xf32, #tpu.memory_space<hbm>>
      %dma_wait3A_38 = tpu.memref_squeeze %dma_wait3A_37 : memref<1x640x16xf32, #tpu.memory_space<hbm>> -> memref<640x16xf32, #tpu.memory_space<hbm>>
      %dma_wait3A_39 = arith.constant 0 : i32
      %dma_wait3A_40 = tpu.memref_slice %dma_wait3A_38[%mul3A_27, %dma_wait3A_39] : memref<640x16xf32, #tpu.memory_space<hbm>> -> memref<40x16xf32, #tpu.memory_space<hbm>>
      %dma_wait3A_41 = arith.constant 0 : i32
      %dma_wait3A_42 = tpu.memref_slice %arg8[%mul3A_25, %dma_wait3A_41] : memref<640x16xf32, #tpu.memory_space<vmem_shared>> -> memref<40x16xf32, #tpu.memory_space<vmem_shared>>
      tpu.wait_dma2 semaphore(%run_scoped3A_28 : memref<!tpu.dma_semaphore, #tpu.memory_space<semaphore_mem>>) src(%dma_wait3A_42 : memref<40x16xf32, #tpu.memory_space<vmem_shared>>) dst(%dma_wait3A_40 : memref<40x16xf32, #tpu.memory_space<hbm>>)
      tpu.yield
    }) : () -> ()
    return
  }
}

#map = affine_map<(d0, d1) -> (0, 0)>
#map1 = affine_map<(d0, d1) -> (0, 0, 0)>
module attributes {stable_mosaic.version = 14 : i64} {
  func.func @agg(%arg0: i32, %arg1: i32, %arg2: memref<10000x128xf32, #tpu.memory_space<hbm>>, %arg3: memref<2560x128xi32, #tpu.memory_space<hbm>>, %arg4: memref<2560x128xi32, #tpu.memory_space<hbm>>, %arg5: memref<2x10240x128xf32, #tpu.memory_space<hbm>>, %arg6: memref<2x16x128xi32, #tpu.memory_space<vmem>>, %arg7: memref<2x16x128xi32, #tpu.memory_space<vmem>>, %arg8: memref<128x128xf32, #tpu.memory_space<vmem>>, %arg9: memref<128x128xf32, #tpu.memory_space<vmem>>, %arg10: memref<10240x128xf32, #tpu.memory_space<vmem_shared>>, %arg11: memref<!tpu.dma_semaphore, #tpu.memory_space<semaphore_mem>>, %arg12: memref<!tpu.dma_semaphore, #tpu.memory_space<semaphore_mem>>, %arg13: memref<!tpu.dma_semaphore, #tpu.memory_space<semaphore_mem>>, %arg14: memref<!tpu.dma_semaphore, #tpu.memory_space<semaphore_mem>>, %arg15: memref<!tpu.dma_semaphore, #tpu.memory_space<semaphore_mem>>, %arg16: memref<!tpu.dma_semaphore, #tpu.memory_space<semaphore_mem>>) attributes {dimension_semantics = [#tpu.dimension_semantics<core_parallel>, #tpu.dimension_semantics<subcore_parallel>], iteration_bounds = array<i64: 2, 16>, scalar_prefetch = 0 : i64, scratch_operands = 11 : i64, tpu.core_type = #tpu.core_type<sc_vector_subcore>, window_params = [{transform_indices = #map}, {transform_indices = #map}, {transform_indices = #map}, {transform_indices = #map1}]} {
    %mul3A = arith.constant 16 : i32
    %mul3A_0 = arith.muli %arg0, %mul3A : i32
    %add3A = arith.addi %mul3A_0, %arg1 : i32
    %mul3A_1 = arith.constant 80 : i32
    %mul3A_2 = arith.muli %add3A, %mul3A_1 : i32
    %add3A_3 = arith.constant 0 : i32
    %add3A_4 = arith.addi %mul3A_2, %add3A_3 : i32
    %add3A_5 = arith.constant 0 : i32
    %add3A_6 = arith.addi %mul3A_2, %add3A_5 : i32
    %dma_start3A = arith.constant 0 : i32
    %dma_start3A_7 = arith.constant 0 : i32
    %dma_start3A_8 = arith.constant 0 : i32
    %dma_start3A_9 = tpu.memref_slice %arg6[%dma_start3A, %dma_start3A_7, %dma_start3A_8] : memref<2x16x128xi32, #tpu.memory_space<vmem>> -> memref<1x16x128xi32, #tpu.memory_space<vmem>>
    %dma_start3A_10 = tpu.memref_squeeze %dma_start3A_9 : memref<1x16x128xi32, #tpu.memory_space<vmem>> -> memref<16x128xi32, #tpu.memory_space<vmem>>
    %dma_start3A_11 = arith.constant 0 : i32
    %dma_start3A_12 = tpu.memref_slice %arg3[%add3A_4, %dma_start3A_11] : memref<2560x128xi32, #tpu.memory_space<hbm>> -> memref<16x128xi32, #tpu.memory_space<hbm>>
    %dma_start3A_13 = arith.constant 0 : i32
    %dma_start3A_14 = arith.constant 0 : i32
    %dma_start3A_15 = tpu.memref_slice %arg6[%dma_start3A, %dma_start3A_13, %dma_start3A_14] : memref<2x16x128xi32, #tpu.memory_space<vmem>> -> memref<1x16x128xi32, #tpu.memory_space<vmem>>
    %dma_start3A_16 = tpu.memref_squeeze %dma_start3A_15 : memref<1x16x128xi32, #tpu.memory_space<vmem>> -> memref<16x128xi32, #tpu.memory_space<vmem>>
    %dma_start3A_17 = arith.constant 0 : i32
    %dma_start3A_18 = tpu.memref_slice %arg3[%add3A_4, %dma_start3A_17] : memref<2560x128xi32, #tpu.memory_space<hbm>> -> memref<16x128xi32, #tpu.memory_space<hbm>>
    tpu.enqueue_dma source(%dma_start3A_18 : memref<16x128xi32, #tpu.memory_space<hbm>>) target(%dma_start3A_16 : memref<16x128xi32, #tpu.memory_space<vmem>>) target_semaphore(%arg15 : memref<!tpu.dma_semaphore, #tpu.memory_space<semaphore_mem>>)
    %dma_start3A_19 = arith.constant 0 : i32
    %dma_start3A_20 = arith.constant 0 : i32
    %dma_start3A_21 = arith.constant 0 : i32
    %dma_start3A_22 = tpu.memref_slice %arg7[%dma_start3A_19, %dma_start3A_20, %dma_start3A_21] : memref<2x16x128xi32, #tpu.memory_space<vmem>> -> memref<1x16x128xi32, #tpu.memory_space<vmem>>
    %dma_start3A_23 = tpu.memref_squeeze %dma_start3A_22 : memref<1x16x128xi32, #tpu.memory_space<vmem>> -> memref<16x128xi32, #tpu.memory_space<vmem>>
    %dma_start3A_24 = arith.constant 0 : i32
    %dma_start3A_25 = tpu.memref_slice %arg4[%add3A_6, %dma_start3A_24] : memref<2560x128xi32, #tpu.memory_space<hbm>> -> memref<16x128xi32, #tpu.memory_space<hbm>>
    %dma_start3A_26 = arith.constant 0 : i32
    %dma_start3A_27 = arith.constant 0 : i32
    %dma_start3A_28 = tpu.memref_slice %arg7[%dma_start3A_19, %dma_start3A_26, %dma_start3A_27] : memref<2x16x128xi32, #tpu.memory_space<vmem>> -> memref<1x16x128xi32, #tpu.memory_space<vmem>>
    %dma_start3A_29 = tpu.memref_squeeze %dma_start3A_28 : memref<1x16x128xi32, #tpu.memory_space<vmem>> -> memref<16x128xi32, #tpu.memory_space<vmem>>
    %dma_start3A_30 = arith.constant 0 : i32
    %dma_start3A_31 = tpu.memref_slice %arg4[%add3A_6, %dma_start3A_30] : memref<2560x128xi32, #tpu.memory_space<hbm>> -> memref<16x128xi32, #tpu.memory_space<hbm>>
    tpu.enqueue_dma source(%dma_start3A_31 : memref<16x128xi32, #tpu.memory_space<hbm>>) target(%dma_start3A_29 : memref<16x128xi32, #tpu.memory_space<vmem>>) target_semaphore(%arg16 : memref<!tpu.dma_semaphore, #tpu.memory_space<semaphore_mem>>)
    %broadcast_in_dim3A = arith.constant 0.000000e+00 : f32
    %broadcast_in_dim3A_32 = vector.broadcast %broadcast_in_dim3A : f32 to vector<16xf32>
    %scan3A = arith.constant 0 : i32
    %scan3A_33 = arith.constant 128 : i32
    %scan3A_34 = arith.addi %scan3A, %scan3A_33 : i32
    %scan3A_35 = arith.constant 1 : i32
    scf.for %scan3A_116 = %scan3A to %scan3A_34 step %scan3A_35  : i32 {
      %mul3A_117 = arith.constant 1 : i32
      %mul3A_118 = arith.muli %scan3A_116, %mul3A_117 : i32
      %add3A_119 = arith.constant 0 : i32
      %add3A_120 = arith.addi %add3A_119, %mul3A_118 : i32
      %swap3A = arith.index_cast %add3A_120 : i32 to index
      %swap3A_121 = arith.constant 0 : index
      %swap3A_122 = tpu.vector_load %arg8[%swap3A, %swap3A_121] {strides = array<i32>} : memref<128x128xf32, #tpu.memory_space<vmem>>, vector<1x16xf32>,
      %swap3A_123 = vector.shape_cast %swap3A_122 : vector<1x16xf32> to vector<16xf32>
      %swap3A_124 = vector.shape_cast %broadcast_in_dim3A_32 : vector<16xf32> to vector<1x16xf32>
      tpu.vector_store %arg8[%swap3A, %swap3A_121], %swap3A_124 {strides = array<i32>} : memref<128x128xf32, #tpu.memory_space<vmem>>, vector<1x16xf32>,
      %swap3A_125 = arith.index_cast %add3A_120 : i32 to index
      %swap3A_126 = arith.constant 16 : index
      %swap3A_127 = tpu.vector_load %arg8[%swap3A_125, %swap3A_126] {strides = array<i32>} : memref<128x128xf32, #tpu.memory_space<vmem>>, vector<1x16xf32>,
      %swap3A_128 = vector.shape_cast %swap3A_127 : vector<1x16xf32> to vector<16xf32>
      %swap3A_129 = vector.shape_cast %broadcast_in_dim3A_32 : vector<16xf32> to vector<1x16xf32>
      tpu.vector_store %arg8[%swap3A_125, %swap3A_126], %swap3A_129 {strides = array<i32>} : memref<128x128xf32, #tpu.memory_space<vmem>>, vector<1x16xf32>,
      %swap3A_130 = arith.index_cast %add3A_120 : i32 to index
      %swap3A_131 = arith.constant 32 : index
      %swap3A_132 = tpu.vector_load %arg8[%swap3A_130, %swap3A_131] {strides = array<i32>} : memref<128x128xf32, #tpu.memory_space<vmem>>, vector<1x16xf32>,
      %swap3A_133 = vector.shape_cast %swap3A_132 : vector<1x16xf32> to vector<16xf32>
      %swap3A_134 = vector.shape_cast %broadcast_in_dim3A_32 : vector<16xf32> to vector<1x16xf32>
      tpu.vector_store %arg8[%swap3A_130, %swap3A_131], %swap3A_134 {strides = array<i32>} : memref<128x128xf32, #tpu.memory_space<vmem>>, vector<1x16xf32>,
      %swap3A_135 = arith.index_cast %add3A_120 : i32 to index
      %swap3A_136 = arith.constant 48 : index
      %swap3A_137 = tpu.vector_load %arg8[%swap3A_135, %swap3A_136] {strides = array<i32>} : memref<128x128xf32, #tpu.memory_space<vmem>>, vector<1x16xf32>,
      %swap3A_138 = vector.shape_cast %swap3A_137 : vector<1x16xf32> to vector<16xf32>
      %swap3A_139 = vector.shape_cast %broadcast_in_dim3A_32 : vector<16xf32> to vector<1x16xf32>
      tpu.vector_store %arg8[%swap3A_135, %swap3A_136], %swap3A_139 {strides = array<i32>} : memref<128x128xf32, #tpu.memory_space<vmem>>, vector<1x16xf32>,
      %swap3A_140 = arith.index_cast %add3A_120 : i32 to index
      %swap3A_141 = arith.constant 64 : index
      %swap3A_142 = tpu.vector_load %arg8[%swap3A_140, %swap3A_141] {strides = array<i32>} : memref<128x128xf32, #tpu.memory_space<vmem>>, vector<1x16xf32>,
      %swap3A_143 = vector.shape_cast %swap3A_142 : vector<1x16xf32> to vector<16xf32>
      %swap3A_144 = vector.shape_cast %broadcast_in_dim3A_32 : vector<16xf32> to vector<1x16xf32>
      tpu.vector_store %arg8[%swap3A_140, %swap3A_141], %swap3A_144 {strides = array<i32>} : memref<128x128xf32, #tpu.memory_space<vmem>>, vector<1x16xf32>,
      %swap3A_145 = arith.index_cast %add3A_120 : i32 to index
      %swap3A_146 = arith.constant 80 : index
      %swap3A_147 = tpu.vector_load %arg8[%swap3A_145, %swap3A_146] {strides = array<i32>} : memref<128x128xf32, #tpu.memory_space<vmem>>, vector<1x16xf32>,
      %swap3A_148 = vector.shape_cast %swap3A_147 : vector<1x16xf32> to vector<16xf32>
      %swap3A_149 = vector.shape_cast %broadcast_in_dim3A_32 : vector<16xf32> to vector<1x16xf32>
      tpu.vector_store %arg8[%swap3A_145, %swap3A_146], %swap3A_149 {strides = array<i32>} : memref<128x128xf32, #tpu.memory_space<vmem>>, vector<1x16xf32>,
      %swap3A_150 = arith.index_cast %add3A_120 : i32 to index
      %swap3A_151 = arith.constant 96 : index
      %swap3A_152 = tpu.vector_load %arg8[%swap3A_150, %swap3A_151] {strides = array<i32>} : memref<128x128xf32, #tpu.memory_space<vmem>>, vector<1x16xf32>,
      %swap3A_153 = vector.shape_cast %swap3A_152 : vector<1x16xf32> to vector<16xf32>
      %swap3A_154 = vector.shape_cast %broadcast_in_dim3A_32 : vector<16xf32> to vector<1x16xf32>
      tpu.vector_store %arg8[%swap3A_150, %swap3A_151], %swap3A_154 {strides = array<i32>} : memref<128x128xf32, #tpu.memory_space<vmem>>, vector<1x16xf32>,
      %swap3A_155 = arith.index_cast %add3A_120 : i32 to index
      %swap3A_156 = arith.constant 112 : index
      %swap3A_157 = tpu.vector_load %arg8[%swap3A_155, %swap3A_156] {strides = array<i32>} : memref<128x128xf32, #tpu.memory_space<vmem>>, vector<1x16xf32>,
      %swap3A_158 = vector.shape_cast %swap3A_157 : vector<1x16xf32> to vector<16xf32>
      %swap3A_159 = vector.shape_cast %broadcast_in_dim3A_32 : vector<16xf32> to vector<1x16xf32>
      tpu.vector_store %arg8[%swap3A_155, %swap3A_156], %swap3A_159 {strides = array<i32>} : memref<128x128xf32, #tpu.memory_space<vmem>>, vector<1x16xf32>,
    }
    %scan3A_36 = arith.constant 128 : i32
    %mul3A_37 = arith.constant 640 : i32
    %mul3A_38 = arith.muli %arg1, %mul3A_37 : i32
    %add3A_39 = arith.constant 0 : i32
    %add3A_40 = arith.addi %mul3A_38, %add3A_39 : i32
    "tpu.region"() ({
      %run_scoped3A = tpu.sem_alloc : memref<!tpu.dma_semaphore, #tpu.memory_space<semaphore_mem>>
      %dma_start3A_116 = arith.constant 0 : i32
      %dma_start3A_117 = tpu.memref_slice %arg10[%add3A_40, %dma_start3A_116] : memref<10240x128xf32, #tpu.memory_space<vmem_shared>> -> memref<128x128xf32, #tpu.memory_space<vmem_shared>>
      %dma_start3A_118 = arith.constant 0 : i32
      %dma_start3A_119 = tpu.memref_slice %arg10[%add3A_40, %dma_start3A_118] : memref<10240x128xf32, #tpu.memory_space<vmem_shared>> -> memref<128x128xf32, #tpu.memory_space<vmem_shared>>
      tpu.enqueue_dma source(%arg8 : memref<128x128xf32, #tpu.memory_space<vmem>>) target(%dma_start3A_119 : memref<128x128xf32, #tpu.memory_space<vmem_shared>>) target_semaphore(%run_scoped3A : memref<!tpu.dma_semaphore, #tpu.memory_space<semaphore_mem>>)
      %dma_wait3A_120 = arith.constant 0 : i32
      %dma_wait3A_121 = tpu.memref_slice %arg10[%add3A_40, %dma_wait3A_120] : memref<10240x128xf32, #tpu.memory_space<vmem_shared>> -> memref<128x128xf32, #tpu.memory_space<vmem_shared>>
      %dma_wait3A_122 = arith.constant 0 : i32
      %dma_wait3A_123 = tpu.memref_slice %arg10[%add3A_40, %dma_wait3A_122] : memref<10240x128xf32, #tpu.memory_space<vmem_shared>> -> memref<128x128xf32, #tpu.memory_space<vmem_shared>>
      tpu.wait_dma2 semaphore(%run_scoped3A : memref<!tpu.dma_semaphore, #tpu.memory_space<semaphore_mem>>) src(%arg8 : memref<128x128xf32, #tpu.memory_space<vmem>>) dst(%dma_wait3A_123 : memref<128x128xf32, #tpu.memory_space<vmem_shared>>)
      tpu.yield
    }) : () -> ()
    %add3A_41 = arith.constant 128 : i32
    %add3A_42 = arith.addi %mul3A_38, %add3A_41 : i32
    "tpu.region"() ({
      %run_scoped3A = tpu.sem_alloc : memref<!tpu.dma_semaphore, #tpu.memory_space<semaphore_mem>>
      %dma_start3A_116 = arith.constant 0 : i32
      %dma_start3A_117 = tpu.memref_slice %arg10[%add3A_42, %dma_start3A_116] : memref<10240x128xf32, #tpu.memory_space<vmem_shared>> -> memref<128x128xf32, #tpu.memory_space<vmem_shared>>
      %dma_start3A_118 = arith.constant 0 : i32
      %dma_start3A_119 = tpu.memref_slice %arg10[%add3A_42, %dma_start3A_118] : memref<10240x128xf32, #tpu.memory_space<vmem_shared>> -> memref<128x128xf32, #tpu.memory_space<vmem_shared>>
      tpu.enqueue_dma source(%arg8 : memref<128x128xf32, #tpu.memory_space<vmem>>) target(%dma_start3A_119 : memref<128x128xf32, #tpu.memory_space<vmem_shared>>) target_semaphore(%run_scoped3A : memref<!tpu.dma_semaphore, #tpu.memory_space<semaphore_mem>>)
      %dma_wait3A_120 = arith.constant 0 : i32
      %dma_wait3A_121 = tpu.memref_slice %arg10[%add3A_42, %dma_wait3A_120] : memref<10240x128xf32, #tpu.memory_space<vmem_shared>> -> memref<128x128xf32, #tpu.memory_space<vmem_shared>>
      %dma_wait3A_122 = arith.constant 0 : i32
      %dma_wait3A_123 = tpu.memref_slice %arg10[%add3A_42, %dma_wait3A_122] : memref<10240x128xf32, #tpu.memory_space<vmem_shared>> -> memref<128x128xf32, #tpu.memory_space<vmem_shared>>
      tpu.wait_dma2 semaphore(%run_scoped3A : memref<!tpu.dma_semaphore, #tpu.memory_space<semaphore_mem>>) src(%arg8 : memref<128x128xf32, #tpu.memory_space<vmem>>) dst(%dma_wait3A_123 : memref<128x128xf32, #tpu.memory_space<vmem_shared>>)
      tpu.yield
    }) : () -> ()
    %add3A_43 = arith.constant 256 : i32
    %add3A_44 = arith.addi %mul3A_38, %add3A_43 : i32
    "tpu.region"() ({
      %run_scoped3A = tpu.sem_alloc : memref<!tpu.dma_semaphore, #tpu.memory_space<semaphore_mem>>
      %dma_start3A_116 = arith.constant 0 : i32
      %dma_start3A_117 = tpu.memref_slice %arg10[%add3A_44, %dma_start3A_116] : memref<10240x128xf32, #tpu.memory_space<vmem_shared>> -> memref<128x128xf32, #tpu.memory_space<vmem_shared>>
      %dma_start3A_118 = arith.constant 0 : i32
      %dma_start3A_119 = tpu.memref_slice %arg10[%add3A_44, %dma_start3A_118] : memref<10240x128xf32, #tpu.memory_space<vmem_shared>> -> memref<128x128xf32, #tpu.memory_space<vmem_shared>>
      tpu.enqueue_dma source(%arg8 : memref<128x128xf32, #tpu.memory_space<vmem>>) target(%dma_start3A_119 : memref<128x128xf32, #tpu.memory_space<vmem_shared>>) target_semaphore(%run_scoped3A : memref<!tpu.dma_semaphore, #tpu.memory_space<semaphore_mem>>)
      %dma_wait3A_120 = arith.constant 0 : i32
      %dma_wait3A_121 = tpu.memref_slice %arg10[%add3A_44, %dma_wait3A_120] : memref<10240x128xf32, #tpu.memory_space<vmem_shared>> -> memref<128x128xf32, #tpu.memory_space<vmem_shared>>
      %dma_wait3A_122 = arith.constant 0 : i32
      %dma_wait3A_123 = tpu.memref_slice %arg10[%add3A_44, %dma_wait3A_122] : memref<10240x128xf32, #tpu.memory_space<vmem_shared>> -> memref<128x128xf32, #tpu.memory_space<vmem_shared>>
      tpu.wait_dma2 semaphore(%run_scoped3A : memref<!tpu.dma_semaphore, #tpu.memory_space<semaphore_mem>>) src(%arg8 : memref<128x128xf32, #tpu.memory_space<vmem>>) dst(%dma_wait3A_123 : memref<128x128xf32, #tpu.memory_space<vmem_shared>>)
      tpu.yield
    }) : () -> ()
    %add3A_45 = arith.constant 384 : i32
    %add3A_46 = arith.addi %mul3A_38, %add3A_45 : i32
    "tpu.region"() ({
      %run_scoped3A = tpu.sem_alloc : memref<!tpu.dma_semaphore, #tpu.memory_space<semaphore_mem>>
      %dma_start3A_116 = arith.constant 0 : i32
      %dma_start3A_117 = tpu.memref_slice %arg10[%add3A_46, %dma_start3A_116] : memref<10240x128xf32, #tpu.memory_space<vmem_shared>> -> memref<128x128xf32, #tpu.memory_space<vmem_shared>>
      %dma_start3A_118 = arith.constant 0 : i32
      %dma_start3A_119 = tpu.memref_slice %arg10[%add3A_46, %dma_start3A_118] : memref<10240x128xf32, #tpu.memory_space<vmem_shared>> -> memref<128x128xf32, #tpu.memory_space<vmem_shared>>
      tpu.enqueue_dma source(%arg8 : memref<128x128xf32, #tpu.memory_space<vmem>>) target(%dma_start3A_119 : memref<128x128xf32, #tpu.memory_space<vmem_shared>>) target_semaphore(%run_scoped3A : memref<!tpu.dma_semaphore, #tpu.memory_space<semaphore_mem>>)
      %dma_wait3A_120 = arith.constant 0 : i32
      %dma_wait3A_121 = tpu.memref_slice %arg10[%add3A_46, %dma_wait3A_120] : memref<10240x128xf32, #tpu.memory_space<vmem_shared>> -> memref<128x128xf32, #tpu.memory_space<vmem_shared>>
      %dma_wait3A_122 = arith.constant 0 : i32
      %dma_wait3A_123 = tpu.memref_slice %arg10[%add3A_46, %dma_wait3A_122] : memref<10240x128xf32, #tpu.memory_space<vmem_shared>> -> memref<128x128xf32, #tpu.memory_space<vmem_shared>>
      tpu.wait_dma2 semaphore(%run_scoped3A : memref<!tpu.dma_semaphore, #tpu.memory_space<semaphore_mem>>) src(%arg8 : memref<128x128xf32, #tpu.memory_space<vmem>>) dst(%dma_wait3A_123 : memref<128x128xf32, #tpu.memory_space<vmem_shared>>)
      tpu.yield
    }) : () -> ()
    %add3A_47 = arith.constant 512 : i32
    %add3A_48 = arith.addi %mul3A_38, %add3A_47 : i32
    "tpu.region"() ({
      %run_scoped3A = tpu.sem_alloc : memref<!tpu.dma_semaphore, #tpu.memory_space<semaphore_mem>>
      %dma_start3A_116 = arith.constant 0 : i32
      %dma_start3A_117 = tpu.memref_slice %arg10[%add3A_48, %dma_start3A_116] : memref<10240x128xf32, #tpu.memory_space<vmem_shared>> -> memref<128x128xf32, #tpu.memory_space<vmem_shared>>
      %dma_start3A_118 = arith.constant 0 : i32
      %dma_start3A_119 = tpu.memref_slice %arg10[%add3A_48, %dma_start3A_118] : memref<10240x128xf32, #tpu.memory_space<vmem_shared>> -> memref<128x128xf32, #tpu.memory_space<vmem_shared>>
      tpu.enqueue_dma source(%arg8 : memref<128x128xf32, #tpu.memory_space<vmem>>) target(%dma_start3A_119 : memref<128x128xf32, #tpu.memory_space<vmem_shared>>) target_semaphore(%run_scoped3A : memref<!tpu.dma_semaphore, #tpu.memory_space<semaphore_mem>>)
      %dma_wait3A_120 = arith.constant 0 : i32
      %dma_wait3A_121 = tpu.memref_slice %arg10[%add3A_48, %dma_wait3A_120] : memref<10240x128xf32, #tpu.memory_space<vmem_shared>> -> memref<128x128xf32, #tpu.memory_space<vmem_shared>>
      %dma_wait3A_122 = arith.constant 0 : i32
      %dma_wait3A_123 = tpu.memref_slice %arg10[%add3A_48, %dma_wait3A_122] : memref<10240x128xf32, #tpu.memory_space<vmem_shared>> -> memref<128x128xf32, #tpu.memory_space<vmem_shared>>
      tpu.wait_dma2 semaphore(%run_scoped3A : memref<!tpu.dma_semaphore, #tpu.memory_space<semaphore_mem>>) src(%arg8 : memref<128x128xf32, #tpu.memory_space<vmem>>) dst(%dma_wait3A_123 : memref<128x128xf32, #tpu.memory_space<vmem_shared>>)
      tpu.yield
    }) : () -> ()
    %barrier3A = arith.constant 0 : index
    tpu.barrier barrier_id(%barrier3A)
    %add3A_49 = arith.constant 0 : i32
    %add3A_50 = arith.addi %mul3A_2, %add3A_49 : i32
    %add3A_51 = arith.constant 0 : i32
    %add3A_52 = arith.addi %mul3A_2, %add3A_51 : i32
    %dma_wait3A = arith.constant 0 : i32
    %dma_wait3A_53 = arith.constant 0 : i32
    %dma_wait3A_54 = arith.constant 0 : i32
    %dma_wait3A_55 = tpu.memref_slice %arg6[%dma_wait3A, %dma_wait3A_53, %dma_wait3A_54] : memref<2x16x128xi32, #tpu.memory_space<vmem>> -> memref<1x16x128xi32, #tpu.memory_space<vmem>>
    %dma_wait3A_56 = tpu.memref_squeeze %dma_wait3A_55 : memref<1x16x128xi32, #tpu.memory_space<vmem>> -> memref<16x128xi32, #tpu.memory_space<vmem>>
    %dma_wait3A_57 = arith.constant 0 : i32
    %dma_wait3A_58 = tpu.memref_slice %arg3[%add3A_50, %dma_wait3A_57] : memref<2560x128xi32, #tpu.memory_space<hbm>> -> memref<16x128xi32, #tpu.memory_space<hbm>>
    %dma_wait3A_59 = arith.constant 0 : i32
    %dma_wait3A_60 = arith.constant 0 : i32
    %dma_wait3A_61 = tpu.memref_slice %arg6[%dma_wait3A, %dma_wait3A_59, %dma_wait3A_60] : memref<2x16x128xi32, #tpu.memory_space<vmem>> -> memref<1x16x128xi32, #tpu.memory_space<vmem>>
    %dma_wait3A_62 = tpu.memref_squeeze %dma_wait3A_61 : memref<1x16x128xi32, #tpu.memory_space<vmem>> -> memref<16x128xi32, #tpu.memory_space<vmem>>
    %dma_wait3A_63 = arith.constant 0 : i32
    %dma_wait3A_64 = tpu.memref_slice %arg3[%add3A_50, %dma_wait3A_63] : memref<2560x128xi32, #tpu.memory_space<hbm>> -> memref<16x128xi32, #tpu.memory_space<hbm>>
    tpu.wait_dma2 semaphore(%arg15 : memref<!tpu.dma_semaphore, #tpu.memory_space<semaphore_mem>>) src(%dma_wait3A_64 : memref<16x128xi32, #tpu.memory_space<hbm>>) dst(%dma_wait3A_62 : memref<16x128xi32, #tpu.memory_space<vmem>>)
    %dma_wait3A_65 = arith.constant 0 : i32
    %dma_wait3A_66 = arith.constant 0 : i32
    %dma_wait3A_67 = arith.constant 0 : i32
    %dma_wait3A_68 = tpu.memref_slice %arg7[%dma_wait3A_65, %dma_wait3A_66, %dma_wait3A_67] : memref<2x16x128xi32, #tpu.memory_space<vmem>> -> memref<1x16x128xi32, #tpu.memory_space<vmem>>
    %dma_wait3A_69 = tpu.memref_squeeze %dma_wait3A_68 : memref<1x16x128xi32, #tpu.memory_space<vmem>> -> memref<16x128xi32, #tpu.memory_space<vmem>>
    %dma_wait3A_70 = arith.constant 0 : i32
    %dma_wait3A_71 = tpu.memref_slice %arg4[%add3A_52, %dma_wait3A_70] : memref<2560x128xi32, #tpu.memory_space<hbm>> -> memref<16x128xi32, #tpu.memory_space<hbm>>
    %dma_wait3A_72 = arith.constant 0 : i32
    %dma_wait3A_73 = arith.constant 0 : i32
    %dma_wait3A_74 = tpu.memref_slice %arg7[%dma_wait3A_65, %dma_wait3A_72, %dma_wait3A_73] : memref<2x16x128xi32, #tpu.memory_space<vmem>> -> memref<1x16x128xi32, #tpu.memory_space<vmem>>
    %dma_wait3A_75 = tpu.memref_squeeze %dma_wait3A_74 : memref<1x16x128xi32, #tpu.memory_space<vmem>> -> memref<16x128xi32, #tpu.memory_space<vmem>>
    %dma_wait3A_76 = arith.constant 0 : i32
    %dma_wait3A_77 = tpu.memref_slice %arg4[%add3A_52, %dma_wait3A_76] : memref<2560x128xi32, #tpu.memory_space<hbm>> -> memref<16x128xi32, #tpu.memory_space<hbm>>
    tpu.wait_dma2 semaphore(%arg16 : memref<!tpu.dma_semaphore, #tpu.memory_space<semaphore_mem>>) src(%dma_wait3A_77 : memref<16x128xi32, #tpu.memory_space<hbm>>) dst(%dma_wait3A_75 : memref<16x128xi32, #tpu.memory_space<vmem>>)
    %dma_start3A_78 = arith.constant 0 : i32
    %dma_start3A_79 = arith.constant 0 : i32
    %dma_start3A_80 = arith.constant 0 : i32
    %dma_start3A_81 = arith.constant 0 : i32
    %dma_start3A_82 = tpu.memref_slice %arg6[%dma_start3A_78, %dma_start3A_80, %dma_start3A_81] : memref<2x16x128xi32, #tpu.memory_space<vmem>> -> memref<1x16x128xi32, #tpu.memory_space<vmem>>
    %dma_start3A_83 = tpu.memref_squeeze %dma_start3A_82 : memref<1x16x128xi32, #tpu.memory_space<vmem>> -> memref<16x128xi32, #tpu.memory_space<vmem>>
    %dma_start3A_84 = arith.constant 0 : i32
    %dma_start3A_85 = tpu.memref_slice %dma_start3A_83[%dma_start3A_79, %dma_start3A_84] : memref<16x128xi32, #tpu.memory_space<vmem>> -> memref<1x128xi32, #tpu.memory_space<vmem>>
    %dma_start3A_86 = tpu.memref_squeeze %dma_start3A_85 : memref<1x128xi32, #tpu.memory_space<vmem>> -> memref<128xi32, #tpu.memory_space<vmem>>
    %dma_start3A_87 = arith.constant 0 : i32
    %dma_start3A_88 = arith.constant 0 : i32
    %dma_start3A_89 = tpu.memref_slice %arg10[%dma_start3A_87, %dma_start3A_88] : memref<10240x128xf32, #tpu.memory_space<vmem_shared>> -> memref<10240x128xf32, #tpu.memory_space<vmem_shared>>
    tpu.enqueue_indirect_dma source(%dma_start3A_89 : memref<10240x128xf32, #tpu.memory_space<vmem_shared>>) target(%arg8 : memref<128x128xf32, #tpu.memory_space<vmem>>) offsets(%dma_start3A_86 : memref<128xi32, #tpu.memory_space<vmem>>) semaphore(%arg11 : memref<!tpu.dma_semaphore, #tpu.memory_space<semaphore_mem>>)
    %scan3A_90 = arith.constant 0 : i32
    %scan3A_91 = arith.constant 5 : i32
    %scan3A_92 = arith.addi %scan3A_90, %scan3A_91 : i32
    %scan3A_93 = arith.constant 1 : i32
    scf.for %scan3A_116 = %scan3A_90 to %scan3A_92 step %scan3A_93  : i32 {
      %mul3A_117 = arith.constant 1 : i32
      %mul3A_118 = arith.muli %scan3A_116, %mul3A_117 : i32
      %add3A_119 = arith.constant 0 : i32
      %add3A_120 = arith.addi %add3A_119, %mul3A_118 : i32
      %rem3A = arith.constant 2 : i32
      %rem3A_121 = arith.remsi %add3A_120, %rem3A : i32
      %sub3A = arith.constant 1 : i32
      %sub3A_122 = arith.subi %sub3A, %rem3A_121 : i32
      %add3A_123 = arith.constant 1 : i32
      %add3A_124 = arith.addi %add3A_120, %add3A_123 : i32
      %lt3A = arith.constant 5 : i32
      %lt3A_125 = arith.cmpi slt, %add3A_124, %lt3A : i32
      %convert_element_type3A = arith.extui %lt3A_125 : i1 to i32
      %cond3A = arith.constant 0 : i32
      %cond3A_126 = arith.cmpi ne, %convert_element_type3A, %cond3A : i32
      scf.if %cond3A_126 {
        %add3A_172 = arith.constant 1 : i32
        %add3A_173 = arith.addi %add3A_120, %add3A_172 : i32
        %mul3A_174 = arith.constant 16 : i32
        %mul3A_175 = arith.muli %add3A_173, %mul3A_174 : i32
        %add3A_176 = arith.addi %mul3A_2, %mul3A_175 : i32
        %mul3A_177 = arith.constant 16 : i32
        %mul3A_178 = arith.muli %add3A_173, %mul3A_177 : i32
        %add3A_179 = arith.addi %mul3A_2, %mul3A_178 : i32
        %dma_start3A_180 = arith.constant 0 : i32
        %dma_start3A_181 = arith.constant 0 : i32
        %dma_start3A_182 = tpu.memref_slice %arg6[%sub3A_122, %dma_start3A_180, %dma_start3A_181] : memref<2x16x128xi32, #tpu.memory_space<vmem>> -> memref<1x16x128xi32, #tpu.memory_space<vmem>>
        %dma_start3A_183 = tpu.memref_squeeze %dma_start3A_182 : memref<1x16x128xi32, #tpu.memory_space<vmem>> -> memref<16x128xi32, #tpu.memory_space<vmem>>
        %dma_start3A_184 = arith.constant 0 : i32
        %dma_start3A_185 = tpu.memref_slice %arg3[%add3A_176, %dma_start3A_184] : memref<2560x128xi32, #tpu.memory_space<hbm>> -> memref<16x128xi32, #tpu.memory_space<hbm>>
        %dma_start3A_186 = arith.constant 0 : i32
        %dma_start3A_187 = arith.constant 0 : i32
        %dma_start3A_188 = tpu.memref_slice %arg6[%sub3A_122, %dma_start3A_186, %dma_start3A_187] : memref<2x16x128xi32, #tpu.memory_space<vmem>> -> memref<1x16x128xi32, #tpu.memory_space<vmem>>
        %dma_start3A_189 = tpu.memref_squeeze %dma_start3A_188 : memref<1x16x128xi32, #tpu.memory_space<vmem>> -> memref<16x128xi32, #tpu.memory_space<vmem>>
        %dma_start3A_190 = arith.constant 0 : i32
        %dma_start3A_191 = tpu.memref_slice %arg3[%add3A_176, %dma_start3A_190] : memref<2560x128xi32, #tpu.memory_space<hbm>> -> memref<16x128xi32, #tpu.memory_space<hbm>>
        tpu.enqueue_dma source(%dma_start3A_191 : memref<16x128xi32, #tpu.memory_space<hbm>>) target(%dma_start3A_189 : memref<16x128xi32, #tpu.memory_space<vmem>>) target_semaphore(%arg15 : memref<!tpu.dma_semaphore, #tpu.memory_space<semaphore_mem>>)
        %dma_start3A_192 = arith.constant 0 : i32
        %dma_start3A_193 = arith.constant 0 : i32
        %dma_start3A_194 = tpu.memref_slice %arg7[%sub3A_122, %dma_start3A_192, %dma_start3A_193] : memref<2x16x128xi32, #tpu.memory_space<vmem>> -> memref<1x16x128xi32, #tpu.memory_space<vmem>>
        %dma_start3A_195 = tpu.memref_squeeze %dma_start3A_194 : memref<1x16x128xi32, #tpu.memory_space<vmem>> -> memref<16x128xi32, #tpu.memory_space<vmem>>
        %dma_start3A_196 = arith.constant 0 : i32
        %dma_start3A_197 = tpu.memref_slice %arg4[%add3A_179, %dma_start3A_196] : memref<2560x128xi32, #tpu.memory_space<hbm>> -> memref<16x128xi32, #tpu.memory_space<hbm>>
        %dma_start3A_198 = arith.constant 0 : i32
        %dma_start3A_199 = arith.constant 0 : i32
        %dma_start3A_200 = tpu.memref_slice %arg7[%sub3A_122, %dma_start3A_198, %dma_start3A_199] : memref<2x16x128xi32, #tpu.memory_space<vmem>> -> memref<1x16x128xi32, #tpu.memory_space<vmem>>
        %dma_start3A_201 = tpu.memref_squeeze %dma_start3A_200 : memref<1x16x128xi32, #tpu.memory_space<vmem>> -> memref<16x128xi32, #tpu.memory_space<vmem>>
        %dma_start3A_202 = arith.constant 0 : i32
        %dma_start3A_203 = tpu.memref_slice %arg4[%add3A_179, %dma_start3A_202] : memref<2560x128xi32, #tpu.memory_space<hbm>> -> memref<16x128xi32, #tpu.memory_space<hbm>>
        tpu.enqueue_dma source(%dma_start3A_203 : memref<16x128xi32, #tpu.memory_space<hbm>>) target(%dma_start3A_201 : memref<16x128xi32, #tpu.memory_space<vmem>>) target_semaphore(%arg16 : memref<!tpu.dma_semaphore, #tpu.memory_space<semaphore_mem>>)
      } else {
      }
      %scan3A_127 = arith.constant 0 : i32
      %scan3A_128 = arith.constant 7 : i32
      %scan3A_129 = arith.addi %scan3A_127, %scan3A_128 : i32
      %scan3A_130 = arith.constant 1 : i32
      scf.for %scan3A_172 = %scan3A_127 to %scan3A_129 step %scan3A_130  : i32 {
        %mul3A_173 = arith.constant 1 : i32
        %mul3A_174 = arith.muli %scan3A_172, %mul3A_173 : i32
        %add3A_175 = arith.constant 0 : i32
        %add3A_176 = arith.addi %add3A_175, %mul3A_174 : i32
        %mul3A_177 = arith.constant 2 : i32
        %mul3A_178 = arith.muli %add3A_176, %mul3A_177 : i32
        %dma_wait3A_179 = arith.constant 0 : i32
        %dma_wait3A_180 = arith.constant 0 : i32
        %dma_wait3A_181 = tpu.memref_slice %arg6[%rem3A_121, %dma_wait3A_179, %dma_wait3A_180] : memref<2x16x128xi32, #tpu.memory_space<vmem>> -> memref<1x16x128xi32, #tpu.memory_space<vmem>>
        %dma_wait3A_182 = tpu.memref_squeeze %dma_wait3A_181 : memref<1x16x128xi32, #tpu.memory_space<vmem>> -> memref<16x128xi32, #tpu.memory_space<vmem>>
        %dma_wait3A_183 = arith.constant 0 : i32
        %dma_wait3A_184 = tpu.memref_slice %dma_wait3A_182[%mul3A_178, %dma_wait3A_183] : memref<16x128xi32, #tpu.memory_space<vmem>> -> memref<1x128xi32, #tpu.memory_space<vmem>>
        %dma_wait3A_185 = tpu.memref_squeeze %dma_wait3A_184 : memref<1x128xi32, #tpu.memory_space<vmem>> -> memref<128xi32, #tpu.memory_space<vmem>>
        %dma_wait3A_186 = arith.constant 0 : i32
        %dma_wait3A_187 = arith.constant 0 : i32
        %dma_wait3A_188 = tpu.memref_slice %arg10[%dma_wait3A_186, %dma_wait3A_187] : memref<10240x128xf32, #tpu.memory_space<vmem_shared>> -> memref<10240x128xf32, #tpu.memory_space<vmem_shared>>
        tpu.wait_indirect_dma semaphore(%arg11 : memref<!tpu.dma_semaphore, #tpu.memory_space<semaphore_mem>>) src(%dma_wait3A_188 : memref<10240x128xf32, #tpu.memory_space<vmem_shared>>) dst(%arg8 : memref<128x128xf32, #tpu.memory_space<vmem>>)
        %add3A_189 = arith.constant 1 : i32
        %add3A_190 = arith.addi %mul3A_178, %add3A_189 : i32
        %dma_start3A_191 = arith.constant 0 : i32
        %dma_start3A_192 = arith.constant 0 : i32
        %dma_start3A_193 = tpu.memref_slice %arg6[%rem3A_121, %dma_start3A_191, %dma_start3A_192] : memref<2x16x128xi32, #tpu.memory_space<vmem>> -> memref<1x16x128xi32, #tpu.memory_space<vmem>>
        %dma_start3A_194 = tpu.memref_squeeze %dma_start3A_193 : memref<1x16x128xi32, #tpu.memory_space<vmem>> -> memref<16x128xi32, #tpu.memory_space<vmem>>
        %dma_start3A_195 = arith.constant 0 : i32
        %dma_start3A_196 = tpu.memref_slice %dma_start3A_194[%add3A_190, %dma_start3A_195] : memref<16x128xi32, #tpu.memory_space<vmem>> -> memref<1x128xi32, #tpu.memory_space<vmem>>
        %dma_start3A_197 = tpu.memref_squeeze %dma_start3A_196 : memref<1x128xi32, #tpu.memory_space<vmem>> -> memref<128xi32, #tpu.memory_space<vmem>>
        %dma_start3A_198 = arith.constant 0 : i32
        %dma_start3A_199 = arith.constant 0 : i32
        %dma_start3A_200 = tpu.memref_slice %arg10[%dma_start3A_198, %dma_start3A_199] : memref<10240x128xf32, #tpu.memory_space<vmem_shared>> -> memref<10240x128xf32, #tpu.memory_space<vmem_shared>>
        tpu.enqueue_indirect_dma source(%dma_start3A_200 : memref<10240x128xf32, #tpu.memory_space<vmem_shared>>) target(%arg9 : memref<128x128xf32, #tpu.memory_space<vmem>>) offsets(%dma_start3A_197 : memref<128xi32, #tpu.memory_space<vmem>>) semaphore(%arg12 : memref<!tpu.dma_semaphore, #tpu.memory_space<semaphore_mem>>)
        %add3A_201 = arith.constant 1 : i32
        %add3A_202 = arith.addi %mul3A_178, %add3A_201 : i32
        %dma_wait3A_203 = arith.constant 0 : i32
        %dma_wait3A_204 = arith.constant 0 : i32
        %dma_wait3A_205 = tpu.memref_slice %arg6[%rem3A_121, %dma_wait3A_203, %dma_wait3A_204] : memref<2x16x128xi32, #tpu.memory_space<vmem>> -> memref<1x16x128xi32, #tpu.memory_space<vmem>>
        %dma_wait3A_206 = tpu.memref_squeeze %dma_wait3A_205 : memref<1x16x128xi32, #tpu.memory_space<vmem>> -> memref<16x128xi32, #tpu.memory_space<vmem>>
        %dma_wait3A_207 = arith.constant 0 : i32
        %dma_wait3A_208 = tpu.memref_slice %dma_wait3A_206[%add3A_202, %dma_wait3A_207] : memref<16x128xi32, #tpu.memory_space<vmem>> -> memref<1x128xi32, #tpu.memory_space<vmem>>
        %dma_wait3A_209 = tpu.memref_squeeze %dma_wait3A_208 : memref<1x128xi32, #tpu.memory_space<vmem>> -> memref<128xi32, #tpu.memory_space<vmem>>
        %dma_wait3A_210 = arith.constant 0 : i32
        %dma_wait3A_211 = arith.constant 0 : i32
        %dma_wait3A_212 = tpu.memref_slice %arg10[%dma_wait3A_210, %dma_wait3A_211] : memref<10240x128xf32, #tpu.memory_space<vmem_shared>> -> memref<10240x128xf32, #tpu.memory_space<vmem_shared>>
        tpu.wait_indirect_dma semaphore(%arg12 : memref<!tpu.dma_semaphore, #tpu.memory_space<semaphore_mem>>) src(%dma_wait3A_212 : memref<10240x128xf32, #tpu.memory_space<vmem_shared>>) dst(%arg9 : memref<128x128xf32, #tpu.memory_space<vmem>>)
        %add3A_213 = arith.constant 2 : i32
        %add3A_214 = arith.addi %mul3A_178, %add3A_213 : i32
        %dma_start3A_215 = arith.constant 0 : i32
        %dma_start3A_216 = arith.constant 0 : i32
        %dma_start3A_217 = tpu.memref_slice %arg6[%rem3A_121, %dma_start3A_215, %dma_start3A_216] : memref<2x16x128xi32, #tpu.memory_space<vmem>> -> memref<1x16x128xi32, #tpu.memory_space<vmem>>
        %dma_start3A_218 = tpu.memref_squeeze %dma_start3A_217 : memref<1x16x128xi32, #tpu.memory_space<vmem>> -> memref<16x128xi32, #tpu.memory_space<vmem>>
        %dma_start3A_219 = arith.constant 0 : i32
        %dma_start3A_220 = tpu.memref_slice %dma_start3A_218[%add3A_214, %dma_start3A_219] : memref<16x128xi32, #tpu.memory_space<vmem>> -> memref<1x128xi32, #tpu.memory_space<vmem>>
        %dma_start3A_221 = tpu.memref_squeeze %dma_start3A_220 : memref<1x128xi32, #tpu.memory_space<vmem>> -> memref<128xi32, #tpu.memory_space<vmem>>
        %dma_start3A_222 = arith.constant 0 : i32
        %dma_start3A_223 = arith.constant 0 : i32
        %dma_start3A_224 = tpu.memref_slice %arg10[%dma_start3A_222, %dma_start3A_223] : memref<10240x128xf32, #tpu.memory_space<vmem_shared>> -> memref<10240x128xf32, #tpu.memory_space<vmem_shared>>
        tpu.enqueue_indirect_dma source(%dma_start3A_224 : memref<10240x128xf32, #tpu.memory_space<vmem_shared>>) target(%arg8 : memref<128x128xf32, #tpu.memory_space<vmem>>) offsets(%dma_start3A_221 : memref<128xi32, #tpu.memory_space<vmem>>) semaphore(%arg11 : memref<!tpu.dma_semaphore, #tpu.memory_space<semaphore_mem>>)
        %add3A_225 = arith.constant 1 : i32
        %add3A_226 = arith.addi %mul3A_178, %add3A_225 : i32
      }
      %scan3A_131 = arith.constant 7 : i32
      %dma_wait3A_132 = arith.constant 14 : i32
      %dma_wait3A_133 = arith.constant 0 : i32
      %dma_wait3A_134 = arith.constant 0 : i32
      %dma_wait3A_135 = tpu.memref_slice %arg6[%rem3A_121, %dma_wait3A_133, %dma_wait3A_134] : memref<2x16x128xi32, #tpu.memory_space<vmem>> -> memref<1x16x128xi32, #tpu.memory_space<vmem>>
      %dma_wait3A_136 = tpu.memref_squeeze %dma_wait3A_135 : memref<1x16x128xi32, #tpu.memory_space<vmem>> -> memref<16x128xi32, #tpu.memory_space<vmem>>
      %dma_wait3A_137 = arith.constant 0 : i32
      %dma_wait3A_138 = tpu.memref_slice %dma_wait3A_136[%dma_wait3A_132, %dma_wait3A_137] : memref<16x128xi32, #tpu.memory_space<vmem>> -> memref<1x128xi32, #tpu.memory_space<vmem>>
      %dma_wait3A_139 = tpu.memref_squeeze %dma_wait3A_138 : memref<1x128xi32, #tpu.memory_space<vmem>> -> memref<128xi32, #tpu.memory_space<vmem>>
      %dma_wait3A_140 = arith.constant 0 : i32
      %dma_wait3A_141 = arith.constant 0 : i32
      %dma_wait3A_142 = tpu.memref_slice %arg10[%dma_wait3A_140, %dma_wait3A_141] : memref<10240x128xf32, #tpu.memory_space<vmem_shared>> -> memref<10240x128xf32, #tpu.memory_space<vmem_shared>>
      tpu.wait_indirect_dma semaphore(%arg11 : memref<!tpu.dma_semaphore, #tpu.memory_space<semaphore_mem>>) src(%dma_wait3A_142 : memref<10240x128xf32, #tpu.memory_space<vmem_shared>>) dst(%arg8 : memref<128x128xf32, #tpu.memory_space<vmem>>)
      %dma_start3A_143 = arith.constant 15 : i32
      %dma_start3A_144 = arith.constant 0 : i32
      %dma_start3A_145 = arith.constant 0 : i32
      %dma_start3A_146 = tpu.memref_slice %arg6[%rem3A_121, %dma_start3A_144, %dma_start3A_145] : memref<2x16x128xi32, #tpu.memory_space<vmem>> -> memref<1x16x128xi32, #tpu.memory_space<vmem>>
      %dma_start3A_147 = tpu.memref_squeeze %dma_start3A_146 : memref<1x16x128xi32, #tpu.memory_space<vmem>> -> memref<16x128xi32, #tpu.memory_space<vmem>>
      %dma_start3A_148 = arith.constant 0 : i32
      %dma_start3A_149 = tpu.memref_slice %dma_start3A_147[%dma_start3A_143, %dma_start3A_148] : memref<16x128xi32, #tpu.memory_space<vmem>> -> memref<1x128xi32, #tpu.memory_space<vmem>>
      %dma_start3A_150 = tpu.memref_squeeze %dma_start3A_149 : memref<1x128xi32, #tpu.memory_space<vmem>> -> memref<128xi32, #tpu.memory_space<vmem>>
      %dma_start3A_151 = arith.constant 0 : i32
      %dma_start3A_152 = arith.constant 0 : i32
      %dma_start3A_153 = tpu.memref_slice %arg10[%dma_start3A_151, %dma_start3A_152] : memref<10240x128xf32, #tpu.memory_space<vmem_shared>> -> memref<10240x128xf32, #tpu.memory_space<vmem_shared>>
      tpu.enqueue_indirect_dma source(%dma_start3A_153 : memref<10240x128xf32, #tpu.memory_space<vmem_shared>>) target(%arg9 : memref<128x128xf32, #tpu.memory_space<vmem>>) offsets(%dma_start3A_150 : memref<128xi32, #tpu.memory_space<vmem>>) semaphore(%arg12 : memref<!tpu.dma_semaphore, #tpu.memory_space<semaphore_mem>>)
      %dma_wait3A_154 = arith.constant 15 : i32
      %dma_wait3A_155 = arith.constant 0 : i32
      %dma_wait3A_156 = arith.constant 0 : i32
      %dma_wait3A_157 = tpu.memref_slice %arg6[%rem3A_121, %dma_wait3A_155, %dma_wait3A_156] : memref<2x16x128xi32, #tpu.memory_space<vmem>> -> memref<1x16x128xi32, #tpu.memory_space<vmem>>
      %dma_wait3A_158 = tpu.memref_squeeze %dma_wait3A_157 : memref<1x16x128xi32, #tpu.memory_space<vmem>> -> memref<16x128xi32, #tpu.memory_space<vmem>>
      %dma_wait3A_159 = arith.constant 0 : i32
      %dma_wait3A_160 = tpu.memref_slice %dma_wait3A_158[%dma_wait3A_154, %dma_wait3A_159] : memref<16x128xi32, #tpu.memory_space<vmem>> -> memref<1x128xi32, #tpu.memory_space<vmem>>
      %dma_wait3A_161 = tpu.memref_squeeze %dma_wait3A_160 : memref<1x128xi32, #tpu.memory_space<vmem>> -> memref<128xi32, #tpu.memory_space<vmem>>
      %dma_wait3A_162 = arith.constant 0 : i32
      %dma_wait3A_163 = arith.constant 0 : i32
      %dma_wait3A_164 = tpu.memref_slice %arg10[%dma_wait3A_162, %dma_wait3A_163] : memref<10240x128xf32, #tpu.memory_space<vmem_shared>> -> memref<10240x128xf32, #tpu.memory_space<vmem_shared>>
      tpu.wait_indirect_dma semaphore(%arg12 : memref<!tpu.dma_semaphore, #tpu.memory_space<semaphore_mem>>) src(%dma_wait3A_164 : memref<10240x128xf32, #tpu.memory_space<vmem_shared>>) dst(%arg9 : memref<128x128xf32, #tpu.memory_space<vmem>>)
      %add3A_165 = arith.constant 1 : i32
      %add3A_166 = arith.addi %add3A_120, %add3A_165 : i32
      %lt3A_167 = arith.constant 5 : i32
      %lt3A_168 = arith.cmpi slt, %add3A_166, %lt3A_167 : i32
      %convert_element_type3A_169 = arith.extui %lt3A_168 : i1 to i32
      %cond3A_170 = arith.constant 0 : i32
      %cond3A_171 = arith.cmpi ne, %convert_element_type3A_169, %cond3A_170 : i32
      scf.if %cond3A_171 {
        %add3A_172 = arith.constant 1 : i32
        %add3A_173 = arith.addi %add3A_120, %add3A_172 : i32
        %mul3A_174 = arith.constant 16 : i32
        %mul3A_175 = arith.muli %add3A_173, %mul3A_174 : i32
        %add3A_176 = arith.addi %mul3A_2, %mul3A_175 : i32
        %mul3A_177 = arith.constant 16 : i32
        %mul3A_178 = arith.muli %add3A_173, %mul3A_177 : i32
        %add3A_179 = arith.addi %mul3A_2, %mul3A_178 : i32
        %dma_wait3A_180 = arith.constant 0 : i32
        %dma_wait3A_181 = arith.constant 0 : i32
        %dma_wait3A_182 = tpu.memref_slice %arg6[%sub3A_122, %dma_wait3A_180, %dma_wait3A_181] : memref<2x16x128xi32, #tpu.memory_space<vmem>> -> memref<1x16x128xi32, #tpu.memory_space<vmem>>
        %dma_wait3A_183 = tpu.memref_squeeze %dma_wait3A_182 : memref<1x16x128xi32, #tpu.memory_space<vmem>> -> memref<16x128xi32, #tpu.memory_space<vmem>>
        %dma_wait3A_184 = arith.constant 0 : i32
        %dma_wait3A_185 = tpu.memref_slice %arg3[%add3A_176, %dma_wait3A_184] : memref<2560x128xi32, #tpu.memory_space<hbm>> -> memref<16x128xi32, #tpu.memory_space<hbm>>
        %dma_wait3A_186 = arith.constant 0 : i32
        %dma_wait3A_187 = arith.constant 0 : i32
        %dma_wait3A_188 = tpu.memref_slice %arg6[%sub3A_122, %dma_wait3A_186, %dma_wait3A_187] : memref<2x16x128xi32, #tpu.memory_space<vmem>> -> memref<1x16x128xi32, #tpu.memory_space<vmem>>
        %dma_wait3A_189 = tpu.memref_squeeze %dma_wait3A_188 : memref<1x16x128xi32, #tpu.memory_space<vmem>> -> memref<16x128xi32, #tpu.memory_space<vmem>>
        %dma_wait3A_190 = arith.constant 0 : i32
        %dma_wait3A_191 = tpu.memref_slice %arg3[%add3A_176, %dma_wait3A_190] : memref<2560x128xi32, #tpu.memory_space<hbm>> -> memref<16x128xi32, #tpu.memory_space<hbm>>
        tpu.wait_dma2 semaphore(%arg15 : memref<!tpu.dma_semaphore, #tpu.memory_space<semaphore_mem>>) src(%dma_wait3A_191 : memref<16x128xi32, #tpu.memory_space<hbm>>) dst(%dma_wait3A_189 : memref<16x128xi32, #tpu.memory_space<vmem>>)
        %dma_wait3A_192 = arith.constant 0 : i32
        %dma_wait3A_193 = arith.constant 0 : i32
        %dma_wait3A_194 = tpu.memref_slice %arg7[%sub3A_122, %dma_wait3A_192, %dma_wait3A_193] : memref<2x16x128xi32, #tpu.memory_space<vmem>> -> memref<1x16x128xi32, #tpu.memory_space<vmem>>
        %dma_wait3A_195 = tpu.memref_squeeze %dma_wait3A_194 : memref<1x16x128xi32, #tpu.memory_space<vmem>> -> memref<16x128xi32, #tpu.memory_space<vmem>>
        %dma_wait3A_196 = arith.constant 0 : i32
        %dma_wait3A_197 = tpu.memref_slice %arg4[%add3A_179, %dma_wait3A_196] : memref<2560x128xi32, #tpu.memory_space<hbm>> -> memref<16x128xi32, #tpu.memory_space<hbm>>
        %dma_wait3A_198 = arith.constant 0 : i32
        %dma_wait3A_199 = arith.constant 0 : i32
        %dma_wait3A_200 = tpu.memref_slice %arg7[%sub3A_122, %dma_wait3A_198, %dma_wait3A_199] : memref<2x16x128xi32, #tpu.memory_space<vmem>> -> memref<1x16x128xi32, #tpu.memory_space<vmem>>
        %dma_wait3A_201 = tpu.memref_squeeze %dma_wait3A_200 : memref<1x16x128xi32, #tpu.memory_space<vmem>> -> memref<16x128xi32, #tpu.memory_space<vmem>>
        %dma_wait3A_202 = arith.constant 0 : i32
        %dma_wait3A_203 = tpu.memref_slice %arg4[%add3A_179, %dma_wait3A_202] : memref<2560x128xi32, #tpu.memory_space<hbm>> -> memref<16x128xi32, #tpu.memory_space<hbm>>
        tpu.wait_dma2 semaphore(%arg16 : memref<!tpu.dma_semaphore, #tpu.memory_space<semaphore_mem>>) src(%dma_wait3A_203 : memref<16x128xi32, #tpu.memory_space<hbm>>) dst(%dma_wait3A_201 : memref<16x128xi32, #tpu.memory_space<vmem>>)
        %dma_start3A_204 = arith.constant 0 : i32
        %dma_start3A_205 = arith.constant 0 : i32
        %dma_start3A_206 = arith.constant 0 : i32
        %dma_start3A_207 = tpu.memref_slice %arg6[%sub3A_122, %dma_start3A_205, %dma_start3A_206] : memref<2x16x128xi32, #tpu.memory_space<vmem>> -> memref<1x16x128xi32, #tpu.memory_space<vmem>>
        %dma_start3A_208 = tpu.memref_squeeze %dma_start3A_207 : memref<1x16x128xi32, #tpu.memory_space<vmem>> -> memref<16x128xi32, #tpu.memory_space<vmem>>
        %dma_start3A_209 = arith.constant 0 : i32
        %dma_start3A_210 = tpu.memref_slice %dma_start3A_208[%dma_start3A_204, %dma_start3A_209] : memref<16x128xi32, #tpu.memory_space<vmem>> -> memref<1x128xi32, #tpu.memory_space<vmem>>
        %dma_start3A_211 = tpu.memref_squeeze %dma_start3A_210 : memref<1x128xi32, #tpu.memory_space<vmem>> -> memref<128xi32, #tpu.memory_space<vmem>>
        %dma_start3A_212 = arith.constant 0 : i32
        %dma_start3A_213 = arith.constant 0 : i32
        %dma_start3A_214 = tpu.memref_slice %arg10[%dma_start3A_212, %dma_start3A_213] : memref<10240x128xf32, #tpu.memory_space<vmem_shared>> -> memref<10240x128xf32, #tpu.memory_space<vmem_shared>>
        tpu.enqueue_indirect_dma source(%dma_start3A_214 : memref<10240x128xf32, #tpu.memory_space<vmem_shared>>) target(%arg8 : memref<128x128xf32, #tpu.memory_space<vmem>>) offsets(%dma_start3A_211 : memref<128xi32, #tpu.memory_space<vmem>>) semaphore(%arg11 : memref<!tpu.dma_semaphore, #tpu.memory_space<semaphore_mem>>)
      } else {
      }
    }
    %scan3A_94 = arith.constant 5 : i32
    %barrier3A_95 = arith.constant 0 : index
    tpu.barrier barrier_id(%barrier3A_95)
    %add3A_96 = arith.constant 0 : i32
    %add3A_97 = arith.addi %mul3A_38, %add3A_96 : i32
    %add3A_98 = arith.constant 0 : i32
    %add3A_99 = arith.addi %mul3A_38, %add3A_98 : i32
    "tpu.region"() ({
      %run_scoped3A = tpu.sem_alloc : memref<!tpu.dma_semaphore, #tpu.memory_space<semaphore_mem>>
      %dma_start3A_116 = arith.constant 0 : i32
      %dma_start3A_117 = arith.constant 0 : i32
      %dma_start3A_118 = tpu.memref_slice %arg5[%arg0, %dma_start3A_116, %dma_start3A_117] : memref<2x10240x128xf32, #tpu.memory_space<hbm>> -> memref<1x10240x128xf32, #tpu.memory_space<hbm>>
      %dma_start3A_119 = tpu.memref_squeeze %dma_start3A_118 : memref<1x10240x128xf32, #tpu.memory_space<hbm>> -> memref<10240x128xf32, #tpu.memory_space<hbm>>
      %dma_start3A_120 = arith.constant 0 : i32
      %dma_start3A_121 = tpu.memref_slice %dma_start3A_119[%add3A_99, %dma_start3A_120] : memref<10240x128xf32, #tpu.memory_space<hbm>> -> memref<128x128xf32, #tpu.memory_space<hbm>>
      %dma_start3A_122 = arith.constant 0 : i32
      %dma_start3A_123 = tpu.memref_slice %arg10[%add3A_97, %dma_start3A_122] : memref<10240x128xf32, #tpu.memory_space<vmem_shared>> -> memref<128x128xf32, #tpu.memory_space<vmem_shared>>
      tpu.enqueue_dma source(%dma_start3A_123 : memref<128x128xf32, #tpu.memory_space<vmem_shared>>) target(%dma_start3A_121 : memref<128x128xf32, #tpu.memory_space<hbm>>) target_semaphore(%run_scoped3A : memref<!tpu.dma_semaphore, #tpu.memory_space<semaphore_mem>>)
      %dma_wait3A_124 = arith.constant 0 : i32
      %dma_wait3A_125 = arith.constant 0 : i32
      %dma_wait3A_126 = tpu.memref_slice %arg5[%arg0, %dma_wait3A_124, %dma_wait3A_125] : memref<2x10240x128xf32, #tpu.memory_space<hbm>> -> memref<1x10240x128xf32, #tpu.memory_space<hbm>>
      %dma_wait3A_127 = tpu.memref_squeeze %dma_wait3A_126 : memref<1x10240x128xf32, #tpu.memory_space<hbm>> -> memref<10240x128xf32, #tpu.memory_space<hbm>>
      %dma_wait3A_128 = arith.constant 0 : i32
      %dma_wait3A_129 = tpu.memref_slice %dma_wait3A_127[%add3A_99, %dma_wait3A_128] : memref<10240x128xf32, #tpu.memory_space<hbm>> -> memref<128x128xf32, #tpu.memory_space<hbm>>
      %dma_wait3A_130 = arith.constant 0 : i32
      %dma_wait3A_131 = tpu.memref_slice %arg10[%add3A_97, %dma_wait3A_130] : memref<10240x128xf32, #tpu.memory_space<vmem_shared>> -> memref<128x128xf32, #tpu.memory_space<vmem_shared>>
      tpu.wait_dma2 semaphore(%run_scoped3A : memref<!tpu.dma_semaphore, #tpu.memory_space<semaphore_mem>>) src(%dma_wait3A_131 : memref<128x128xf32, #tpu.memory_space<vmem_shared>>) dst(%dma_wait3A_129 : memref<128x128xf32, #tpu.memory_space<hbm>>)
      tpu.yield
    }) : () -> ()
    %add3A_100 = arith.constant 128 : i32
    %add3A_101 = arith.addi %mul3A_38, %add3A_100 : i32
    %add3A_102 = arith.constant 128 : i32
    %add3A_103 = arith.addi %mul3A_38, %add3A_102 : i32
    "tpu.region"() ({
      %run_scoped3A = tpu.sem_alloc : memref<!tpu.dma_semaphore, #tpu.memory_space<semaphore_mem>>
      %dma_start3A_116 = arith.constant 0 : i32
      %dma_start3A_117 = arith.constant 0 : i32
      %dma_start3A_118 = tpu.memref_slice %arg5[%arg0, %dma_start3A_116, %dma_start3A_117] : memref<2x10240x128xf32, #tpu.memory_space<hbm>> -> memref<1x10240x128xf32, #tpu.memory_space<hbm>>
      %dma_start3A_119 = tpu.memref_squeeze %dma_start3A_118 : memref<1x10240x128xf32, #tpu.memory_space<hbm>> -> memref<10240x128xf32, #tpu.memory_space<hbm>>
      %dma_start3A_120 = arith.constant 0 : i32
      %dma_start3A_121 = tpu.memref_slice %dma_start3A_119[%add3A_103, %dma_start3A_120] : memref<10240x128xf32, #tpu.memory_space<hbm>> -> memref<128x128xf32, #tpu.memory_space<hbm>>
      %dma_start3A_122 = arith.constant 0 : i32
      %dma_start3A_123 = tpu.memref_slice %arg10[%add3A_101, %dma_start3A_122] : memref<10240x128xf32, #tpu.memory_space<vmem_shared>> -> memref<128x128xf32, #tpu.memory_space<vmem_shared>>
      tpu.enqueue_dma source(%dma_start3A_123 : memref<128x128xf32, #tpu.memory_space<vmem_shared>>) target(%dma_start3A_121 : memref<128x128xf32, #tpu.memory_space<hbm>>) target_semaphore(%run_scoped3A : memref<!tpu.dma_semaphore, #tpu.memory_space<semaphore_mem>>)
      %dma_wait3A_124 = arith.constant 0 : i32
      %dma_wait3A_125 = arith.constant 0 : i32
      %dma_wait3A_126 = tpu.memref_slice %arg5[%arg0, %dma_wait3A_124, %dma_wait3A_125] : memref<2x10240x128xf32, #tpu.memory_space<hbm>> -> memref<1x10240x128xf32, #tpu.memory_space<hbm>>
      %dma_wait3A_127 = tpu.memref_squeeze %dma_wait3A_126 : memref<1x10240x128xf32, #tpu.memory_space<hbm>> -> memref<10240x128xf32, #tpu.memory_space<hbm>>
      %dma_wait3A_128 = arith.constant 0 : i32
      %dma_wait3A_129 = tpu.memref_slice %dma_wait3A_127[%add3A_103, %dma_wait3A_128] : memref<10240x128xf32, #tpu.memory_space<hbm>> -> memref<128x128xf32, #tpu.memory_space<hbm>>
      %dma_wait3A_130 = arith.constant 0 : i32
      %dma_wait3A_131 = tpu.memref_slice %arg10[%add3A_101, %dma_wait3A_130] : memref<10240x128xf32, #tpu.memory_space<vmem_shared>> -> memref<128x128xf32, #tpu.memory_space<vmem_shared>>
      tpu.wait_dma2 semaphore(%run_scoped3A : memref<!tpu.dma_semaphore, #tpu.memory_space<semaphore_mem>>) src(%dma_wait3A_131 : memref<128x128xf32, #tpu.memory_space<vmem_shared>>) dst(%dma_wait3A_129 : memref<128x128xf32, #tpu.memory_space<hbm>>)
      tpu.yield
    }) : () -> ()
    %add3A_104 = arith.constant 256 : i32
    %add3A_105 = arith.addi %mul3A_38, %add3A_104 : i32
    %add3A_106 = arith.constant 256 : i32
    %add3A_107 = arith.addi %mul3A_38, %add3A_106 : i32
    "tpu.region"() ({
      %run_scoped3A = tpu.sem_alloc : memref<!tpu.dma_semaphore, #tpu.memory_space<semaphore_mem>>
      %dma_start3A_116 = arith.constant 0 : i32
      %dma_start3A_117 = arith.constant 0 : i32
      %dma_start3A_118 = tpu.memref_slice %arg5[%arg0, %dma_start3A_116, %dma_start3A_117] : memref<2x10240x128xf32, #tpu.memory_space<hbm>> -> memref<1x10240x128xf32, #tpu.memory_space<hbm>>
      %dma_start3A_119 = tpu.memref_squeeze %dma_start3A_118 : memref<1x10240x128xf32, #tpu.memory_space<hbm>> -> memref<10240x128xf32, #tpu.memory_space<hbm>>
      %dma_start3A_120 = arith.constant 0 : i32
      %dma_start3A_121 = tpu.memref_slice %dma_start3A_119[%add3A_107, %dma_start3A_120] : memref<10240x128xf32, #tpu.memory_space<hbm>> -> memref<128x128xf32, #tpu.memory_space<hbm>>
      %dma_start3A_122 = arith.constant 0 : i32
      %dma_start3A_123 = tpu.memref_slice %arg10[%add3A_105, %dma_start3A_122] : memref<10240x128xf32, #tpu.memory_space<vmem_shared>> -> memref<128x128xf32, #tpu.memory_space<vmem_shared>>
      tpu.enqueue_dma source(%dma_start3A_123 : memref<128x128xf32, #tpu.memory_space<vmem_shared>>) target(%dma_start3A_121 : memref<128x128xf32, #tpu.memory_space<hbm>>) target_semaphore(%run_scoped3A : memref<!tpu.dma_semaphore, #tpu.memory_space<semaphore_mem>>)
      %dma_wait3A_124 = arith.constant 0 : i32
      %dma_wait3A_125 = arith.constant 0 : i32
      %dma_wait3A_126 = tpu.memref_slice %arg5[%arg0, %dma_wait3A_124, %dma_wait3A_125] : memref<2x10240x128xf32, #tpu.memory_space<hbm>> -> memref<1x10240x128xf32, #tpu.memory_space<hbm>>
      %dma_wait3A_127 = tpu.memref_squeeze %dma_wait3A_126 : memref<1x10240x128xf32, #tpu.memory_space<hbm>> -> memref<10240x128xf32, #tpu.memory_space<hbm>>
      %dma_wait3A_128 = arith.constant 0 : i32
      %dma_wait3A_129 = tpu.memref_slice %dma_wait3A_127[%add3A_107, %dma_wait3A_128] : memref<10240x128xf32, #tpu.memory_space<hbm>> -> memref<128x128xf32, #tpu.memory_space<hbm>>
      %dma_wait3A_130 = arith.constant 0 : i32
      %dma_wait3A_131 = tpu.memref_slice %arg10[%add3A_105, %dma_wait3A_130] : memref<10240x128xf32, #tpu.memory_space<vmem_shared>> -> memref<128x128xf32, #tpu.memory_space<vmem_shared>>
      tpu.wait_dma2 semaphore(%run_scoped3A : memref<!tpu.dma_semaphore, #tpu.memory_space<semaphore_mem>>) src(%dma_wait3A_131 : memref<128x128xf32, #tpu.memory_space<vmem_shared>>) dst(%dma_wait3A_129 : memref<128x128xf32, #tpu.memory_space<hbm>>)
      tpu.yield
    }) : () -> ()
    %add3A_108 = arith.constant 384 : i32
    %add3A_109 = arith.addi %mul3A_38, %add3A_108 : i32
    %add3A_110 = arith.constant 384 : i32
    %add3A_111 = arith.addi %mul3A_38, %add3A_110 : i32
    "tpu.region"() ({
      %run_scoped3A = tpu.sem_alloc : memref<!tpu.dma_semaphore, #tpu.memory_space<semaphore_mem>>
      %dma_start3A_116 = arith.constant 0 : i32
      %dma_start3A_117 = arith.constant 0 : i32
      %dma_start3A_118 = tpu.memref_slice %arg5[%arg0, %dma_start3A_116, %dma_start3A_117] : memref<2x10240x128xf32, #tpu.memory_space<hbm>> -> memref<1x10240x128xf32, #tpu.memory_space<hbm>>
      %dma_start3A_119 = tpu.memref_squeeze %dma_start3A_118 : memref<1x10240x128xf32, #tpu.memory_space<hbm>> -> memref<10240x128xf32, #tpu.memory_space<hbm>>
      %dma_start3A_120 = arith.constant 0 : i32
      %dma_start3A_121 = tpu.memref_slice %dma_start3A_119[%add3A_111, %dma_start3A_120] : memref<10240x128xf32, #tpu.memory_space<hbm>> -> memref<128x128xf32, #tpu.memory_space<hbm>>
      %dma_start3A_122 = arith.constant 0 : i32
      %dma_start3A_123 = tpu.memref_slice %arg10[%add3A_109, %dma_start3A_122] : memref<10240x128xf32, #tpu.memory_space<vmem_shared>> -> memref<128x128xf32, #tpu.memory_space<vmem_shared>>
      tpu.enqueue_dma source(%dma_start3A_123 : memref<128x128xf32, #tpu.memory_space<vmem_shared>>) target(%dma_start3A_121 : memref<128x128xf32, #tpu.memory_space<hbm>>) target_semaphore(%run_scoped3A : memref<!tpu.dma_semaphore, #tpu.memory_space<semaphore_mem>>)
      %dma_wait3A_124 = arith.constant 0 : i32
      %dma_wait3A_125 = arith.constant 0 : i32
      %dma_wait3A_126 = tpu.memref_slice %arg5[%arg0, %dma_wait3A_124, %dma_wait3A_125] : memref<2x10240x128xf32, #tpu.memory_space<hbm>> -> memref<1x10240x128xf32, #tpu.memory_space<hbm>>
      %dma_wait3A_127 = tpu.memref_squeeze %dma_wait3A_126 : memref<1x10240x128xf32, #tpu.memory_space<hbm>> -> memref<10240x128xf32, #tpu.memory_space<hbm>>
      %dma_wait3A_128 = arith.constant 0 : i32
      %dma_wait3A_129 = tpu.memref_slice %dma_wait3A_127[%add3A_111, %dma_wait3A_128] : memref<10240x128xf32, #tpu.memory_space<hbm>> -> memref<128x128xf32, #tpu.memory_space<hbm>>
      %dma_wait3A_130 = arith.constant 0 : i32
      %dma_wait3A_131 = tpu.memref_slice %arg10[%add3A_109, %dma_wait3A_130] : memref<10240x128xf32, #tpu.memory_space<vmem_shared>> -> memref<128x128xf32, #tpu.memory_space<vmem_shared>>
      tpu.wait_dma2 semaphore(%run_scoped3A : memref<!tpu.dma_semaphore, #tpu.memory_space<semaphore_mem>>) src(%dma_wait3A_131 : memref<128x128xf32, #tpu.memory_space<vmem_shared>>) dst(%dma_wait3A_129 : memref<128x128xf32, #tpu.memory_space<hbm>>)
      tpu.yield
    }) : () -> ()
    %add3A_112 = arith.constant 512 : i32
    %add3A_113 = arith.addi %mul3A_38, %add3A_112 : i32
    %add3A_114 = arith.constant 512 : i32
    %add3A_115 = arith.addi %mul3A_38, %add3A_114 : i32
    "tpu.region"() ({
      %run_scoped3A = tpu.sem_alloc : memref<!tpu.dma_semaphore, #tpu.memory_space<semaphore_mem>>
      %dma_start3A_116 = arith.constant 0 : i32
      %dma_start3A_117 = arith.constant 0 : i32
      %dma_start3A_118 = tpu.memref_slice %arg5[%arg0, %dma_start3A_116, %dma_start3A_117] : memref<2x10240x128xf32, #tpu.memory_space<hbm>> -> memref<1x10240x128xf32, #tpu.memory_space<hbm>>
      %dma_start3A_119 = tpu.memref_squeeze %dma_start3A_118 : memref<1x10240x128xf32, #tpu.memory_space<hbm>> -> memref<10240x128xf32, #tpu.memory_space<hbm>>
      %dma_start3A_120 = arith.constant 0 : i32
      %dma_start3A_121 = tpu.memref_slice %dma_start3A_119[%add3A_115, %dma_start3A_120] : memref<10240x128xf32, #tpu.memory_space<hbm>> -> memref<128x128xf32, #tpu.memory_space<hbm>>
      %dma_start3A_122 = arith.constant 0 : i32
      %dma_start3A_123 = tpu.memref_slice %arg10[%add3A_113, %dma_start3A_122] : memref<10240x128xf32, #tpu.memory_space<vmem_shared>> -> memref<128x128xf32, #tpu.memory_space<vmem_shared>>
      tpu.enqueue_dma source(%dma_start3A_123 : memref<128x128xf32, #tpu.memory_space<vmem_shared>>) target(%dma_start3A_121 : memref<128x128xf32, #tpu.memory_space<hbm>>) target_semaphore(%run_scoped3A : memref<!tpu.dma_semaphore, #tpu.memory_space<semaphore_mem>>)
      %dma_wait3A_124 = arith.constant 0 : i32
      %dma_wait3A_125 = arith.constant 0 : i32
      %dma_wait3A_126 = tpu.memref_slice %arg5[%arg0, %dma_wait3A_124, %dma_wait3A_125] : memref<2x10240x128xf32, #tpu.memory_space<hbm>> -> memref<1x10240x128xf32, #tpu.memory_space<hbm>>
      %dma_wait3A_127 = tpu.memref_squeeze %dma_wait3A_126 : memref<1x10240x128xf32, #tpu.memory_space<hbm>> -> memref<10240x128xf32, #tpu.memory_space<hbm>>
      %dma_wait3A_128 = arith.constant 0 : i32
      %dma_wait3A_129 = tpu.memref_slice %dma_wait3A_127[%add3A_115, %dma_wait3A_128] : memref<10240x128xf32, #tpu.memory_space<hbm>> -> memref<128x128xf32, #tpu.memory_space<hbm>>
      %dma_wait3A_130 = arith.constant 0 : i32
      %dma_wait3A_131 = tpu.memref_slice %arg10[%add3A_113, %dma_wait3A_130] : memref<10240x128xf32, #tpu.memory_space<vmem_shared>> -> memref<128x128xf32, #tpu.memory_space<vmem_shared>>
      tpu.wait_dma2 semaphore(%run_scoped3A : memref<!tpu.dma_semaphore, #tpu.memory_space<semaphore_mem>>) src(%dma_wait3A_131 : memref<128x128xf32, #tpu.memory_space<vmem_shared>>) dst(%dma_wait3A_129 : memref<128x128xf32, #tpu.memory_space<hbm>>)
      tpu.yield
    }) : () -> ()
    return
  }
}

module attributes {stable_mosaic.version = 14 : i64} {
  func.func @_mm_body(%arg0: i32, %arg1: memref<2000x128xf32, #tpu.memory_space<vmem>>, %arg2: memref<128x128xf32, #tpu.memory_space<vmem>>, %arg3: memref<2000x128xf32, #tpu.memory_space<vmem>>) attributes {dimension_semantics = [#tpu.dimension_semantics<arbitrary>], iteration_bounds = array<i64: 5>, scalar_prefetch = 0 : i64, scratch_operands = 0 : i64, tpu.core_type = #tpu.core_type<tc>, window_params = [{transform_indices = @transform_0, window_bounds = array<i64: 2000, 128>}, {pipeline_mode = #tpu.pipeline_mode<synchronous>, transform_indices = @transform_1, window_bounds = array<i64: 128, 128>}, {transform_indices = @transform_2, window_bounds = array<i64: 2000, 128>}]} {
    %get3A = arith.constant 0 : index
    %get3A_0 = arith.constant 0 : index
    %get3A_1 = vector.load %arg1[%get3A, %get3A_0] : memref<2000x128xf32, #tpu.memory_space<vmem>>, vector<2000x128xf32>
    %get3A_2 = arith.constant 0 : index
    %get3A_3 = arith.constant 0 : index
    %get3A_4 = vector.load %arg2[%get3A_2, %get3A_3] : memref<128x128xf32, #tpu.memory_space<vmem>>, vector<128x128xf32>
    %dot_general3A = arith.constant dense<0.000000e+00> : vector<2000x128xf32>
    %dot_general3A_5 = tpu.matmul %get3A_1, %get3A_4, %dot_general3A {dimension_numbers = #tpu.dot_dimension_numbers<[1], [0], [0], [1], [0, 0, 1, 1], [], []>, transpose_lhs_hint = false} : vector<2000x128xf32>, vector<128x128xf32>, vector<2000x128xf32> -> vector<2000x128xf32>
    %swap3A = arith.constant 0 : index
    %swap3A_6 = arith.constant 0 : index
    %swap3A_7 = vector.load %arg3[%swap3A, %swap3A_6] : memref<2000x128xf32, #tpu.memory_space<vmem>>, vector<2000x128xf32>
    tpu.vector_store %arg3[%swap3A, %swap3A_6], %dot_general3A_5 {strides = array<i32>} : memref<2000x128xf32, #tpu.memory_space<vmem>>, vector<2000x128xf32>,
    return
  }
  func.func @transform_0(%arg0: i32) -> (i32, i32) {
    %c0_i32 = arith.constant 0 : i32
    %c0_i32_0 = arith.constant 0 : i32
    return %arg0, %c0_i32 : i32, i32
  }
  func.func @transform_1(%arg0: i32) -> (i32, i32) {
    %c0_i32 = arith.constant 0 : i32
    %c0_i32_0 = arith.constant 0 : i32
    %c0_i32_1 = arith.constant 0 : i32
    return %c0_i32, %c0_i32_0 : i32, i32
  }
  func.func @transform_2(%arg0: i32) -> (i32, i32) {
    %c0_i32 = arith.constant 0 : i32
    %c0_i32_0 = arith.constant 0 : i32
    return %arg0, %c0_i32 : i32, i32
  }
}

module attributes {stable_mosaic.version = 14 : i64} {
  func.func @_ep1_body(%arg0: i32, %arg1: memref<2x2000x128xf32, #tpu.memory_space<vmem>>, %arg2: memref<2000x128xf32, #tpu.memory_space<vmem>>, %arg3: memref<2000x2xf32, #tpu.memory_space<vmem>>, %arg4: memref<1x128xf32, #tpu.memory_space<vmem>>, %arg5: memref<128x128xf32, #tpu.memory_space<vmem>>, %arg6: memref<2000x128xf32, #tpu.memory_space<vmem>>) attributes {dimension_semantics = [#tpu.dimension_semantics<arbitrary>], iteration_bounds = array<i64: 5>, scalar_prefetch = 0 : i64, scratch_operands = 0 : i64, tpu.core_type = #tpu.core_type<tc>, window_params = [{transform_indices = @transform_0, window_bounds = array<i64: 2, 2000, 128>}, {transform_indices = @transform_1, window_bounds = array<i64: 2000, 128>}, {transform_indices = @transform_2, window_bounds = array<i64: 2000, 2>}, {pipeline_mode = #tpu.pipeline_mode<synchronous>, transform_indices = @transform_3, window_bounds = array<i64: 1, 128>}, {pipeline_mode = #tpu.pipeline_mode<synchronous>, transform_indices = @transform_4, window_bounds = array<i64: 128, 128>}, {transform_indices = @transform_5, window_bounds = array<i64: 2000, 128>}]} {
    %get3A = arith.constant 0 : index
    %get3A_0 = arith.constant 0 : index
    %get3A_1 = vector.load %arg3[%get3A, %get3A_0] : memref<2000x2xf32, #tpu.memory_space<vmem>>, vector<2000x2xf32>
    %slice3A = vector.extract_strided_slice %get3A_1 {offsets = [0, 0], sizes = [2000, 1], strides = [1, 1]} : vector<2000x2xf32> to vector<2000x1xf32>
    %slice3A_2 = vector.extract_strided_slice %get3A_1 {offsets = [0, 1], sizes = [2000, 1], strides = [1, 1]} : vector<2000x2xf32> to vector<2000x1xf32>
    %add3A = arith.addf %slice3A, %slice3A_2 : vector<2000x1xf32>
    %add3A_3 = arith.constant 1.000000e+00 : f32
    %add3A_4 = vector.broadcast %add3A_3 : f32 to vector<2000x1xf32>
    %add3A_5 = arith.addf %add3A, %add3A_4 : vector<2000x1xf32>
    %rsqrt3A = math.rsqrt %add3A_5 : vector<2000x1xf32>
    %get3A_6 = arith.constant 0 : index
    %get3A_7 = arith.constant 0 : index
    %get3A_8 = arith.constant 0 : index
    %get3A_9 = vector.load %arg1[%get3A_6, %get3A_7, %get3A_8] : memref<2x2000x128xf32, #tpu.memory_space<vmem>>, vector<1x2000x128xf32>
    %get3A_10 = vector.shape_cast %get3A_9 : vector<1x2000x128xf32> to vector<2000x128xf32>
    %get3A_11 = arith.constant 1 : index
    %get3A_12 = arith.constant 0 : index
    %get3A_13 = arith.constant 0 : index
    %get3A_14 = vector.load %arg1[%get3A_11, %get3A_12, %get3A_13] : memref<2x2000x128xf32, #tpu.memory_space<vmem>>, vector<1x2000x128xf32>
    %get3A_15 = vector.shape_cast %get3A_14 : vector<1x2000x128xf32> to vector<2000x128xf32>
    %add3A_16 = arith.addf %get3A_10, %get3A_15 : vector<2000x128xf32>
    %get3A_17 = arith.constant 0 : index
    %get3A_18 = arith.constant 0 : index
    %get3A_19 = vector.load %arg2[%get3A_17, %get3A_18] : memref<2000x128xf32, #tpu.memory_space<vmem>>, vector<2000x128xf32>
    %add3A_20 = arith.addf %add3A_16, %get3A_19 : vector<2000x128xf32>
    %mul3A = vector.broadcast %rsqrt3A : vector<2000x1xf32> to vector<2000x128xf32>
    %mul3A_21 = arith.mulf %mul3A, %add3A_20 : vector<2000x128xf32>
    %get3A_22 = arith.constant 0 : index
    %get3A_23 = arith.constant 0 : index
    %get3A_24 = vector.load %arg4[%get3A_22, %get3A_23] : memref<1x128xf32, #tpu.memory_space<vmem>>, vector<1x128xf32>
    %add3A_25 = vector.broadcast %get3A_24 : vector<1x128xf32> to vector<2000x128xf32>
    %add3A_26 = arith.addf %mul3A_21, %add3A_25 : vector<2000x128xf32>
    %max3A = arith.constant 0.000000e+00 : f32
    %max3A_27 = vector.broadcast %max3A : f32 to vector<2000x128xf32>
    %max3A_28 = arith.maximumf %add3A_26, %max3A_27 : vector<2000x128xf32>
    %get3A_29 = arith.constant 0 : index
    %get3A_30 = arith.constant 0 : index
    %get3A_31 = vector.load %arg5[%get3A_29, %get3A_30] : memref<128x128xf32, #tpu.memory_space<vmem>>, vector<128x128xf32>
    %dot_general3A = arith.constant dense<0.000000e+00> : vector<2000x128xf32>
    %dot_general3A_32 = tpu.matmul %max3A_28, %get3A_31, %dot_general3A {dimension_numbers = #tpu.dot_dimension_numbers<[1], [0], [0], [1], [0, 0, 1, 1], [], []>, transpose_lhs_hint = false} : vector<2000x128xf32>, vector<128x128xf32>, vector<2000x128xf32> -> vector<2000x128xf32>
    %mul3A_33 = vector.broadcast %rsqrt3A : vector<2000x1xf32> to vector<2000x128xf32>
    %mul3A_34 = arith.mulf %dot_general3A_32, %mul3A_33 : vector<2000x128xf32>
    %swap3A = arith.constant 0 : index
    %swap3A_35 = arith.constant 0 : index
    %swap3A_36 = vector.load %arg6[%swap3A, %swap3A_35] : memref<2000x128xf32, #tpu.memory_space<vmem>>, vector<2000x128xf32>
    tpu.vector_store %arg6[%swap3A, %swap3A_35], %mul3A_34 {strides = array<i32>} : memref<2000x128xf32, #tpu.memory_space<vmem>>, vector<2000x128xf32>,
    return
  }
  func.func @transform_0(%arg0: i32) -> (i32, i32, i32) {
    %c0_i32 = arith.constant 0 : i32
    %c0_i32_0 = arith.constant 0 : i32
    %c0_i32_1 = arith.constant 0 : i32
    return %c0_i32, %arg0, %c0_i32_0 : i32, i32, i32
  }
  func.func @transform_1(%arg0: i32) -> (i32, i32) {
    %c0_i32 = arith.constant 0 : i32
    %c0_i32_0 = arith.constant 0 : i32
    return %arg0, %c0_i32 : i32, i32
  }
  func.func @transform_2(%arg0: i32) -> (i32, i32) {
    %c0_i32 = arith.constant 0 : i32
    %c0_i32_0 = arith.constant 0 : i32
    return %arg0, %c0_i32 : i32, i32
  }
  func.func @transform_3(%arg0: i32) -> (i32, i32) {
    %c0_i32 = arith.constant 0 : i32
    %c0_i32_0 = arith.constant 0 : i32
    %c0_i32_1 = arith.constant 0 : i32
    return %c0_i32, %c0_i32_0 : i32, i32
  }
  func.func @transform_4(%arg0: i32) -> (i32, i32) {
    %c0_i32 = arith.constant 0 : i32
    %c0_i32_0 = arith.constant 0 : i32
    %c0_i32_1 = arith.constant 0 : i32
    return %c0_i32, %c0_i32_0 : i32, i32
  }
  func.func @transform_5(%arg0: i32) -> (i32, i32) {
    %c0_i32 = arith.constant 0 : i32
    %c0_i32_0 = arith.constant 0 : i32
    return %arg0, %c0_i32 : i32, i32
  }
}

module attributes {stable_mosaic.version = 14 : i64} {
  func.func @_scale_body(%arg0: i32, %arg1: memref<2000x128xf32, #tpu.memory_space<vmem>>, %arg2: memref<2000x2xf32, #tpu.memory_space<vmem>>, %arg3: memref<2000x128xf32, #tpu.memory_space<vmem>>) attributes {dimension_semantics = [#tpu.dimension_semantics<arbitrary>], iteration_bounds = array<i64: 5>, scalar_prefetch = 0 : i64, scratch_operands = 0 : i64, tpu.core_type = #tpu.core_type<tc>, window_params = [{transform_indices = @transform_0, window_bounds = array<i64: 2000, 128>}, {transform_indices = @transform_1, window_bounds = array<i64: 2000, 2>}, {transform_indices = @transform_2, window_bounds = array<i64: 2000, 128>}]} {
    %get3A = arith.constant 0 : index
    %get3A_0 = arith.constant 0 : index
    %get3A_1 = vector.load %arg1[%get3A, %get3A_0] : memref<2000x128xf32, #tpu.memory_space<vmem>>, vector<2000x128xf32>
    %get3A_2 = arith.constant 0 : index
    %get3A_3 = arith.constant 0 : index
    %get3A_4 = vector.load %arg2[%get3A_2, %get3A_3] : memref<2000x2xf32, #tpu.memory_space<vmem>>, vector<2000x2xf32>
    %slice3A = vector.extract_strided_slice %get3A_4 {offsets = [0, 0], sizes = [2000, 1], strides = [1, 1]} : vector<2000x2xf32> to vector<2000x1xf32>
    %slice3A_5 = vector.extract_strided_slice %get3A_4 {offsets = [0, 1], sizes = [2000, 1], strides = [1, 1]} : vector<2000x2xf32> to vector<2000x1xf32>
    %add3A = arith.addf %slice3A, %slice3A_5 : vector<2000x1xf32>
    %add3A_6 = arith.constant 1.000000e+00 : f32
    %add3A_7 = vector.broadcast %add3A_6 : f32 to vector<2000x1xf32>
    %add3A_8 = arith.addf %add3A, %add3A_7 : vector<2000x1xf32>
    %rsqrt3A = math.rsqrt %add3A_8 : vector<2000x1xf32>
    %mul3A = vector.broadcast %rsqrt3A : vector<2000x1xf32> to vector<2000x128xf32>
    %mul3A_9 = arith.mulf %get3A_1, %mul3A : vector<2000x128xf32>
    %swap3A = arith.constant 0 : index
    %swap3A_10 = arith.constant 0 : index
    %swap3A_11 = vector.load %arg3[%swap3A, %swap3A_10] : memref<2000x128xf32, #tpu.memory_space<vmem>>, vector<2000x128xf32>
    tpu.vector_store %arg3[%swap3A, %swap3A_10], %mul3A_9 {strides = array<i32>} : memref<2000x128xf32, #tpu.memory_space<vmem>>, vector<2000x128xf32>,
    return
  }
  func.func @transform_0(%arg0: i32) -> (i32, i32) {
    %c0_i32 = arith.constant 0 : i32
    %c0_i32_0 = arith.constant 0 : i32
    return %arg0, %c0_i32 : i32, i32
  }
  func.func @transform_1(%arg0: i32) -> (i32, i32) {
    %c0_i32 = arith.constant 0 : i32
    %c0_i32_0 = arith.constant 0 : i32
    return %arg0, %c0_i32 : i32, i32
  }
  func.func @transform_2(%arg0: i32) -> (i32, i32) {
    %c0_i32 = arith.constant 0 : i32
    %c0_i32_0 = arith.constant 0 : i32
    return %arg0, %c0_i32 : i32, i32
  }
}

module attributes {stable_mosaic.version = 14 : i64} {
  func.func @_ep2_body(%arg0: i32, %arg1: memref<2x2000x128xf32, #tpu.memory_space<vmem>>, %arg2: memref<2000x128xf32, #tpu.memory_space<vmem>>, %arg3: memref<2000x2xf32, #tpu.memory_space<vmem>>, %arg4: memref<1x128xf32, #tpu.memory_space<vmem>>, %arg5: memref<2000x128xf32, #tpu.memory_space<vmem>>) attributes {dimension_semantics = [#tpu.dimension_semantics<arbitrary>], iteration_bounds = array<i64: 5>, scalar_prefetch = 0 : i64, scratch_operands = 0 : i64, tpu.core_type = #tpu.core_type<tc>, window_params = [{transform_indices = @transform_0, window_bounds = array<i64: 2, 2000, 128>}, {transform_indices = @transform_1, window_bounds = array<i64: 2000, 128>}, {transform_indices = @transform_2, window_bounds = array<i64: 2000, 2>}, {pipeline_mode = #tpu.pipeline_mode<synchronous>, transform_indices = @transform_3, window_bounds = array<i64: 1, 128>}, {transform_indices = @transform_4, window_bounds = array<i64: 2000, 128>}]} {
    %get3A = arith.constant 0 : index
    %get3A_0 = arith.constant 0 : index
    %get3A_1 = vector.load %arg3[%get3A, %get3A_0] : memref<2000x2xf32, #tpu.memory_space<vmem>>, vector<2000x2xf32>
    %slice3A = vector.extract_strided_slice %get3A_1 {offsets = [0, 0], sizes = [2000, 1], strides = [1, 1]} : vector<2000x2xf32> to vector<2000x1xf32>
    %slice3A_2 = vector.extract_strided_slice %get3A_1 {offsets = [0, 1], sizes = [2000, 1], strides = [1, 1]} : vector<2000x2xf32> to vector<2000x1xf32>
    %add3A = arith.addf %slice3A, %slice3A_2 : vector<2000x1xf32>
    %add3A_3 = arith.constant 1.000000e+00 : f32
    %add3A_4 = vector.broadcast %add3A_3 : f32 to vector<2000x1xf32>
    %add3A_5 = arith.addf %add3A, %add3A_4 : vector<2000x1xf32>
    %rsqrt3A = math.rsqrt %add3A_5 : vector<2000x1xf32>
    %get3A_6 = arith.constant 0 : index
    %get3A_7 = arith.constant 0 : index
    %get3A_8 = arith.constant 0 : index
    %get3A_9 = vector.load %arg1[%get3A_6, %get3A_7, %get3A_8] : memref<2x2000x128xf32, #tpu.memory_space<vmem>>, vector<1x2000x128xf32>
    %get3A_10 = vector.shape_cast %get3A_9 : vector<1x2000x128xf32> to vector<2000x128xf32>
    %get3A_11 = arith.constant 1 : index
    %get3A_12 = arith.constant 0 : index
    %get3A_13 = arith.constant 0 : index
    %get3A_14 = vector.load %arg1[%get3A_11, %get3A_12, %get3A_13] : memref<2x2000x128xf32, #tpu.memory_space<vmem>>, vector<1x2000x128xf32>
    %get3A_15 = vector.shape_cast %get3A_14 : vector<1x2000x128xf32> to vector<2000x128xf32>
    %add3A_16 = arith.addf %get3A_10, %get3A_15 : vector<2000x128xf32>
    %get3A_17 = arith.constant 0 : index
    %get3A_18 = arith.constant 0 : index
    %get3A_19 = vector.load %arg2[%get3A_17, %get3A_18] : memref<2000x128xf32, #tpu.memory_space<vmem>>, vector<2000x128xf32>
    %add3A_20 = arith.addf %add3A_16, %get3A_19 : vector<2000x128xf32>
    %mul3A = vector.broadcast %rsqrt3A : vector<2000x1xf32> to vector<2000x128xf32>
    %mul3A_21 = arith.mulf %mul3A, %add3A_20 : vector<2000x128xf32>
    %get3A_22 = arith.constant 0 : index
    %get3A_23 = arith.constant 0 : index
    %get3A_24 = vector.load %arg4[%get3A_22, %get3A_23] : memref<1x128xf32, #tpu.memory_space<vmem>>, vector<1x128xf32>
    %add3A_25 = vector.broadcast %get3A_24 : vector<1x128xf32> to vector<2000x128xf32>
    %add3A_26 = arith.addf %mul3A_21, %add3A_25 : vector<2000x128xf32>
    %swap3A = arith.constant 0 : index
    %swap3A_27 = arith.constant 0 : index
    %swap3A_28 = vector.load %arg5[%swap3A, %swap3A_27] : memref<2000x128xf32, #tpu.memory_space<vmem>>, vector<2000x128xf32>
    tpu.vector_store %arg5[%swap3A, %swap3A_27], %add3A_26 {strides = array<i32>} : memref<2000x128xf32, #tpu.memory_space<vmem>>, vector<2000x128xf32>,
    return
  }
  func.func @transform_0(%arg0: i32) -> (i32, i32, i32) {
    %c0_i32 = arith.constant 0 : i32
    %c0_i32_0 = arith.constant 0 : i32
    %c0_i32_1 = arith.constant 0 : i32
    return %c0_i32, %arg0, %c0_i32_0 : i32, i32, i32
  }
  func.func @transform_1(%arg0: i32) -> (i32, i32) {
    %c0_i32 = arith.constant 0 : i32
    %c0_i32_0 = arith.constant 0 : i32
    return %arg0, %c0_i32 : i32, i32
  }
  func.func @transform_2(%arg0: i32) -> (i32, i32) {
    %c0_i32 = arith.constant 0 : i32
    %c0_i32_0 = arith.constant 0 : i32
    return %arg0, %c0_i32 : i32, i32
  }
  func.func @transform_3(%arg0: i32) -> (i32, i32) {
    %c0_i32 = arith.constant 0 : i32
    %c0_i32_0 = arith.constant 0 : i32
    %c0_i32_1 = arith.constant 0 : i32
    return %c0_i32, %c0_i32_0 : i32, i32
  }
  func.func @transform_4(%arg0: i32) -> (i32, i32) {
    %c0_i32 = arith.constant 0 : i32
    %c0_i32_0 = arith.constant 0 : i32
    return %arg0, %c0_i32 : i32, i32
  }
}

</mosaic_0001>

<sc_bundles>
// kernel: kernel.12.cloned.1.call-start
scs
__scs_entry_jumppad:
0x0: {  	(pc) =	sbr.rel $0x88, $3  }
0x1: {  	(tag) =	ssettag $0x0;
	lr =	simm.s32 $0x1  }
0x2: {  	[smem:$0x3F9B] =	sst lr;
	_ =	strace $0xD0000000  }
0x3: {  	_ = 	snop  }
0x4: {  	_ = 	snop  }
0x5: {  	_ = 	snop  }
0x6: {  	_ = 	snop  }
0x7: {  	_ = 	snop  }
__scs_overlays_trampoline_lowered:
0x8: {  	[smem:$0x3FAA] =	sst s0  }
0x9: {  	[smem:$0x3FAB] =	sst s1  }
0xa: {  	[smem:$0x3FAC] =	sst s2  }
0xb: {  	[smem:$0x3FAD] =	sst s3  }
0xc: {  	[smem:$0x3FAE] =	sst s4  }
0xd: {  	[smem:$0x3FAF] =	sst s5  }
0xe: {  	[smem:$0x3FB0] =	sst s6  }
0xf: {  	[smem:$0x3FB1] =	sst s7  }
0x10: {  	[smem:$0x3FB2] =	sst s8  }
0x11: {  	[smem:$0x3FB3] =	sst s9;
	s0 =	simm.s32 @!p0 $0x0  }
0x12: {  	s1 =	sld [smem:$0x3F99];
	s0 =	simm.s32 @p0 $0x1  }
0x13: {  	[smem:$0x3FB4] =	sst s0;
	s0 =	simm.s32 @!p1 $0x0  }
0x14: {  	s2 =	sld [smem:$0x3F98];
	s0 =	simm.s32 @p1 $0x1  }
0x15: {  	[smem:$0x3FB5] =	sst s0;
	s0 =	simm.s32 @!p2 $0x0  }
0x16: {  	s3 =	sld [smem:$0x3FDB];
	s0 =	simm.s32 @p2 $0x1  }
0x17: {  	s4 =	simm.s32 $0x1BF5;
	[smem:$0x3FB7] =	sst s0  }
0x18: {  	s0 =	sld [smem:$0x3F9A];
	_ =	swait.ge [sflag:s4], $0x0  }
0x19: {  	s7 =	sld [smem:$0x3F9B]  }
0x1a: {  	s8 =	sadd.s32 $0xFFFFE003, lr  }
0x1b: {  	s9 =	sadd.s32 $0xFFFFFEF7, lr;
	s5 =	simm.s32 $0xFFFFFFFF;
	p2 =	slt.u32 s8, $0xFFFFF086  }
0x1c: {  	p1 =	slt.u32 s9, $0xF7A;
	s5 =	simm.s32 @!p2 $0x0  }
0x1d: {  	s5 =	simm.s32 @p1 $0x1;
	p0 =	seq.s32 s7, s2  }
0x1e: {  	s7 =	smul.u32 @!p0 $0xF7A, s2;
	p2 =	seq.s32 @!p0 s5, $0x0  }
0x1f: {  	s9 =	smul.u32 $0xF7A, s1;
	s8 =	simm.s32 @!p0 $0x1BF5;
	p2 =	por !p2, p0  }
0x20: {  	[sflag:s8] =	ssyncset.s32 @!p0 $0xFFFFF086;
	s6 =	sadd.s32 @!p0 s3, s7;
	s7 =	simm.s32 @!p0 $0x108  }
0x21: {  	s3 =	sadd.s32 s3, s9;
	s6 =	sadd.s32 @!p0 $0x88, s6;
	s7 =	simm.s32 @p2 $0x1082  }
0x22: {  	[simem:s7], [sflag:s8] =	dma.local @!p0 [hbm:s6], $0xF7A  }
0x23: {  	s9 =	sor.u32 $0xD0000000, s2;
	s6 =	simm.s32 $0x108;
	_ =	swait.ge @!p0 [sflag:s8], $0x0  }
0x24: {  	s3 =	sadd.s32 $0x88, s3;
	s6 =	simm.s32 @!p1 $0x1082;
	[sflag:s4] =	ssyncset.s32 $0xFFFFF086  }
0x25: {  	[simem:s6], [sflag:s4] =	dma.local [hbm:s3], $0xF7A  }
0x26: {  	[smem:$0x3F9B] =	sst s1;
	(tag) =	ssettag s2;
	_ =	strace s9  }
0x27: {  	s1 =	sld [smem:$0x3FAB]  }
0x28: {  	s2 =	sld [smem:$0x3FAC]  }
0x29: {  	s4 =	sld [smem:$0x3FAE]  }
0x2a: {  	p0 =	seq.s32 s5, $0x0;
	s5 =	sld [smem:$0x3FAF]  }
0x2b: {  	s6 =	sld [smem:$0x3FB0]  }
0x2c: {  	s7 =	sld [smem:$0x3FB1]  }
0x2d: {  	s3 =	simm.s32 $0x108;
	s8 =	sld [smem:$0x3FB2]  }
0x2e: {  	s3 =	simm.s32 @!p0 $0x1082;
	s9 =	sld [smem:$0x3FB3]  }
0x2f: {  	lr =	sadd.s32 s0, s3;
	s0 =	sld [smem:$0x3FAA]  }
0x30: {  	s3 =	sld [smem:$0x3FAD]  }
0x31: {  	[smem:$0x3FB6] =	sst s10  }
0x32: {  	s10 =	sld [smem:$0x3FB4];
	_ =	sdelay $0x3  }
0x33: {  	p0 =	seq.s32 s10, $0x1;
	s10 =	sld [smem:$0x3FB6];
	_ =	sdelay $0x3  }
0x34: {  	[smem:$0x3FB6] =	sst s10  }
0x35: {  	s10 =	sld [smem:$0x3FB5];
	_ =	sdelay $0x3  }
0x36: {  	p1 =	seq.s32 s10, $0x1;
	s10 =	sld [smem:$0x3FB6];
	_ =	sdelay $0x3  }
0x37: {  	[smem:$0x3FB6] =	sst s10  }
0x38: {  	s10 =	sld [smem:$0x3FB7]  }
0x39: {  	_ = 	snop;
	(pc) =	sbr.ind lr, $3  }
0x3a: {  	_ = 	snop  }
0x3b: {  	_ = 	snop  }
0x3c: {  	p2 =	seq.s32 s10, $0x1;
	s10 =	sld [smem:$0x3FB6]  }
0x3d: {  	_ =	shalt  }
0x3e: {  	_ =	shalt  }
0x3f: {  	_ =	shalt  }
0x40: {  	_ =	shalt  }
0x41: {  	_ =	shalt  }
0x42: {  	_ =	shalt  }
0x43: {  	_ =	shalt  }
0x44: {  	_ =	shalt  }
0x45: {  	_ =	shalt  }
0x46: {  	_ =	shalt  }
0x47: {  	_ =	shalt  }
0x48: {  	_ =	shalt  }
0x49: {  	_ =	shalt  }
0x4a: {  	_ =	shalt  }
0x4b: {  	_ =	shalt  }
0x4c: {  	_ =	shalt  }
0x4d: {  	_ =	shalt  }
0x4e: {  	_ =	shalt  }
0x4f: {  	_ =	shalt  }
0x50: {  	_ =	shalt  }
0x51: {  	_ =	shalt  }
0x52: {  	_ =	shalt  }
0x53: {  	_ =	shalt  }
0x54: {  	_ =	shalt  }
0x55: {  	_ =	shalt  }
0x56: {  	_ =	shalt  }
0x57: {  	_ =	shalt  }
0x58: {  	_ =	shalt  }
0x59: {  	_ =	shalt  }
0x5a: {  	_ =	shalt  }
0x5b: {  	_ =	shalt  }
0x5c: {  	_ =	shalt  }
0x5d: {  	_ =	shalt  }
0x5e: {  	_ =	shalt  }
0x5f: {  	_ =	shalt  }
0x60: {  	_ =	shalt  }
0x61: {  	_ =	shalt  }
0x62: {  	_ =	shalt  }
0x63: {  	_ =	shalt  }
0x64: {  	_ =	shalt  }
0x65: {  	_ =	shalt  }
0x66: {  	_ =	shalt  }
0x67: {  	_ =	shalt  }
0x68: {  	_ =	shalt  }
0x69: {  	_ =	shalt  }
0x6a: {  	_ =	shalt  }
0x6b: {  	_ =	shalt  }
0x6c: {  	_ =	shalt  }
0x6d: {  	_ =	shalt  }
0x6e: {  	_ =	shalt  }
0x6f: {  	_ =	shalt  }
0x70: {  	_ =	shalt  }
0x71: {  	_ =	shalt  }
0x72: {  	_ =	shalt  }
0x73: {  	_ =	shalt  }
0x74: {  	_ =	shalt  }
0x75: {  	_ =	shalt  }
0x76: {  	_ =	shalt  }
0x77: {  	_ =	shalt  }
0x78: {  	_ =	shalt  }
0x79: {  	_ =	shalt  }
0x7a: {  	_ =	shalt  }
0x7b: {  	_ =	shalt  }
0x7c: {  	_ =	shalt  }
0x7d: {  	_ =	shalt  }
0x7e: {  	_ =	shalt  }
0x7f: {  	_ =	shalt  }
0x80: {  	_ =	shalt  }
0x81: {  	_ =	shalt  }
0x82: {  	_ =	shalt  }
0x83: {  	_ =	shalt  }
0x84: {  	_ =	shalt  }
0x85: {  	_ =	shalt  }
0x86: {  	_ =	shalt  }
0x87: {  	_ =	shalt  }
.Lfunc_end0:
.L_simem_size_0:
called_computation.1_lowered:
.L_overlay_start_0:
0x88: {  	s2 =	sld [smem:$0x3FD9]  }
0x89: {  	s3 =	sld [smem:$0x3FFE];
	_ =	sdelay $0x1  }
0x8a: {  	s1 =	srdreg.scid  }
0x8b: {  	s0 =	sand.u32 $0x1, s1  }
0x8c: {  	s16 =	sshll.u32 s0, $0xA;
	s2 =	sadd.s32 s3, s2  }
0x8d: {  	s2 =	sadd.s32 s2, s16  }
0x8e: {  	[smem:$0x3FC2] =	sst s2  }
0x8f: {  	_ = 	snop  }
0x90: {  	(tm) =	ssettm $0x1  }
0x91: {  	s17 =	sld [smem:$0x3FFB];
	_ =	sdelay $0x3  }
0x92: {  	_ =	strace s17  }
0x93: {  	s2 =	sld [smem:$0x3FFC];
	_ =	sdelay $0x3  }
0x94: {  	_ =	strace s2  }
0x95: {  	s2 =	sld [smem:$0x3FFD];
	_ =	sdelay $0x3  }
0x96: {  	_ =	strace s2  }
0x97: {  	_ =	strace $0x8FFFFFFF  }
0x98: {  	s18 =	sld [smem:$0x3FDB];
	_ =	sdelay $0x1  }
0x99: {  	s19 =	simm.s32 $_scs_section_size  }
0x9a: {  	s4 =	simm.s32 $_size__tile_overlayer_lowered;
	s5 =	simm.s32 $_tile_overlayer_lowered  }
0x9b: {  	s22 =	simm.s32 $0x1BFF;
	s21 =	sshll.u32 s5, $0x1;
	s2 =	sadd.s32 s19, s18  }
0x9c: {  	s6 =	simm.s32 $0x0;
	s20 =	sshll.u32 s4, $0x1;
	s4 =	sadd.s32 s21, s2  }
0x9d: {  	[timem:s6], [sflag:s22] =	dma.local [hbm:s4], s20  }
0x9e: {  	_ =	swait.ge [sflag:s22], s20  }
0x9f: {  	s3 =	ssub.s32 $0x0, s20;
	[sflag:s22] =	ssyncset.done $0x0  }
0xa0: {  	[sflag:s22] =	ssyncadd.s32 s3;
	_ =	sdelay $0x1  }
0xa1: {  	s23 =	simm.s32 $0x1B8B  }
0xa2: {  	_ =	swait.ge [sflag:s23], $0x1  }
0xa3: {  	[sflag:s23] =	ssyncset.done $0x0  }
0xa4: {  	s25 =	simm.s32 $0x1B8E;
	s24 =	sld [smem:$0x3FFE];
	[sflag:s23] =	ssyncadd.s32 $0xFFFFFFFF  }
0xa5: {  	s26 =	simm.s32 $execute0_lowered;
	[smem:$0x3FD2] =	sst s25  }
0xa6: {  	s4 =	sshll.u32 s26, $0x1;
	_ =	strace $0x80000049;
	[dreg:$0x1] =	wrdreg $0xFFFFFFFF  }
0xa7: {  	s28 =	simm.s32 $_size_execute0_lowered;
	s2 =	sadd.s32 s2, s4;
	[dreg:$0x0] =	wrdreg $0x0  }
0xa8: {  	s4 =	sshll.u32 s28, $0x1;
	[dreg:$0x2] =	wrdreg s2  }
0xa9: {  	[dreg:$0x3] =	wrdreg s4  }
0xaa: {  	[dreg:$0x4] =	wrdreg $0xC0  }
0xab: {  	_ =	task [dreg:s6], $0x5FFFF  }
0xac: {  	[dreg:$0x1] =	wrdreg $0xFFFFFFFF  }
0xad: {  	[dreg:$0x0] =	wrdreg $0x60  }
0xae: {  	[dreg:$0x2] =	wrdreg s24  }
0xaf: {  	[dreg:$0x3] =	wrdreg $0xA0000  }
0xb0: {  	[dreg:$0x4] =	wrdreg $0x9  }
0xb1: {  	_ =	task.clear_ibuf [dreg:s6], $0x5FFFF;
	_ =	strace $0x90000049  }
0xb2: {  	s29 =	simm.s32 $0x9;
	_ =	strace $0x8000004B  }
0xb3: {  	_ =	swait.ge [sflag:s29], $0x1  }
0xb4: {  	[sflag:s29] =	ssyncadd.s32 $0xFFFFFFFF  }
0xb5: {  	_ =	strace $0x9000004B  }
0xb6: {  	_ =	sfence  }
0xb7: {  	s30 =	sld [smem:$0x0];
	_ =	sdelay $0x2  }
0xb8: {  	s31 =	sshll.u32 s1, $0xD;
	s1 =	sshrl.u32 s1, $0x2  }
0xb9: {  	s3 =	sand.u32 $0x4000, s31;
	s1 =	sadd.s32 s1, s30  }
0xba: {  	s0 =	sor.u32 s3, s0;
	s1 =	sshll.u32 s1, $0x11  }
0xbb: {  	s0 =	sor.u32 s1, s0  }
0xbc: {  	s0 =	sadd.s32 $0x8F2B, s0  }
0xbd: {  	[sflag:s0] =	ssyncadd.remote.s32 $0x1  }
0xbe: {  	_ =	sfence.sel $0xFFFF  }
0xbf: {  	[dreg:$0x0] =	wrdreg $0xFFFFFFFF;
	(pc) =	sbr.abs _section_cstart, $3  }
0xc0: {  	[dreg:$0x1] =	wrdreg $0xFFFFFFFF  }
0xc1: {  	_ =	task.clear_ibuf [dreg:s6], $0x2FFFF;
	_ =	strace $0x9FFFFFFF  }
0xc2: {  	(tm) =	ssettm $0x7FFFFFFF  }
0xc3: {  	_ =	shalt  }
tec
execute0_lowered:
.L_overlay_start_1:
0x0: {  	(tag) =	ssettag $0x1  }
0x1: {  	s0 =	rddreg [dreg:$0x0];
	s1 =	srdreg.scid  }
0x2: {  	s2 =	rddreg [dreg:$0x1];
	s14 =	stileid.u32  }
0x3: {  	s4 =	simm.s32 $0x0;
	s28 =	simm.s32 $0x1;
	s29 =	simm.s32 $0x6000  }
0x4: {  	s30 =	simm.s32 $0x2;
	s31 =	simm.s32 $0x0;
	s1 =	sand.u32 $0x1, s1  }
0x5: {  	[smem:$0x7FF] =	sst s4;
	s10 =	smul.u32 $0x280, s14;
	s4 =	sadd.s32 $0xC800, s0  }
0x6: {  	s7 =	smul.u32 $0x50000, s14;
	s5 =	sadd.s32 $0x2800, s0;
	s3 =	sshll.u32 s1, $0x4  }
0x7: {  	s16 =	smul.u32 $0x28000, s1;
	_ =	strace $0x8000004A;
	s1 =	ssub.s32 $0x2, s1  }
0x8: {  	s3 =	sor.u32 s14, s3;
	s6 =	sshrl.u32 s1, $0x1;
	s8 =	sshrl.u32 s7, $0x2  }
0x9: {  	s15 =	sadd.s32 $0x80, s10;
	s21 =	sadd.s32 $0x100, s10;
	s14 =	smul.u32 $0x2800, s14  }
0xa: {  	s17 =	sadd.s32 $0x180, s10;
	s18 =	sadd.s32 $0x200, s10;
	s3 =	smul.u32 $0x500, s3  }
0xb: {  	s0 =	sadd.s32 s16, s0;
	s1 =	ssub.s32 s1, s6;
	s8 =	sadd.s32 s8, s2  }
0xc: {  	s20 =	sshll.u32 s15, $0x7;
	s11 =	sshll.u32 s21, $0x7;
	s12 =	sshll.u32 s17, $0x7  }
0xd: {  	s23 =	sshll.u32 s18, $0x7;
	s22 =	sshll.u32 s15, $0x4;
	s17 =	sshll.u32 s17, $0x4  }
0xe: {  	s25 =	sshll.u32 s18, $0x4;
	s18 =	simm.s32 $0x2000;
	s9 =	sadd.s32 s20, s2  }
0xf: {  	s10 =	sadd.s32 s11, s2;
	s11 =	sadd.s32 s12, s2;
	s12 =	sadd.s32 s23, s2  }
0x10: {  	s13 =	sadd.s32 $0x16800, s0;
	s24 =	smax.u32 s1, $0x1;
	s26 =	sadd.s32 s14, s16  }
0x11: {  	s20 =	simm.s32 $0x3;
	s19 =	sadd.s32 s4, s3;
	s3 =	sadd.s32 s5, s3  }
0x12: {  	[dreg:$0x5] =	wrdreg s24;
	s0 =	sadd.s32 $0x800, s26;
	s22 =	sadd.s32 s22, s13  }
0x13: {  	s24 =	sadd.s32 s17, s13;
	s25 =	sadd.s32 s25, s13;
	[dreg:$0x3] =	wrdreg s19  }
0x14: {  	s26 =	simm.s32 $0x80;
	[dreg:$0x4] =	wrdreg s3;
	s3 =	sshll.u32 s21, $0x4  }
0x15: {  	v0 =	vimm.f32 $0.0e+00;
	s19 =	simm.s32 $0x5;
	s21 =	simm.s32 $0x4;
	s23 =	sadd.s32 s3, s13  }
.LBB2_1:
0x16: {  	s1 =	simm.s32 $0x0;
	s3 =	rddreg [dreg:$0x3]  }
0x17: {  	[tilespmem:s1], [sflag:$0x3] =	stream.linear.gather [hbm4b:s3+s1], $0x800, $0x38;
	[tilespmem:$0x1E000] =	vst v63  }
0x18: {  	s17 =	rddreg [dreg:$0x4];
	s6 =	simm.s32 $0x1000  }
0x19: {  	[tilespmem:s6], [sflag:$0x4] =	stream.linear.gather [hbm4b:s17+s1], $0x800, $0x38;
	[tilespmem:$0x1E000] =	vst v63  }
0x1a: {  	s3 =	simm.s32 $0x200;
	s1 =	simm.s32 $0x0  }
.LBB2_2:
0x1b: {  	p0 =	sne.s32 s3, $0xFE00;
	[tilespmem:s1+$0x2070] =	vst v0  }
0x1c: {  	[tilespmem:s1+$0x2000] =	vst v0  }
0x1d: {  	[tilespmem:s1+$0x2010] =	vst v0  }
.Ltmp0:
0x1e: {  	[tilespmem:s1+$0x2020] =	vst v0;
	(pc) =	sbr.rel @p0 .LBB2_2-.Ltmp0, $4  }
0x1f: {  	[tilespmem:s1+$0x2030] =	vst v0  }
0x20: {  	[tilespmem:s1+$0x2040] =	vst v0  }
0x21: {  	[tilespmem:s1+$0x2050] =	vst v0  }
0x22: {  	[tilespmem:s1+$0x2060] =	vst v0;
	s1 =	sshra.s32 s3, $0x2;
	s3 =	sadd.s32 $0x200, s3  }
0x23: {  	[tilespmem:s1+$0x2070] =	vst v0  }
0x24: {  	[tilespmem:s1+$0x2000] =	vst v0  }
0x25: {  	[tilespmem:s1+$0x2010] =	vst v0  }
0x26: {  	[tilespmem:s1+$0x2020] =	vst v0  }
0x27: {  	[tilespmem:s1+$0x2030] =	vst v0  }
0x28: {  	[tilespmem:s1+$0x2040] =	vst v0  }
0x29: {  	[tilespmem:s1+$0x2050] =	vst v0  }
0x2a: {  	[tilespmem:s1+$0x2060] =	vst v0  }
0x2b: {  	[spmem:s8] =	stream.linear.scatter [tilespmem:s18], [sflag:$0x5], $0x4000, $0x38;
	[tilespmem:$0x1E000] =	vst v63  }
0x2c: {  	_ =	swait.ge [sflag:s19], $0x4000  }
0x2d: {  	[sflag:s19] =	ssyncset.done $0x0  }
0x2e: {  	[sflag:s19] =	ssyncadd.s32 $0xFFFFC000  }
0x2f: {  	[spmem:s9] =	stream.linear.scatter [tilespmem:s18], [sflag:$0x5], $0x4000, $0x38;
	[tilespmem:$0x1E000] =	vst v63  }
0x30: {  	_ =	swait.ge [sflag:s19], $0x4000  }
0x31: {  	[sflag:s19] =	ssyncset.done $0x0  }
0x32: {  	[sflag:s19] =	ssyncadd.s32 $0xFFFFC000  }
0x33: {  	[spmem:s10] =	stream.linear.scatter [tilespmem:s18], [sflag:$0x5], $0x4000, $0x38;
	[tilespmem:$0x1E000] =	vst v63  }
0x34: {  	_ =	swait.ge [sflag:s19], $0x4000  }
0x35: {  	[sflag:s19] =	ssyncset.done $0x0  }
0x36: {  	[sflag:s19] =	ssyncadd.s32 $0xFFFFC000  }
0x37: {  	[spmem:s11] =	stream.linear.scatter [tilespmem:s18], [sflag:$0x5], $0x4000, $0x38;
	[tilespmem:$0x1E000] =	vst v63  }
0x38: {  	_ =	swait.ge [sflag:s19], $0x4000  }
0x39: {  	[sflag:s19] =	ssyncset.done $0x0  }
0x3a: {  	[sflag:s19] =	ssyncadd.s32 $0xFFFFC000  }
0x3b: {  	[spmem:s12] =	stream.linear.scatter [tilespmem:s18], [sflag:$0x5], $0x4000, $0x38;
	[tilespmem:$0x1E000] =	vst v63  }
0x3c: {  	_ =	swait.ge [sflag:s19], $0x4000  }
0x3d: {  	[sflag:s19] =	ssyncset.done $0x0  }
0x3e: {  	[sflag:s19] =	ssyncadd.s32 $0xFFFFC000  }
0x3f: {  	[bflag:$0x0] =	sbarrier.arrive $0xFFFF  }
0x40: {  	_ =	swait.ge [sflag:s20], $0x800  }
0x41: {  	[sflag:s20] =	ssyncset.done $0x0  }
0x42: {  	[sflag:s20] =	ssyncadd.s32 $0xFFFFF800  }
0x43: {  	_ =	swait.ge [sflag:s21], $0x800  }
0x44: {  	[sflag:s21] =	ssyncset.done $0x0  }
0x45: {  	s1 =	simm.s32 $0x0;
	s16 =	smov.u32 s0;
	[sflag:s21] =	ssyncadd.s32 $0xFFFFF800  }
0x46: {  	[tilespmem:s18], [sflag:$0x1] =	stream.indirect.gather [spmem:s2], $0x80, s1, s26, $0xb8;
	[tilespmem:$0x1E000] =	vst v63  }
.LBB2_4:
0x47: {  	s3 =	sand.u32 $0x1, s1;
	p0 =	seq.s32 s1, $0x4  }
0x48: {  	s17 =	sxor.u32 $0x1, s3;
	s6 =	sshrl.u32 @!p0 s16, $0x3  }
0x49: {  	s15 =	simm.s32 @!p0 $0x0;
	s17 =	sshll.u32 @!p0 s17, $0xB;
	s7 =	sadd.s32 @!p0 s4, s6  }
0x4a: {  	[tilespmem:s17], [sflag:$0x3] =	stream.linear.gather @!p0 [hbm4b:s7+s15], $0x800, $0x38;
	[tilespmem:$0x1E000] =	vst v63  }
0x4b: {  	s6 =	sadd.s32 @!p0 s5, s6;
	s7 =	sor.u32 @!p0 $0x1000, s17  }
0x4c: {  	[tilespmem:s7], [sflag:$0x4] =	stream.linear.gather @!p0 [hbm4b:s6+s15], $0x800, $0x38;
	[tilespmem:$0x1E000] =	vst v63  }
0x4d: {  	_ =	swait.ge [sflag:s28], $0x4000  }
0x4e: {  	s3 =	sshll.u32 s3, $0xB;
	[sflag:s28] =	ssyncset.done $0x0  }
0x4f: {  	s7 =	sor.u32 $0x80, s3;
	[sflag:s28] =	ssyncadd.s32 $0xFFFFC000  }
0x50: {  	[tilespmem:s29], [sflag:$0x2] =	stream.indirect.gather [spmem:s2], $0x80, s7, s26, $0xb8;
	[tilespmem:$0x1E000] =	vst v63  }
0x51: {  	_ =	swait.ge [sflag:s30], $0x4000  }
0x52: {  	[sflag:s30] =	ssyncset.done $0x0  }
0x53: {  	s15 =	sor.u32 $0x100, s3;
	[sflag:s30] =	ssyncadd.s32 $0xFFFFC000  }
0x54: {  	[tilespmem:s18], [sflag:$0x1] =	stream.indirect.gather [spmem:s2], $0x80, s15, s26, $0xb8;
	[tilespmem:$0x1E000] =	vst v63  }
0x55: {  	_ =	swait.ge [sflag:s28], $0x4000  }
0x56: {  	[sflag:s28] =	ssyncset.done $0x0  }
0x57: {  	s7 =	sor.u32 $0x180, s3;
	[sflag:s28] =	ssyncadd.s32 $0xFFFFC000  }
0x58: {  	[tilespmem:s29], [sflag:$0x2] =	stream.indirect.gather [spmem:s2], $0x80, s7, s26, $0xb8;
	[tilespmem:$0x1E000] =	vst v63  }
0x59: {  	_ =	swait.ge [sflag:s30], $0x4000  }
0x5a: {  	[sflag:s30] =	ssyncset.done $0x0  }
0x5b: {  	s15 =	sor.u32 $0x200, s3;
	[sflag:s30] =	ssyncadd.s32 $0xFFFFC000  }
0x5c: {  	[tilespmem:s18], [sflag:$0x1] =	stream.indirect.gather [spmem:s2], $0x80, s15, s26, $0xb8;
	[tilespmem:$0x1E000] =	vst v63  }
0x5d: {  	_ =	swait.ge [sflag:s28], $0x4000  }
0x5e: {  	[sflag:s28] =	ssyncset.done $0x0  }
0x5f: {  	s7 =	sor.u32 $0x280, s3;
	[sflag:s28] =	ssyncadd.s32 $0xFFFFC000  }
0x60: {  	[tilespmem:s29], [sflag:$0x2] =	stream.indirect.gather [spmem:s2], $0x80, s7, s26, $0xb8;
	[tilespmem:$0x1E000] =	vst v63  }
0x61: {  	_ =	swait.ge [sflag:s30], $0x4000  }
0x62: {  	[sflag:s30] =	ssyncset.done $0x0  }
0x63: {  	s15 =	sor.u32 $0x300, s3;
	[sflag:s30] =	ssyncadd.s32 $0xFFFFC000  }
0x64: {  	[tilespmem:s18], [sflag:$0x1] =	stream.indirect.gather [spmem:s2], $0x80, s15, s26, $0xb8;
	[tilespmem:$0x1E000] =	vst v63  }
0x65: {  	_ =	swait.ge [sflag:s28], $0x4000  }
0x66: {  	[sflag:s28] =	ssyncset.done $0x0  }
0x67: {  	s7 =	sor.u32 $0x380, s3;
	[sflag:s28] =	ssyncadd.s32 $0xFFFFC000  }
0x68: {  	[tilespmem:s29], [sflag:$0x2] =	stream.indirect.gather [spmem:s2], $0x80, s7, s26, $0xb8;
	[tilespmem:$0x1E000] =	vst v63  }
0x69: {  	_ =	swait.ge [sflag:s30], $0x4000  }
0x6a: {  	[sflag:s30] =	ssyncset.done $0x0  }
0x6b: {  	s15 =	sor.u32 $0x400, s3;
	[sflag:s30] =	ssyncadd.s32 $0xFFFFC000  }
0x6c: {  	[tilespmem:s18], [sflag:$0x1] =	stream.indirect.gather [spmem:s2], $0x80, s15, s26, $0xb8;
	[tilespmem:$0x1E000] =	vst v63  }
0x6d: {  	_ =	swait.ge [sflag:s28], $0x4000  }
0x6e: {  	[sflag:s28] =	ssyncset.done $0x0  }
0x6f: {  	s7 =	sor.u32 $0x480, s3;
	[sflag:s28] =	ssyncadd.s32 $0xFFFFC000  }
0x70: {  	[tilespmem:s29], [sflag:$0x2] =	stream.indirect.gather [spmem:s2], $0x80, s7, s26, $0xb8;
	[tilespmem:$0x1E000] =	vst v63  }
0x71: {  	_ =	swait.ge [sflag:s30], $0x4000  }
0x72: {  	[sflag:s30] =	ssyncset.done $0x0  }
0x73: {  	s15 =	sor.u32 $0x500, s3;
	[sflag:s30] =	ssyncadd.s32 $0xFFFFC000  }
0x74: {  	[tilespmem:s18], [sflag:$0x1] =	stream.indirect.gather [spmem:s2], $0x80, s15, s26, $0xb8;
	[tilespmem:$0x1E000] =	vst v63  }
0x75: {  	_ =	swait.ge [sflag:s28], $0x4000  }
0x76: {  	[sflag:s28] =	ssyncset.done $0x0  }
0x77: {  	s7 =	sor.u32 $0x580, s3;
	[sflag:s28] =	ssyncadd.s32 $0xFFFFC000  }
0x78: {  	[tilespmem:s29], [sflag:$0x2] =	stream.indirect.gather [spmem:s2], $0x80, s7, s26, $0xb8;
	[tilespmem:$0x1E000] =	vst v63  }
0x79: {  	_ =	swait.ge [sflag:s30], $0x4000  }
0x7a: {  	[sflag:s30] =	ssyncset.done $0x0  }
0x7b: {  	s15 =	sor.u32 $0x600, s3;
	[sflag:s30] =	ssyncadd.s32 $0xFFFFC000  }
0x7c: {  	[tilespmem:s18], [sflag:$0x1] =	stream.indirect.gather [spmem:s2], $0x80, s15, s26, $0xb8;
	[tilespmem:$0x1E000] =	vst v63  }
0x7d: {  	_ =	swait.ge [sflag:s28], $0x4000  }
0x7e: {  	[sflag:s28] =	ssyncset.done $0x0  }
0x7f: {  	s7 =	sor.u32 $0x680, s3;
	[sflag:s28] =	ssyncadd.s32 $0xFFFFC000  }
0x80: {  	[tilespmem:s29], [sflag:$0x2] =	stream.indirect.gather [spmem:s2], $0x80, s7, s26, $0xb8;
	[tilespmem:$0x1E000] =	vst v63  }
0x81: {  	_ =	swait.ge [sflag:s30], $0x4000  }
0x82: {  	[sflag:s30] =	ssyncset.done $0x0  }
0x83: {  	s15 =	sor.u32 $0x700, s3;
	[sflag:s30] =	ssyncadd.s32 $0xFFFFC000  }
0x84: {  	[tilespmem:s18], [sflag:$0x1] =	stream.indirect.gather [spmem:s2], $0x80, s15, s26, $0xb8;
	[tilespmem:$0x1E000] =	vst v63  }
0x85: {  	_ =	swait.ge [sflag:s28], $0x4000  }
0x86: {  	[sflag:s28] =	ssyncset.done $0x0  }
0x87: {  	s3 =	sor.u32 $0x780, s3;
	[sflag:s28] =	ssyncadd.s32 $0xFFFFC000  }
0x88: {  	[tilespmem:s29], [sflag:$0x2] =	stream.indirect.gather [spmem:s2], $0x80, s3, s26, $0xb8;
	[tilespmem:$0x1E000] =	vst v63  }
0x89: {  	_ =	swait.ge [sflag:s30], $0x4000  }
0x8a: {  	[sflag:s30] =	ssyncset.done $0x0  }
0x8b: {  	s1 =	sadd.s32 $0x1, s1;
	s3 =	simm.s32 @!p0 $0x3;
	[sflag:s30] =	ssyncadd.s32 $0xFFFFC000  }
0x8c: {  	p1 =	sne.s32 @!p0 s1, $0x5;
	_ =	swait.ge @!p0 [sflag:s3], $0x800  }
0x8d: {  	p1 =	por p0, !p1;
	[sflag:s3] =	ssyncset.done @!p0 $0x0  }
.Ltmp1:
0x8e: {  	[sflag:s3] =	ssyncadd.s32 @!p0 $0xFFFFF800;
	s3 =	simm.s32 @!p0 $0x4;
	(pc) =	sbr.rel @!p1 .LBB2_4-.Ltmp1, $4  }
0x8f: {  	_ =	swait.ge @!p0 [sflag:s3], $0x800  }
0x90: {  	s16 =	sadd.s32 @!p0 $0x800, s16;
	[sflag:s3] =	ssyncset.done @!p0 $0x0  }
0x91: {  	s6 =	simm.s32 @!p0 $0x2000;
	[sflag:s3] =	ssyncadd.s32 @!p0 $0xFFFFF800;
	s3 =	simm.s32 @!p0 $0x80  }
0x92: {  	[tilespmem:s6], [sflag:$0x1] =	stream.indirect.gather @!p0 [spmem:s2], $0x80, s17, s3, $0xb8;
	[tilespmem:$0x1E000] =	vst v63  }
0x93: {  	s1 =	stileid.u32  }
0x94: {  	[bflag:$0x0] =	sbarrier.arrive $0xFFFF;
	s1 =	sshll.u32 s1, $0x6  }
0x95: {  	s3 =	sadd.s32 s14, s13;
	s6 =	sshrl.u32 s8, $0x3;
	s1 =	sor.u32 $0x1C05, s1  }
0x96: {  	[hbm:s3], [sflag:s1] =	dma.local [spmem:s6], $0x800  }
0x97: {  	_ =	swait.ge [sflag:s19], $0x800  }
0x98: {  	[sflag:s19] =	ssyncset.done $0x0  }
0x99: {  	s6 =	sshrl.u32 s9, $0x3;
	[sflag:s19] =	ssyncadd.s32 $0xFFFFF800  }
0x9a: {  	[hbm:s22], [sflag:s1] =	dma.local [spmem:s6], $0x800  }
0x9b: {  	_ =	swait.ge [sflag:s19], $0x800  }
0x9c: {  	[sflag:s19] =	ssyncset.done $0x0  }
0x9d: {  	s7 =	sshrl.u32 s10, $0x3;
	[sflag:s19] =	ssyncadd.s32 $0xFFFFF800  }
0x9e: {  	[hbm:s23], [sflag:s1] =	dma.local [spmem:s7], $0x800  }
0x9f: {  	_ =	swait.ge [sflag:s19], $0x800  }
0xa0: {  	[sflag:s19] =	ssyncset.done $0x0  }
0xa1: {  	s15 =	sshrl.u32 s11, $0x3;
	[sflag:s19] =	ssyncadd.s32 $0xFFFFF800  }
0xa2: {  	[hbm:s24], [sflag:s1] =	dma.local [spmem:s15], $0x800  }
0xa3: {  	_ =	swait.ge [sflag:s19], $0x800  }
0xa4: {  	[sflag:s19] =	ssyncset.done $0x0  }
0xa5: {  	s16 =	sshrl.u32 s12, $0x3;
	[sflag:s19] =	ssyncadd.s32 $0xFFFFF800  }
0xa6: {  	[hbm:s25], [sflag:s1] =	dma.local [spmem:s16], $0x800  }
0xa7: {  	_ =	swait.ge [sflag:s19], $0x800  }
0xa8: {  	s31 =	sadd.s32 $0x1, s31;
	s17 =	rddreg [dreg:$0x5]  }
0xa9: {  	p0 =	sne.s32 s31, s17  }
.Ltmp2:
0xaa: {  	_ = 	snop;
	(pc) =	sbr.rel @p0 .LBB2_1-.Ltmp2, $3  }
0xab: {  	_ =	sdelay $0x1  }
0xac: {  	[sflag:s19] =	ssyncset.done $0x0  }
0xad: {  	[sflag:s19] =	ssyncadd.s32 $0xFFFFF800  }
0xae: {  	_ =	sfence.sel $0x180000  }
0xaf: {  	[bflag:$0x0] =	sbarrier.arrive $0xFFFF  }
0xb0: {  	_ =	strace $0x9000004A  }
0xb1: {  	s0 =	stileid.u32;
	[bflag:$0x2] =	sbarrier.arrive $0xFFFF  }
0xb2: {  	p0 =	sne.s32 s0, $0x0;
	s0 =	rddreg [dreg:$0x2]  }
0xb3: {  	s0 =	sadd.s32 @!p0 $0x100000, s0  }
0xb4: {  	[sflag:s0] =	ssyncadd.tile.s32 @!p0 $0x1;
	_ =	shalt  }
.Lfunc_end2:
_tile_overlayer_lowered:
.L_overlay_start_2:
0xb5: {  	(tag) =	ssettag $0x2  }
0xb6: {  	s0 =	rddreg [dreg:$0x0];
	s2 =	stileid.u32  }
0xb7: {  	s1 =	rddreg [dreg:$0x1];
	p0 =	sne.s32 s2, $0x0  }
0xb8: {  	s3 =	rddreg [dreg:$0x2];
	[bflag:$0x3] =	sbarrier.arrive $0xFFFF;
	s2 =	simm.s32 @!p0 $0x1C05  }
0xb9: {  	[timem:s3], [sflag:s2] =	dma.local @!p0 [hbm:s0], s1  }
0xba: {  	s0 =	simm.s32 @!p0 $0x5  }
0xbb: {  	_ =	swait.ge @!p0 [sflag:s0], s1  }
0xbc: {  	s1 =	ssub.s32 @!p0 $0x0, s1;
	[sflag:s0] =	ssyncset.done @!p0 $0x0  }
0xbd: {  	[sflag:s0] =	ssyncadd.s32 @!p0 s1  }
0xbe: {  	[bflag:$0x3] =	sbarrier.arrive $0xFFFF  }
0xbf: {  	_ =	shalt  }

// kernel: kernel.15.cloned.1.call-start
scs
__scs_entry_jumppad:
0x0: {  	(pc) =	sbr.rel $0x88, $3  }
0x1: {  	(tag) =	ssettag $0x0;
	lr =	simm.s32 $0x1  }
0x2: {  	[smem:$0x3F9B] =	sst lr;
	_ =	strace $0xD0000000  }
0x3: {  	_ = 	snop  }
0x4: {  	_ = 	snop  }
0x5: {  	_ = 	snop  }
0x6: {  	_ = 	snop  }
0x7: {  	_ = 	snop  }
__scs_overlays_trampoline_lowered:
0x8: {  	[smem:$0x3FAA] =	sst s0  }
0x9: {  	[smem:$0x3FAB] =	sst s1  }
0xa: {  	[smem:$0x3FAC] =	sst s2  }
0xb: {  	[smem:$0x3FAD] =	sst s3  }
0xc: {  	[smem:$0x3FAE] =	sst s4  }
0xd: {  	[smem:$0x3FAF] =	sst s5  }
0xe: {  	[smem:$0x3FB0] =	sst s6  }
0xf: {  	[smem:$0x3FB1] =	sst s7  }
0x10: {  	[smem:$0x3FB2] =	sst s8  }
0x11: {  	[smem:$0x3FB3] =	sst s9;
	s0 =	simm.s32 @!p0 $0x0  }
0x12: {  	s1 =	sld [smem:$0x3F99];
	s0 =	simm.s32 @p0 $0x1  }
0x13: {  	[smem:$0x3FB4] =	sst s0;
	s0 =	simm.s32 @!p1 $0x0  }
0x14: {  	s2 =	sld [smem:$0x3F98];
	s0 =	simm.s32 @p1 $0x1  }
0x15: {  	[smem:$0x3FB5] =	sst s0;
	s0 =	simm.s32 @!p2 $0x0  }
0x16: {  	s3 =	sld [smem:$0x3FDB];
	s0 =	simm.s32 @p2 $0x1  }
0x17: {  	s4 =	simm.s32 $0x1BF5;
	[smem:$0x3FB7] =	sst s0  }
0x18: {  	s0 =	sld [smem:$0x3F9A];
	_ =	swait.ge [sflag:s4], $0x0  }
0x19: {  	s7 =	sld [smem:$0x3F9B]  }
0x1a: {  	s8 =	sadd.s32 $0xFFFFE003, lr  }
0x1b: {  	s9 =	sadd.s32 $0xFFFFFEF7, lr;
	s5 =	simm.s32 $0xFFFFFFFF;
	p2 =	slt.u32 s8, $0xFFFFF086  }
0x1c: {  	p1 =	slt.u32 s9, $0xF7A;
	s5 =	simm.s32 @!p2 $0x0  }
0x1d: {  	s5 =	simm.s32 @p1 $0x1;
	p0 =	seq.s32 s7, s2  }
0x1e: {  	s7 =	smul.u32 @!p0 $0xF7A, s2;
	p2 =	seq.s32 @!p0 s5, $0x0  }
0x1f: {  	s9 =	smul.u32 $0xF7A, s1;
	s8 =	simm.s32 @!p0 $0x1BF5;
	p2 =	por !p2, p0  }
0x20: {  	[sflag:s8] =	ssyncset.s32 @!p0 $0xFFFFF086;
	s6 =	sadd.s32 @!p0 s3, s7;
	s7 =	simm.s32 @!p0 $0x108  }
0x21: {  	s3 =	sadd.s32 s3, s9;
	s6 =	sadd.s32 @!p0 $0x88, s6;
	s7 =	simm.s32 @p2 $0x1082  }
0x22: {  	[simem:s7], [sflag:s8] =	dma.local @!p0 [hbm:s6], $0xF7A  }
0x23: {  	s9 =	sor.u32 $0xD0000000, s2;
	s6 =	simm.s32 $0x108;
	_ =	swait.ge @!p0 [sflag:s8], $0x0  }
0x24: {  	s3 =	sadd.s32 $0x88, s3;
	s6 =	simm.s32 @!p1 $0x1082;
	[sflag:s4] =	ssyncset.s32 $0xFFFFF086  }
0x25: {  	[simem:s6], [sflag:s4] =	dma.local [hbm:s3], $0xF7A  }
0x26: {  	[smem:$0x3F9B] =	sst s1;
	(tag) =	ssettag s2;
	_ =	strace s9  }
0x27: {  	s1 =	sld [smem:$0x3FAB]  }
0x28: {  	s2 =	sld [smem:$0x3FAC]  }
0x29: {  	s4 =	sld [smem:$0x3FAE]  }
0x2a: {  	p0 =	seq.s32 s5, $0x0;
	s5 =	sld [smem:$0x3FAF]  }
0x2b: {  	s6 =	sld [smem:$0x3FB0]  }
0x2c: {  	s7 =	sld [smem:$0x3FB1]  }
0x2d: {  	s3 =	simm.s32 $0x108;
	s8 =	sld [smem:$0x3FB2]  }
0x2e: {  	s3 =	simm.s32 @!p0 $0x1082;
	s9 =	sld [smem:$0x3FB3]  }
0x2f: {  	lr =	sadd.s32 s0, s3;
	s0 =	sld [smem:$0x3FAA]  }
0x30: {  	s3 =	sld [smem:$0x3FAD]  }
0x31: {  	[smem:$0x3FB6] =	sst s10  }
0x32: {  	s10 =	sld [smem:$0x3FB4];
	_ =	sdelay $0x3  }
0x33: {  	p0 =	seq.s32 s10, $0x1;
	s10 =	sld [smem:$0x3FB6];
	_ =	sdelay $0x3  }
0x34: {  	[smem:$0x3FB6] =	sst s10  }
0x35: {  	s10 =	sld [smem:$0x3FB5];
	_ =	sdelay $0x3  }
0x36: {  	p1 =	seq.s32 s10, $0x1;
	s10 =	sld [smem:$0x3FB6];
	_ =	sdelay $0x3  }
0x37: {  	[smem:$0x3FB6] =	sst s10  }
0x38: {  	s10 =	sld [smem:$0x3FB7]  }
0x39: {  	_ = 	snop;
	(pc) =	sbr.ind lr, $3  }
0x3a: {  	_ = 	snop  }
0x3b: {  	_ = 	snop  }
0x3c: {  	p2 =	seq.s32 s10, $0x1;
	s10 =	sld [smem:$0x3FB6]  }
0x3d: {  	_ =	shalt  }
0x3e: {  	_ =	shalt  }
0x3f: {  	_ =	shalt  }
0x40: {  	_ =	shalt  }
0x41: {  	_ =	shalt  }
0x42: {  	_ =	shalt  }
0x43: {  	_ =	shalt  }
0x44: {  	_ =	shalt  }
0x45: {  	_ =	shalt  }
0x46: {  	_ =	shalt  }
0x47: {  	_ =	shalt  }
0x48: {  	_ =	shalt  }
0x49: {  	_ =	shalt  }
0x4a: {  	_ =	shalt  }
0x4b: {  	_ =	shalt  }
0x4c: {  	_ =	shalt  }
0x4d: {  	_ =	shalt  }
0x4e: {  	_ =	shalt  }
0x4f: {  	_ =	shalt  }
0x50: {  	_ =	shalt  }
0x51: {  	_ =	shalt  }
0x52: {  	_ =	shalt  }
0x53: {  	_ =	shalt  }
0x54: {  	_ =	shalt  }
0x55: {  	_ =	shalt  }
0x56: {  	_ =	shalt  }
0x57: {  	_ =	shalt  }
0x58: {  	_ =	shalt  }
0x59: {  	_ =	shalt  }
0x5a: {  	_ =	shalt  }
0x5b: {  	_ =	shalt  }
0x5c: {  	_ =	shalt  }
0x5d: {  	_ =	shalt  }
0x5e: {  	_ =	shalt  }
0x5f: {  	_ =	shalt  }
0x60: {  	_ =	shalt  }
0x61: {  	_ =	shalt  }
0x62: {  	_ =	shalt  }
0x63: {  	_ =	shalt  }
0x64: {  	_ =	shalt  }
0x65: {  	_ =	shalt  }
0x66: {  	_ =	shalt  }
0x67: {  	_ =	shalt  }
0x68: {  	_ =	shalt  }
0x69: {  	_ =	shalt  }
0x6a: {  	_ =	shalt  }
0x6b: {  	_ =	shalt  }
0x6c: {  	_ =	shalt  }
0x6d: {  	_ =	shalt  }
0x6e: {  	_ =	shalt  }
0x6f: {  	_ =	shalt  }
0x70: {  	_ =	shalt  }
0x71: {  	_ =	shalt  }
0x72: {  	_ =	shalt  }
0x73: {  	_ =	shalt  }
0x74: {  	_ =	shalt  }
0x75: {  	_ =	shalt  }
0x76: {  	_ =	shalt  }
0x77: {  	_ =	shalt  }
0x78: {  	_ =	shalt  }
0x79: {  	_ =	shalt  }
0x7a: {  	_ =	shalt  }
0x7b: {  	_ =	shalt  }
0x7c: {  	_ =	shalt  }
0x7d: {  	_ =	shalt  }
0x7e: {  	_ =	shalt  }
0x7f: {  	_ =	shalt  }
0x80: {  	_ =	shalt  }
0x81: {  	_ =	shalt  }
0x82: {  	_ =	shalt  }
0x83: {  	_ =	shalt  }
0x84: {  	_ =	shalt  }
0x85: {  	_ =	shalt  }
0x86: {  	_ =	shalt  }
0x87: {  	_ =	shalt  }
.Lfunc_end0:
.L_simem_size_0:
called_computation.2_lowered:
.L_overlay_start_0:
0x88: {  	s2 =	sld [smem:$0x3FD9]  }
0x89: {  	s3 =	sld [smem:$0x3FFE];
	_ =	sdelay $0x1  }
0x8a: {  	s1 =	srdreg.scid  }
0x8b: {  	s0 =	sand.u32 $0x1, s1  }
0x8c: {  	s16 =	sshll.u32 s0, $0xA;
	s2 =	sadd.s32 s3, s2  }
0x8d: {  	s2 =	sadd.s32 s2, s16  }
0x8e: {  	[smem:$0x3FC2] =	sst s2  }
0x8f: {  	_ = 	snop  }
0x90: {  	(tm) =	ssettm $0x1  }
0x91: {  	s17 =	sld [smem:$0x3FFB];
	_ =	sdelay $0x3  }
0x92: {  	_ =	strace s17  }
0x93: {  	s2 =	sld [smem:$0x3FFC];
	_ =	sdelay $0x3  }
0x94: {  	_ =	strace s2  }
0x95: {  	s2 =	sld [smem:$0x3FFD];
	_ =	sdelay $0x3  }
0x96: {  	_ =	strace s2  }
0x97: {  	_ =	strace $0x8FFFFFFF  }
0x98: {  	s18 =	sld [smem:$0x3FDB];
	_ =	sdelay $0x1  }
0x99: {  	s19 =	simm.s32 $_scs_section_size  }
0x9a: {  	s4 =	simm.s32 $_size__tile_overlayer_lowered;
	s5 =	simm.s32 $_tile_overlayer_lowered  }
0x9b: {  	s22 =	simm.s32 $0x1BFF;
	s21 =	sshll.u32 s5, $0x1;
	s2 =	sadd.s32 s19, s18  }
0x9c: {  	s6 =	simm.s32 $0x0;
	s20 =	sshll.u32 s4, $0x1;
	s4 =	sadd.s32 s21, s2  }
0x9d: {  	[timem:s6], [sflag:s22] =	dma.local [hbm:s4], s20  }
0x9e: {  	_ =	swait.ge [sflag:s22], s20  }
0x9f: {  	s3 =	ssub.s32 $0x0, s20;
	[sflag:s22] =	ssyncset.done $0x0  }
0xa0: {  	[sflag:s22] =	ssyncadd.s32 s3;
	_ =	sdelay $0x1  }
0xa1: {  	s23 =	simm.s32 $0x1B8B  }
0xa2: {  	_ =	swait.ge [sflag:s23], $0x1  }
0xa3: {  	[sflag:s23] =	ssyncset.done $0x0  }
0xa4: {  	s25 =	simm.s32 $0x1B8E;
	s24 =	sld [smem:$0x3FFE];
	[sflag:s23] =	ssyncadd.s32 $0xFFFFFFFF  }
0xa5: {  	s26 =	simm.s32 $execute0_lowered;
	[smem:$0x3FD2] =	sst s25  }
0xa6: {  	s4 =	sshll.u32 s26, $0x1;
	_ =	strace $0x8000004C;
	[dreg:$0x1] =	wrdreg $0xFFFFFFFF  }
0xa7: {  	s28 =	simm.s32 $_size_execute0_lowered;
	s2 =	sadd.s32 s2, s4;
	[dreg:$0x0] =	wrdreg $0x0  }
0xa8: {  	s4 =	sshll.u32 s28, $0x1;
	[dreg:$0x2] =	wrdreg s2  }
0xa9: {  	[dreg:$0x3] =	wrdreg s4  }
0xaa: {  	[dreg:$0x4] =	wrdreg $0xC0  }
0xab: {  	_ =	task [dreg:s6], $0x5FFFF  }
0xac: {  	[dreg:$0x1] =	wrdreg $0xFFFFFFFF  }
0xad: {  	[dreg:$0x0] =	wrdreg $0x60  }
0xae: {  	[dreg:$0x2] =	wrdreg s24  }
0xaf: {  	[dreg:$0x3] =	wrdreg $0xA0000  }
0xb0: {  	[dreg:$0x4] =	wrdreg $0x9  }
0xb1: {  	_ =	task.clear_ibuf [dreg:s6], $0x5FFFF;
	_ =	strace $0x9000004C  }
0xb2: {  	s29 =	simm.s32 $0x9;
	_ =	strace $0x8000004E  }
0xb3: {  	_ =	swait.ge [sflag:s29], $0x1  }
0xb4: {  	[sflag:s29] =	ssyncadd.s32 $0xFFFFFFFF  }
0xb5: {  	_ =	strace $0x9000004E  }
0xb6: {  	_ =	sfence  }
0xb7: {  	s30 =	sld [smem:$0x0];
	_ =	sdelay $0x2  }
0xb8: {  	s31 =	sshll.u32 s1, $0xD;
	s1 =	sshrl.u32 s1, $0x2  }
0xb9: {  	s3 =	sand.u32 $0x4000, s31;
	s1 =	sadd.s32 s1, s30  }
0xba: {  	s0 =	sor.u32 s3, s0;
	s1 =	sshll.u32 s1, $0x11  }
0xbb: {  	s0 =	sor.u32 s1, s0  }
0xbc: {  	s0 =	sadd.s32 $0x8F2B, s0  }
0xbd: {  	[sflag:s0] =	ssyncadd.remote.s32 $0x1  }
0xbe: {  	_ =	sfence.sel $0xFFFF  }
0xbf: {  	[dreg:$0x0] =	wrdreg $0xFFFFFFFF;
	(pc) =	sbr.abs _section_cstart, $3  }
0xc0: {  	[dreg:$0x1] =	wrdreg $0xFFFFFFFF  }
0xc1: {  	_ =	task.clear_ibuf [dreg:s6], $0x2FFFF;
	_ =	strace $0x9FFFFFFF  }
0xc2: {  	(tm) =	ssettm $0x7FFFFFFF  }
0xc3: {  	_ =	shalt  }
tec
execute0_lowered:
.L_overlay_start_1:
0x0: {  	(tag) =	ssettag $0x1  }
0x1: {  	s0 =	rddreg [dreg:$0x0];
	s1 =	srdreg.scid  }
0x2: {  	s2 =	rddreg [dreg:$0x1];
	s14 =	stileid.u32  }
0x3: {  	s4 =	simm.s32 $0x0;
	s28 =	simm.s32 $0x1;
	s29 =	simm.s32 $0x6000  }
0x4: {  	s30 =	simm.s32 $0x2;
	s31 =	simm.s32 $0x0;
	s1 =	sand.u32 $0x1, s1  }
0x5: {  	[smem:$0x7FF] =	sst s4;
	s10 =	smul.u32 $0x280, s14;
	s4 =	sadd.s32 $0xC800, s0  }
0x6: {  	s7 =	smul.u32 $0x50000, s14;
	s5 =	sadd.s32 $0x2800, s0;
	s3 =	sshll.u32 s1, $0x4  }
0x7: {  	s16 =	smul.u32 $0x28000, s1;
	_ =	strace $0x8000004D;
	s1 =	ssub.s32 $0x2, s1  }
0x8: {  	s3 =	sor.u32 s14, s3;
	s6 =	sshrl.u32 s1, $0x1;
	s8 =	sshrl.u32 s7, $0x2  }
0x9: {  	s15 =	sadd.s32 $0x80, s10;
	s21 =	sadd.s32 $0x100, s10;
	s14 =	smul.u32 $0x2800, s14  }
0xa: {  	s17 =	sadd.s32 $0x180, s10;
	s18 =	sadd.s32 $0x200, s10;
	s3 =	smul.u32 $0x500, s3  }
0xb: {  	s0 =	sadd.s32 s16, s0;
	s1 =	ssub.s32 s1, s6;
	s8 =	sadd.s32 s8, s2  }
0xc: {  	s20 =	sshll.u32 s15, $0x7;
	s11 =	sshll.u32 s21, $0x7;
	s12 =	sshll.u32 s17, $0x7  }
0xd: {  	s23 =	sshll.u32 s18, $0x7;
	s22 =	sshll.u32 s15, $0x4;
	s17 =	sshll.u32 s17, $0x4  }
0xe: {  	s25 =	sshll.u32 s18, $0x4;
	s18 =	simm.s32 $0x2000;
	s9 =	sadd.s32 s20, s2  }
0xf: {  	s10 =	sadd.s32 s11, s2;
	s11 =	sadd.s32 s12, s2;
	s12 =	sadd.s32 s23, s2  }
0x10: {  	s13 =	sadd.s32 $0x16800, s0;
	s24 =	smax.u32 s1, $0x1;
	s26 =	sadd.s32 s14, s16  }
0x11: {  	s20 =	simm.s32 $0x3;
	s19 =	sadd.s32 s4, s3;
	s3 =	sadd.s32 s5, s3  }
0x12: {  	[dreg:$0x5] =	wrdreg s24;
	s0 =	sadd.s32 $0x800, s26;
	s22 =	sadd.s32 s22, s13  }
0x13: {  	s24 =	sadd.s32 s17, s13;
	s25 =	sadd.s32 s25, s13;
	[dreg:$0x3] =	wrdreg s19  }
0x14: {  	s26 =	simm.s32 $0x80;
	[dreg:$0x4] =	wrdreg s3;
	s3 =	sshll.u32 s21, $0x4  }
0x15: {  	v0 =	vimm.f32 $0.0e+00;
	s19 =	simm.s32 $0x5;
	s21 =	simm.s32 $0x4;
	s23 =	sadd.s32 s3, s13  }
.LBB2_1:
0x16: {  	s1 =	simm.s32 $0x0;
	s3 =	rddreg [dreg:$0x3]  }
0x17: {  	[tilespmem:s1], [sflag:$0x3] =	stream.linear.gather [hbm4b:s3+s1], $0x800, $0x38;
	[tilespmem:$0x1E000] =	vst v63  }
0x18: {  	s17 =	rddreg [dreg:$0x4];
	s6 =	simm.s32 $0x1000  }
0x19: {  	[tilespmem:s6], [sflag:$0x4] =	stream.linear.gather [hbm4b:s17+s1], $0x800, $0x38;
	[tilespmem:$0x1E000] =	vst v63  }
0x1a: {  	s3 =	simm.s32 $0x200;
	s1 =	simm.s32 $0x0  }
.LBB2_2:
0x1b: {  	p0 =	sne.s32 s3, $0xFE00;
	[tilespmem:s1+$0x2070] =	vst v0  }
0x1c: {  	[tilespmem:s1+$0x2000] =	vst v0  }
0x1d: {  	[tilespmem:s1+$0x2010] =	vst v0  }
.Ltmp0:
0x1e: {  	[tilespmem:s1+$0x2020] =	vst v0;
	(pc) =	sbr.rel @p0 .LBB2_2-.Ltmp0, $4  }
0x1f: {  	[tilespmem:s1+$0x2030] =	vst v0  }
0x20: {  	[tilespmem:s1+$0x2040] =	vst v0  }
0x21: {  	[tilespmem:s1+$0x2050] =	vst v0  }
0x22: {  	[tilespmem:s1+$0x2060] =	vst v0;
	s1 =	sshra.s32 s3, $0x2;
	s3 =	sadd.s32 $0x200, s3  }
0x23: {  	[tilespmem:s1+$0x2070] =	vst v0  }
0x24: {  	[tilespmem:s1+$0x2000] =	vst v0  }
0x25: {  	[tilespmem:s1+$0x2010] =	vst v0  }
0x26: {  	[tilespmem:s1+$0x2020] =	vst v0  }
0x27: {  	[tilespmem:s1+$0x2030] =	vst v0  }
0x28: {  	[tilespmem:s1+$0x2040] =	vst v0  }
0x29: {  	[tilespmem:s1+$0x2050] =	vst v0  }
0x2a: {  	[tilespmem:s1+$0x2060] =	vst v0  }
0x2b: {  	[spmem:s8] =	stream.linear.scatter [tilespmem:s18], [sflag:$0x5], $0x4000, $0x38;
	[tilespmem:$0x1E000] =	vst v63  }
0x2c: {  	_ =	swait.ge [sflag:s19], $0x4000  }
0x2d: {  	[sflag:s19] =	ssyncset.done $0x0  }
0x2e: {  	[sflag:s19] =	ssyncadd.s32 $0xFFFFC000  }
0x2f: {  	[spmem:s9] =	stream.linear.scatter [tilespmem:s18], [sflag:$0x5], $0x4000, $0x38;
	[tilespmem:$0x1E000] =	vst v63  }
0x30: {  	_ =	swait.ge [sflag:s19], $0x4000  }
0x31: {  	[sflag:s19] =	ssyncset.done $0x0  }
0x32: {  	[sflag:s19] =	ssyncadd.s32 $0xFFFFC000  }
0x33: {  	[spmem:s10] =	stream.linear.scatter [tilespmem:s18], [sflag:$0x5], $0x4000, $0x38;
	[tilespmem:$0x1E000] =	vst v63  }
0x34: {  	_ =	swait.ge [sflag:s19], $0x4000  }
0x35: {  	[sflag:s19] =	ssyncset.done $0x0  }
0x36: {  	[sflag:s19] =	ssyncadd.s32 $0xFFFFC000  }
0x37: {  	[spmem:s11] =	stream.linear.scatter [tilespmem:s18], [sflag:$0x5], $0x4000, $0x38;
	[tilespmem:$0x1E000] =	vst v63  }
0x38: {  	_ =	swait.ge [sflag:s19], $0x4000  }
0x39: {  	[sflag:s19] =	ssyncset.done $0x0  }
0x3a: {  	[sflag:s19] =	ssyncadd.s32 $0xFFFFC000  }
0x3b: {  	[spmem:s12] =	stream.linear.scatter [tilespmem:s18], [sflag:$0x5], $0x4000, $0x38;
	[tilespmem:$0x1E000] =	vst v63  }
0x3c: {  	_ =	swait.ge [sflag:s19], $0x4000  }
0x3d: {  	[sflag:s19] =	ssyncset.done $0x0  }
0x3e: {  	[sflag:s19] =	ssyncadd.s32 $0xFFFFC000  }
0x3f: {  	[bflag:$0x0] =	sbarrier.arrive $0xFFFF  }
0x40: {  	_ =	swait.ge [sflag:s20], $0x800  }
0x41: {  	[sflag:s20] =	ssyncset.done $0x0  }
0x42: {  	[sflag:s20] =	ssyncadd.s32 $0xFFFFF800  }
0x43: {  	_ =	swait.ge [sflag:s21], $0x800  }
0x44: {  	[sflag:s21] =	ssyncset.done $0x0  }
0x45: {  	s1 =	simm.s32 $0x0;
	s16 =	smov.u32 s0;
	[sflag:s21] =	ssyncadd.s32 $0xFFFFF800  }
0x46: {  	[tilespmem:s18], [sflag:$0x1] =	stream.indirect.gather [spmem:s2], $0x80, s1, s26, $0xb8;
	[tilespmem:$0x1E000] =	vst v63  }
.LBB2_4:
0x47: {  	s3 =	sand.u32 $0x1, s1;
	p0 =	seq.s32 s1, $0x4  }
0x48: {  	s17 =	sxor.u32 $0x1, s3;
	s6 =	sshrl.u32 @!p0 s16, $0x3  }
0x49: {  	s15 =	simm.s32 @!p0 $0x0;
	s17 =	sshll.u32 @!p0 s17, $0xB;
	s7 =	sadd.s32 @!p0 s4, s6  }
0x4a: {  	[tilespmem:s17], [sflag:$0x3] =	stream.linear.gather @!p0 [hbm4b:s7+s15], $0x800, $0x38;
	[tilespmem:$0x1E000] =	vst v63  }
0x4b: {  	s6 =	sadd.s32 @!p0 s5, s6;
	s7 =	sor.u32 @!p0 $0x1000, s17  }
0x4c: {  	[tilespmem:s7], [sflag:$0x4] =	stream.linear.gather @!p0 [hbm4b:s6+s15], $0x800, $0x38;
	[tilespmem:$0x1E000] =	vst v63  }
0x4d: {  	_ =	swait.ge [sflag:s28], $0x4000  }
0x4e: {  	s3 =	sshll.u32 s3, $0xB;
	[sflag:s28] =	ssyncset.done $0x0  }
0x4f: {  	s7 =	sor.u32 $0x80, s3;
	[sflag:s28] =	ssyncadd.s32 $0xFFFFC000  }
0x50: {  	[tilespmem:s29], [sflag:$0x2] =	stream.indirect.gather [spmem:s2], $0x80, s7, s26, $0xb8;
	[tilespmem:$0x1E000] =	vst v63  }
0x51: {  	_ =	swait.ge [sflag:s30], $0x4000  }
0x52: {  	[sflag:s30] =	ssyncset.done $0x0  }
0x53: {  	s15 =	sor.u32 $0x100, s3;
	[sflag:s30] =	ssyncadd.s32 $0xFFFFC000  }
0x54: {  	[tilespmem:s18], [sflag:$0x1] =	stream.indirect.gather [spmem:s2], $0x80, s15, s26, $0xb8;
	[tilespmem:$0x1E000] =	vst v63  }
0x55: {  	_ =	swait.ge [sflag:s28], $0x4000  }
0x56: {  	[sflag:s28] =	ssyncset.done $0x0  }
0x57: {  	s7 =	sor.u32 $0x180, s3;
	[sflag:s28] =	ssyncadd.s32 $0xFFFFC000  }
0x58: {  	[tilespmem:s29], [sflag:$0x2] =	stream.indirect.gather [spmem:s2], $0x80, s7, s26, $0xb8;
	[tilespmem:$0x1E000] =	vst v63  }
0x59: {  	_ =	swait.ge [sflag:s30], $0x4000  }
0x5a: {  	[sflag:s30] =	ssyncset.done $0x0  }
0x5b: {  	s15 =	sor.u32 $0x200, s3;
	[sflag:s30] =	ssyncadd.s32 $0xFFFFC000  }
0x5c: {  	[tilespmem:s18], [sflag:$0x1] =	stream.indirect.gather [spmem:s2], $0x80, s15, s26, $0xb8;
	[tilespmem:$0x1E000] =	vst v63  }
0x5d: {  	_ =	swait.ge [sflag:s28], $0x4000  }
0x5e: {  	[sflag:s28] =	ssyncset.done $0x0  }
0x5f: {  	s7 =	sor.u32 $0x280, s3;
	[sflag:s28] =	ssyncadd.s32 $0xFFFFC000  }
0x60: {  	[tilespmem:s29], [sflag:$0x2] =	stream.indirect.gather [spmem:s2], $0x80, s7, s26, $0xb8;
	[tilespmem:$0x1E000] =	vst v63  }
0x61: {  	_ =	swait.ge [sflag:s30], $0x4000  }
0x62: {  	[sflag:s30] =	ssyncset.done $0x0  }
0x63: {  	s15 =	sor.u32 $0x300, s3;
	[sflag:s30] =	ssyncadd.s32 $0xFFFFC000  }
0x64: {  	[tilespmem:s18], [sflag:$0x1] =	stream.indirect.gather [spmem:s2], $0x80, s15, s26, $0xb8;
	[tilespmem:$0x1E000] =	vst v63  }
0x65: {  	_ =	swait.ge [sflag:s28], $0x4000  }
0x66: {  	[sflag:s28] =	ssyncset.done $0x0  }
0x67: {  	s7 =	sor.u32 $0x380, s3;
	[sflag:s28] =	ssyncadd.s32 $0xFFFFC000  }
0x68: {  	[tilespmem:s29], [sflag:$0x2] =	stream.indirect.gather [spmem:s2], $0x80, s7, s26, $0xb8;
	[tilespmem:$0x1E000] =	vst v63  }
0x69: {  	_ =	swait.ge [sflag:s30], $0x4000  }
0x6a: {  	[sflag:s30] =	ssyncset.done $0x0  }
0x6b: {  	s15 =	sor.u32 $0x400, s3;
	[sflag:s30] =	ssyncadd.s32 $0xFFFFC000  }
0x6c: {  	[tilespmem:s18], [sflag:$0x1] =	stream.indirect.gather [spmem:s2], $0x80, s15, s26, $0xb8;
	[tilespmem:$0x1E000] =	vst v63  }
0x6d: {  	_ =	swait.ge [sflag:s28], $0x4000  }
0x6e: {  	[sflag:s28] =	ssyncset.done $0x0  }
0x6f: {  	s7 =	sor.u32 $0x480, s3;
	[sflag:s28] =	ssyncadd.s32 $0xFFFFC000  }
0x70: {  	[tilespmem:s29], [sflag:$0x2] =	stream.indirect.gather [spmem:s2], $0x80, s7, s26, $0xb8;
	[tilespmem:$0x1E000] =	vst v63  }
0x71: {  	_ =	swait.ge [sflag:s30], $0x4000  }
0x72: {  	[sflag:s30] =	ssyncset.done $0x0  }
0x73: {  	s15 =	sor.u32 $0x500, s3;
	[sflag:s30] =	ssyncadd.s32 $0xFFFFC000  }
0x74: {  	[tilespmem:s18], [sflag:$0x1] =	stream.indirect.gather [spmem:s2], $0x80, s15, s26, $0xb8;
	[tilespmem:$0x1E000] =	vst v63  }
0x75: {  	_ =	swait.ge [sflag:s28], $0x4000  }
0x76: {  	[sflag:s28] =	ssyncset.done $0x0  }
0x77: {  	s7 =	sor.u32 $0x580, s3;
	[sflag:s28] =	ssyncadd.s32 $0xFFFFC000  }
0x78: {  	[tilespmem:s29], [sflag:$0x2] =	stream.indirect.gather [spmem:s2], $0x80, s7, s26, $0xb8;
	[tilespmem:$0x1E000] =	vst v63  }
0x79: {  	_ =	swait.ge [sflag:s30], $0x4000  }
0x7a: {  	[sflag:s30] =	ssyncset.done $0x0  }
0x7b: {  	s15 =	sor.u32 $0x600, s3;
	[sflag:s30] =	ssyncadd.s32 $0xFFFFC000  }
0x7c: {  	[tilespmem:s18], [sflag:$0x1] =	stream.indirect.gather [spmem:s2], $0x80, s15, s26, $0xb8;
	[tilespmem:$0x1E000] =	vst v63  }
0x7d: {  	_ =	swait.ge [sflag:s28], $0x4000  }
0x7e: {  	[sflag:s28] =	ssyncset.done $0x0  }
0x7f: {  	s7 =	sor.u32 $0x680, s3;
	[sflag:s28] =	ssyncadd.s32 $0xFFFFC000  }
0x80: {  	[tilespmem:s29], [sflag:$0x2] =	stream.indirect.gather [spmem:s2], $0x80, s7, s26, $0xb8;
	[tilespmem:$0x1E000] =	vst v63  }
0x81: {  	_ =	swait.ge [sflag:s30], $0x4000  }
0x82: {  	[sflag:s30] =	ssyncset.done $0x0  }
0x83: {  	s15 =	sor.u32 $0x700, s3;
	[sflag:s30] =	ssyncadd.s32 $0xFFFFC000  }
0x84: {  	[tilespmem:s18], [sflag:$0x1] =	stream.indirect.gather [spmem:s2], $0x80, s15, s26, $0xb8;
	[tilespmem:$0x1E000] =	vst v63  }
0x85: {  	_ =	swait.ge [sflag:s28], $0x4000  }
0x86: {  	[sflag:s28] =	ssyncset.done $0x0  }
0x87: {  	s3 =	sor.u32 $0x780, s3;
	[sflag:s28] =	ssyncadd.s32 $0xFFFFC000  }
0x88: {  	[tilespmem:s29], [sflag:$0x2] =	stream.indirect.gather [spmem:s2], $0x80, s3, s26, $0xb8;
	[tilespmem:$0x1E000] =	vst v63  }
0x89: {  	_ =	swait.ge [sflag:s30], $0x4000  }
0x8a: {  	[sflag:s30] =	ssyncset.done $0x0  }
0x8b: {  	s1 =	sadd.s32 $0x1, s1;
	s3 =	simm.s32 @!p0 $0x3;
	[sflag:s30] =	ssyncadd.s32 $0xFFFFC000  }
0x8c: {  	p1 =	sne.s32 @!p0 s1, $0x5;
	_ =	swait.ge @!p0 [sflag:s3], $0x800  }
0x8d: {  	p1 =	por p0, !p1;
	[sflag:s3] =	ssyncset.done @!p0 $0x0  }
.Ltmp1:
0x8e: {  	[sflag:s3] =	ssyncadd.s32 @!p0 $0xFFFFF800;
	s3 =	simm.s32 @!p0 $0x4;
	(pc) =	sbr.rel @!p1 .LBB2_4-.Ltmp1, $4  }
0x8f: {  	_ =	swait.ge @!p0 [sflag:s3], $0x800  }
0x90: {  	s16 =	sadd.s32 @!p0 $0x800, s16;
	[sflag:s3] =	ssyncset.done @!p0 $0x0  }
0x91: {  	s6 =	simm.s32 @!p0 $0x2000;
	[sflag:s3] =	ssyncadd.s32 @!p0 $0xFFFFF800;
	s3 =	simm.s32 @!p0 $0x80  }
0x92: {  	[tilespmem:s6], [sflag:$0x1] =	stream.indirect.gather @!p0 [spmem:s2], $0x80, s17, s3, $0xb8;
	[tilespmem:$0x1E000] =	vst v63  }
0x93: {  	s1 =	stileid.u32  }
0x94: {  	[bflag:$0x0] =	sbarrier.arrive $0xFFFF;
	s1 =	sshll.u32 s1, $0x6  }
0x95: {  	s3 =	sadd.s32 s14, s13;
	s6 =	sshrl.u32 s8, $0x3;
	s1 =	sor.u32 $0x1C05, s1  }
0x96: {  	[hbm:s3], [sflag:s1] =	dma.local [spmem:s6], $0x800  }
0x97: {  	_ =	swait.ge [sflag:s19], $0x800  }
0x98: {  	[sflag:s19] =	ssyncset.done $0x0  }
0x99: {  	s6 =	sshrl.u32 s9, $0x3;
	[sflag:s19] =	ssyncadd.s32 $0xFFFFF800  }
0x9a: {  	[hbm:s22], [sflag:s1] =	dma.local [spmem:s6], $0x800  }
0x9b: {  	_ =	swait.ge [sflag:s19], $0x800  }
0x9c: {  	[sflag:s19] =	ssyncset.done $0x0  }
0x9d: {  	s7 =	sshrl.u32 s10, $0x3;
	[sflag:s19] =	ssyncadd.s32 $0xFFFFF800  }
0x9e: {  	[hbm:s23], [sflag:s1] =	dma.local [spmem:s7], $0x800  }
0x9f: {  	_ =	swait.ge [sflag:s19], $0x800  }
0xa0: {  	[sflag:s19] =	ssyncset.done $0x0  }
0xa1: {  	s15 =	sshrl.u32 s11, $0x3;
	[sflag:s19] =	ssyncadd.s32 $0xFFFFF800  }
0xa2: {  	[hbm:s24], [sflag:s1] =	dma.local [spmem:s15], $0x800  }
0xa3: {  	_ =	swait.ge [sflag:s19], $0x800  }
0xa4: {  	[sflag:s19] =	ssyncset.done $0x0  }
0xa5: {  	s16 =	sshrl.u32 s12, $0x3;
	[sflag:s19] =	ssyncadd.s32 $0xFFFFF800  }
0xa6: {  	[hbm:s25], [sflag:s1] =	dma.local [spmem:s16], $0x800  }
0xa7: {  	_ =	swait.ge [sflag:s19], $0x800  }
0xa8: {  	s31 =	sadd.s32 $0x1, s31;
	s17 =	rddreg [dreg:$0x5]  }
0xa9: {  	p0 =	sne.s32 s31, s17  }
.Ltmp2:
0xaa: {  	_ = 	snop;
	(pc) =	sbr.rel @p0 .LBB2_1-.Ltmp2, $3  }
0xab: {  	_ =	sdelay $0x1  }
0xac: {  	[sflag:s19] =	ssyncset.done $0x0  }
0xad: {  	[sflag:s19] =	ssyncadd.s32 $0xFFFFF800  }
0xae: {  	_ =	sfence.sel $0x180000  }
0xaf: {  	[bflag:$0x0] =	sbarrier.arrive $0xFFFF  }
0xb0: {  	_ =	strace $0x9000004D  }
0xb1: {  	s0 =	stileid.u32;
	[bflag:$0x2] =	sbarrier.arrive $0xFFFF  }
0xb2: {  	p0 =	sne.s32 s0, $0x0;
	s0 =	rddreg [dreg:$0x2]  }
0xb3: {  	s0 =	sadd.s32 @!p0 $0x100000, s0  }
0xb4: {  	[sflag:s0] =	ssyncadd.tile.s32 @!p0 $0x1;
	_ =	shalt  }
.Lfunc_end2:
_tile_overlayer_lowered:
.L_overlay_start_2:
0xb5: {  	(tag) =	ssettag $0x2  }
0xb6: {  	s0 =	rddreg [dreg:$0x0];
	s2 =	stileid.u32  }
0xb7: {  	s1 =	rddreg [dreg:$0x1];
	p0 =	sne.s32 s2, $0x0  }
0xb8: {  	s3 =	rddreg [dreg:$0x2];
	[bflag:$0x3] =	sbarrier.arrive $0xFFFF;
	s2 =	simm.s32 @!p0 $0x1C05  }
0xb9: {  	[timem:s3], [sflag:s2] =	dma.local @!p0 [hbm:s0], s1  }
0xba: {  	s0 =	simm.s32 @!p0 $0x5  }
0xbb: {  	_ =	swait.ge @!p0 [sflag:s0], s1  }
0xbc: {  	s1 =	ssub.s32 @!p0 $0x0, s1;
	[sflag:s0] =	ssyncset.done @!p0 $0x0  }
0xbd: {  	[sflag:s0] =	ssyncadd.s32 @!p0 s1  }
0xbe: {  	[bflag:$0x3] =	sbarrier.arrive $0xFFFF  }
0xbf: {  	_ =	shalt  }

// kernel: kernel.9.cloned.1.call-start
scs
__scs_entry_jumppad:
0x0: {  	(pc) =	sbr.rel $0x88, $3  }
0x1: {  	(tag) =	ssettag $0x0;
	lr =	simm.s32 $0x1  }
0x2: {  	[smem:$0x3F9B] =	sst lr;
	_ =	strace $0xD0000000  }
0x3: {  	_ = 	snop  }
0x4: {  	_ = 	snop  }
0x5: {  	_ = 	snop  }
0x6: {  	_ = 	snop  }
0x7: {  	_ = 	snop  }
__scs_overlays_trampoline_lowered:
0x8: {  	[smem:$0x3FAA] =	sst s0  }
0x9: {  	[smem:$0x3FAB] =	sst s1  }
0xa: {  	[smem:$0x3FAC] =	sst s2  }
0xb: {  	[smem:$0x3FAD] =	sst s3  }
0xc: {  	[smem:$0x3FAE] =	sst s4  }
0xd: {  	[smem:$0x3FAF] =	sst s5  }
0xe: {  	[smem:$0x3FB0] =	sst s6  }
0xf: {  	[smem:$0x3FB1] =	sst s7  }
0x10: {  	[smem:$0x3FB2] =	sst s8  }
0x11: {  	[smem:$0x3FB3] =	sst s9;
	s0 =	simm.s32 @!p0 $0x0  }
0x12: {  	s1 =	sld [smem:$0x3F99];
	s0 =	simm.s32 @p0 $0x1  }
0x13: {  	[smem:$0x3FB4] =	sst s0;
	s0 =	simm.s32 @!p1 $0x0  }
0x14: {  	s2 =	sld [smem:$0x3F98];
	s0 =	simm.s32 @p1 $0x1  }
0x15: {  	[smem:$0x3FB5] =	sst s0;
	s0 =	simm.s32 @!p2 $0x0  }
0x16: {  	s3 =	sld [smem:$0x3FDB];
	s0 =	simm.s32 @p2 $0x1  }
0x17: {  	s4 =	simm.s32 $0x1BF5;
	[smem:$0x3FB7] =	sst s0  }
0x18: {  	s0 =	sld [smem:$0x3F9A];
	_ =	swait.ge [sflag:s4], $0x0  }
0x19: {  	s7 =	sld [smem:$0x3F9B]  }
0x1a: {  	s8 =	sadd.s32 $0xFFFFE003, lr  }
0x1b: {  	s9 =	sadd.s32 $0xFFFFFEF7, lr;
	s5 =	simm.s32 $0xFFFFFFFF;
	p2 =	slt.u32 s8, $0xFFFFF086  }
0x1c: {  	p1 =	slt.u32 s9, $0xF7A;
	s5 =	simm.s32 @!p2 $0x0  }
0x1d: {  	s5 =	simm.s32 @p1 $0x1;
	p0 =	seq.s32 s7, s2  }
0x1e: {  	s7 =	smul.u32 @!p0 $0xF7A, s2;
	p2 =	seq.s32 @!p0 s5, $0x0  }
0x1f: {  	s9 =	smul.u32 $0xF7A, s1;
	s8 =	simm.s32 @!p0 $0x1BF5;
	p2 =	por !p2, p0  }
0x20: {  	[sflag:s8] =	ssyncset.s32 @!p0 $0xFFFFF086;
	s6 =	sadd.s32 @!p0 s3, s7;
	s7 =	simm.s32 @!p0 $0x108  }
0x21: {  	s3 =	sadd.s32 s3, s9;
	s6 =	sadd.s32 @!p0 $0x88, s6;
	s7 =	simm.s32 @p2 $0x1082  }
0x22: {  	[simem:s7], [sflag:s8] =	dma.local @!p0 [hbm:s6], $0xF7A  }
0x23: {  	s9 =	sor.u32 $0xD0000000, s2;
	s6 =	simm.s32 $0x108;
	_ =	swait.ge @!p0 [sflag:s8], $0x0  }
0x24: {  	s3 =	sadd.s32 $0x88, s3;
	s6 =	simm.s32 @!p1 $0x1082;
	[sflag:s4] =	ssyncset.s32 $0xFFFFF086  }
0x25: {  	[simem:s6], [sflag:s4] =	dma.local [hbm:s3], $0xF7A  }
0x26: {  	[smem:$0x3F9B] =	sst s1;
	(tag) =	ssettag s2;
	_ =	strace s9  }
0x27: {  	s1 =	sld [smem:$0x3FAB]  }
0x28: {  	s2 =	sld [smem:$0x3FAC]  }
0x29: {  	s4 =	sld [smem:$0x3FAE]  }
0x2a: {  	p0 =	seq.s32 s5, $0x0;
	s5 =	sld [smem:$0x3FAF]  }
0x2b: {  	s6 =	sld [smem:$0x3FB0]  }
0x2c: {  	s7 =	sld [smem:$0x3FB1]  }
0x2d: {  	s3 =	simm.s32 $0x108;
	s8 =	sld [smem:$0x3FB2]  }
0x2e: {  	s3 =	simm.s32 @!p0 $0x1082;
	s9 =	sld [smem:$0x3FB3]  }
0x2f: {  	lr =	sadd.s32 s0, s3;
	s0 =	sld [smem:$0x3FAA]  }
0x30: {  	s3 =	sld [smem:$0x3FAD]  }
0x31: {  	[smem:$0x3FB6] =	sst s10  }
0x32: {  	s10 =	sld [smem:$0x3FB4];
	_ =	sdelay $0x3  }
0x33: {  	p0 =	seq.s32 s10, $0x1;
	s10 =	sld [smem:$0x3FB6];
	_ =	sdelay $0x3  }
0x34: {  	[smem:$0x3FB6] =	sst s10  }
0x35: {  	s10 =	sld [smem:$0x3FB5];
	_ =	sdelay $0x3  }
0x36: {  	p1 =	seq.s32 s10, $0x1;
	s10 =	sld [smem:$0x3FB6];
	_ =	sdelay $0x3  }
0x37: {  	[smem:$0x3FB6] =	sst s10  }
0x38: {  	s10 =	sld [smem:$0x3FB7]  }
0x39: {  	_ = 	snop;
	(pc) =	sbr.ind lr, $3  }
0x3a: {  	_ = 	snop  }
0x3b: {  	_ = 	snop  }
0x3c: {  	p2 =	seq.s32 s10, $0x1;
	s10 =	sld [smem:$0x3FB6]  }
0x3d: {  	_ =	shalt  }
0x3e: {  	_ =	shalt  }
0x3f: {  	_ =	shalt  }
0x40: {  	_ =	shalt  }
0x41: {  	_ =	shalt  }
0x42: {  	_ =	shalt  }
0x43: {  	_ =	shalt  }
0x44: {  	_ =	shalt  }
0x45: {  	_ =	shalt  }
0x46: {  	_ =	shalt  }
0x47: {  	_ =	shalt  }
0x48: {  	_ =	shalt  }
0x49: {  	_ =	shalt  }
0x4a: {  	_ =	shalt  }
0x4b: {  	_ =	shalt  }
0x4c: {  	_ =	shalt  }
0x4d: {  	_ =	shalt  }
0x4e: {  	_ =	shalt  }
0x4f: {  	_ =	shalt  }
0x50: {  	_ =	shalt  }
0x51: {  	_ =	shalt  }
0x52: {  	_ =	shalt  }
0x53: {  	_ =	shalt  }
0x54: {  	_ =	shalt  }
0x55: {  	_ =	shalt  }
0x56: {  	_ =	shalt  }
0x57: {  	_ =	shalt  }
0x58: {  	_ =	shalt  }
0x59: {  	_ =	shalt  }
0x5a: {  	_ =	shalt  }
0x5b: {  	_ =	shalt  }
0x5c: {  	_ =	shalt  }
0x5d: {  	_ =	shalt  }
0x5e: {  	_ =	shalt  }
0x5f: {  	_ =	shalt  }
0x60: {  	_ =	shalt  }
0x61: {  	_ =	shalt  }
0x62: {  	_ =	shalt  }
0x63: {  	_ =	shalt  }
0x64: {  	_ =	shalt  }
0x65: {  	_ =	shalt  }
0x66: {  	_ =	shalt  }
0x67: {  	_ =	shalt  }
0x68: {  	_ =	shalt  }
0x69: {  	_ =	shalt  }
0x6a: {  	_ =	shalt  }
0x6b: {  	_ =	shalt  }
0x6c: {  	_ =	shalt  }
0x6d: {  	_ =	shalt  }
0x6e: {  	_ =	shalt  }
0x6f: {  	_ =	shalt  }
0x70: {  	_ =	shalt  }
0x71: {  	_ =	shalt  }
0x72: {  	_ =	shalt  }
0x73: {  	_ =	shalt  }
0x74: {  	_ =	shalt  }
0x75: {  	_ =	shalt  }
0x76: {  	_ =	shalt  }
0x77: {  	_ =	shalt  }
0x78: {  	_ =	shalt  }
0x79: {  	_ =	shalt  }
0x7a: {  	_ =	shalt  }
0x7b: {  	_ =	shalt  }
0x7c: {  	_ =	shalt  }
0x7d: {  	_ =	shalt  }
0x7e: {  	_ =	shalt  }
0x7f: {  	_ =	shalt  }
0x80: {  	_ =	shalt  }
0x81: {  	_ =	shalt  }
0x82: {  	_ =	shalt  }
0x83: {  	_ =	shalt  }
0x84: {  	_ =	shalt  }
0x85: {  	_ =	shalt  }
0x86: {  	_ =	shalt  }
0x87: {  	_ =	shalt  }
.Lfunc_end0:
.L_simem_size_0:
called_computation_lowered:
.L_overlay_start_0:
0x88: {  	s2 =	sld [smem:$0x3FD9]  }
0x89: {  	s3 =	sld [smem:$0x3FFE];
	_ =	sdelay $0x1  }
0x8a: {  	s1 =	srdreg.scid  }
0x8b: {  	s0 =	sand.u32 $0x1, s1  }
0x8c: {  	s17 =	sshll.u32 s0, $0xA;
	s2 =	sadd.s32 s3, s2  }
0x8d: {  	s2 =	sadd.s32 s2, s17  }
0x8e: {  	[smem:$0x3FC2] =	sst s2  }
0x8f: {  	_ = 	snop  }
0x90: {  	s2 =	sld [smem:$0x3FD0];
	(tm) =	ssettm $0x1  }
0x91: {  	s18 =	sld [smem:$0x3FFB];
	_ =	sdelay $0x3  }
0x92: {  	_ =	strace s18  }
0x93: {  	s3 =	sld [smem:$0x3FFC];
	_ =	sdelay $0x3  }
0x94: {  	_ =	strace s3  }
0x95: {  	s3 =	sld [smem:$0x3FFD];
	_ =	sdelay $0x3  }
0x96: {  	_ =	strace s3  }
0x97: {  	_ =	strace $0x8FFFFFFF  }
0x98: {  	s19 =	sld [smem:$0x3FDB];
	_ =	sdelay $0x1  }
0x99: {  	s4 =	simm.s32 $_scs_section_size  }
0x9a: {  	s5 =	simm.s32 $_size__tile_overlayer_lowered;
	s6 =	simm.s32 $_tile_overlayer_lowered  }
0x9b: {  	s22 =	simm.s32 $0x1BFF;
	s21 =	sshll.u32 s6, $0x1;
	s3 =	sadd.s32 s4, s19  }
0x9c: {  	s7 =	simm.s32 $0x0;
	s20 =	sshll.u32 s5, $0x1;
	s5 =	sadd.s32 s21, s3  }
0x9d: {  	[timem:s7], [sflag:s22] =	dma.local [hbm:s5], s20  }
0x9e: {  	_ =	swait.ge [sflag:s22], s20  }
0x9f: {  	s4 =	ssub.s32 $0x0, s20;
	[sflag:s22] =	ssyncset.done $0x0  }
0xa0: {  	[sflag:s22] =	ssyncadd.s32 s4;
	_ =	sdelay $0x1  }
0xa1: {  	s23 =	simm.s32 $0x1B8B  }
0xa2: {  	_ =	swait.ge [sflag:s23], $0x1  }
0xa3: {  	[sflag:s23] =	ssyncset.done $0x0  }
0xa4: {  	s25 =	simm.s32 $0x1B8E;
	s24 =	sld [smem:$0x3FFE];
	[sflag:s23] =	ssyncadd.s32 $0xFFFFFFFF  }
0xa5: {  	s26 =	simm.s32 $execute0_lowered;
	[smem:$0x3FD2] =	sst s25  }
0xa6: {  	s5 =	sshll.u32 s26, $0x1;
	_ =	strace $0x80000046;
	[dreg:$0x1] =	wrdreg $0xFFFFFFFF  }
0xa7: {  	s28 =	simm.s32 $_size_execute0_lowered;
	s3 =	sadd.s32 s3, s5;
	[dreg:$0x0] =	wrdreg $0x0  }
0xa8: {  	s5 =	sshll.u32 s28, $0x1;
	[dreg:$0x2] =	wrdreg s3  }
0xa9: {  	[dreg:$0x3] =	wrdreg s5  }
0xaa: {  	[dreg:$0x4] =	wrdreg $0xC0  }
0xab: {  	_ =	task [dreg:s7], $0x5FFFF  }
0xac: {  	[dreg:$0x1] =	wrdreg $0xFFFFFFFF  }
0xad: {  	[dreg:$0x0] =	wrdreg $0x60  }
0xae: {  	[dreg:$0x2] =	wrdreg s24  }
0xaf: {  	[dreg:$0x3] =	wrdreg s2  }
0xb0: {  	[dreg:$0x4] =	wrdreg $0x16C000  }
0xb1: {  	[dreg:$0x5] =	wrdreg $0x9  }
0xb2: {  	_ =	task.clear_ibuf [dreg:s7], $0x6FFFF;
	_ =	strace $0x90000046  }
0xb3: {  	s29 =	simm.s32 $0x9;
	_ =	strace $0x80000048  }
0xb4: {  	_ =	swait.ge [sflag:s29], $0x1  }
0xb5: {  	[sflag:s29] =	ssyncadd.s32 $0xFFFFFFFF  }
0xb6: {  	_ =	strace $0x90000048  }
0xb7: {  	_ =	sfence  }
0xb8: {  	s30 =	sld [smem:$0x0];
	_ =	sdelay $0x2  }
0xb9: {  	s31 =	sshll.u32 s1, $0xD;
	s1 =	sshrl.u32 s1, $0x2  }
0xba: {  	s3 =	sand.u32 $0x4000, s31;
	s1 =	sadd.s32 s1, s30  }
0xbb: {  	s0 =	sor.u32 s3, s0;
	s1 =	sshll.u32 s1, $0x11  }
0xbc: {  	s0 =	sor.u32 s1, s0  }
0xbd: {  	s0 =	sadd.s32 $0x8F2B, s0  }
0xbe: {  	[sflag:s0] =	ssyncadd.remote.s32 $0x1  }
0xbf: {  	_ =	sfence.sel $0xFFFF  }
0xc0: {  	[dreg:$0x0] =	wrdreg $0xFFFFFFFF;
	(pc) =	sbr.abs _section_cstart, $3  }
0xc1: {  	[dreg:$0x1] =	wrdreg $0xFFFFFFFF  }
0xc2: {  	_ =	task.clear_ibuf [dreg:s7], $0x2FFFF;
	_ =	strace $0x9FFFFFFF  }
0xc3: {  	(tm) =	ssettm $0x7FFFFFFF  }
tec
execute0_lowered:
.L_overlay_start_1:
0x0: {  	(tag) =	ssettag $0x1  }
0x1: {  	s4 =	rddreg [dreg:$0x0]  }
0x2: {  	s0 =	srdreg.scid;
	s8 =	rddreg [dreg:$0x1]  }
0x3: {  	s2 =	rddreg [dreg:$0x2];
	s1 =	stileid.u32;
	s3 =	simm.s32 $0x0  }
0x4: {  	s12 =	simm.s32 $0x80;
	s13 =	simm.s32 $0x16880;
	s14 =	simm.s32 $0x6800  }
0x5: {  	s15 =	simm.s32 $0x16900;
	s16 =	simm.s32 $0xA800;
	s17 =	simm.s32 $0x16980  }
0x6: {  	s18 =	simm.s32 $0xE800;
	s19 =	simm.s32 $0x16A00;
	s20 =	simm.s32 $0x12800  }
0x7: {  	s5 =	sand.u32 $0x1, s0;
	s0 =	rddreg [dreg:$0x3];
	s9 =	smul.u32 $0x1400, s1  }
0x8: {  	[smem:$0x7FF] =	sst s3;
	s22 =	smul.u32 $0x280, s1;
	s23 =	sshll.u32 s1, $0x6  }
0x9: {  	s6 =	sshll.u32 s5, $0x4;
	_ =	strace $0x80000047;
	s7 =	ssub.s32 $0x2, s5  }
0xa: {  	s11 =	smul.u32 $0x2800, s5;
	s6 =	sor.u32 s1, s6;
	s10 =	sshrl.u32 s7, $0x1  }
0xb: {  	s6 =	smul.u32 $0x500, s6;
	s10 =	ssub.s32 s7, s10;
	s7 =	sadd.s32 $0x2800, s9  }
0xc: {  	s21 =	sadd.s32 s8, s11;
	s11 =	simm.s32 $0x2800;
	s8 =	smax.u32 s10, $0x1  }
0xd: {  	s10 =	simm.s32 $0x16800;
	s21 =	sadd.s32 s22, s21;
	s22 =	sor.u32 $0x1C01, s23  }
0xe: {  	s23 =	simm.s32 $0x0;
	s6 =	sadd.s32 s6, s4;
	s4 =	sadd.s32 $0x2600, s4  }
0xf: {  	v0 =	vimm.f32 $0.0e+00;
	v1 =	vimm.f32 $1.000000000e+00;
	s5 =	sadd.s32 $0x2800, s6;
	s6 =	sadd.s32 s9, s2;
	s9 =	simm.s32 $0x1  }
.LBB2_1:
0x10: {  	[tilespmem:s3], [sflag:$0x1] =	stream.linear.gather [hbm4b:s5+s3], $0x2800, $0x38;
	[tilespmem:$0x16E80] =	vst v63  }
0x11: {  	_ =	swait.ge [sflag:s9], $0x2800  }
0x12: {  	[sflag:s9] =	ssyncset.done $0x0  }
0x13: {  	[sflag:s9] =	ssyncadd.s32 $0xFFFFD800  }
0x14: {  	[tilespmem:s10], [sflag:$0x1] =	stream.linear.gather [hbm4b:s4+s3], $0x280, $0x38;
	[tilespmem:$0x16E80] =	vst v63  }
0x15: {  	_ =	swait.ge [sflag:s9], $0x280  }
0x16: {  	[sflag:s9] =	ssyncset.done $0x0  }
0x17: {  	s24 =	simm.s32 $0x200;
	s25 =	simm.s32 $0x0;
	[sflag:s9] =	ssyncadd.s32 $0xFFFFFD80  }
.LBB2_2:
0x18: {  	p0 =	sne.s32 s24, $0x4FE00;
	[tilespmem:s25+$0x2800] =	vst v0;
	s25 =	smov.u32 s24;
	s24 =	sadd.s32 $0x200, s24  }
.Ltmp0:
0x19: {  	(pc) =	sbr.rel @p0 .LBB2_2-.Ltmp0, $2  }
0x1a: {  	_ =	sdelay $0x2  }
0x1b: {  	s25 =	sshra.s32 s25, $0x2  }
0x1c: {  	[tilespmem:s25+$0x2800] =	vst v0  }
0x1d: {  	[spmem:s6] =	stream.linear.scatter [tilespmem:s7], [sflag:$0x1], $0x1400, $0x38;
	[tilespmem:$0x16E80] =	vst v63  }
0x1e: {  	_ =	swait.ge [sflag:s9], $0x1400  }
0x1f: {  	[sflag:s9] =	ssyncset.done $0x0  }
0x20: {  	s24 =	simm.s32 $0x0;
	[sflag:s9] =	ssyncadd.s32 $0xFFFFEC00  }
.LBB2_4:
0x21: {  	s25 =	sshra.s32 s24, $0x2  }
0x22: {  	v2 =	vld [tilespmem:s25+$0x0];
	_ =	sdelay $0x4  }
0x23: {  	v3 =	vshll.u32 v2, $0x3  }
0x24: {  	v2 =	vand.u32 $0xF, v2;
	v3 =	vand.u32 $0xFFFFFF80, v3  }
0x25: {  	v2 =	vor.u32 v2, v3;
	_ =	sdelay $0x4  }
0x26: {  	[tilespmem:v2+s11+$0x0] =	vst.idx.add.f32.msk $0xffff, v1  }
0x27: {  	v2 =	vld [tilespmem:s25+$0x10];
	_ =	sdelay $0x4  }
0x28: {  	v3 =	vshll.u32 v2, $0x3  }
0x29: {  	v2 =	vand.u32 $0xF, v2;
	v3 =	vand.u32 $0xFFFFFF80, v3  }
0x2a: {  	v2 =	vor.u32 v2, v3;
	_ =	sdelay $0x4  }
0x2b: {  	[tilespmem:v2+s11+$0x0] =	vst.idx.add.f32.msk $0xffff, v1  }
0x2c: {  	v2 =	vld [tilespmem:s25+$0x20];
	_ =	sdelay $0x4  }
0x2d: {  	v3 =	vshll.u32 v2, $0x3  }
0x2e: {  	v2 =	vand.u32 $0xF, v2;
	v3 =	vand.u32 $0xFFFFFF80, v3  }
0x2f: {  	v2 =	vor.u32 v2, v3;
	_ =	sdelay $0x4  }
0x30: {  	[tilespmem:v2+s11+$0x0] =	vst.idx.add.f32.msk $0xffff, v1  }
0x31: {  	v2 =	vld [tilespmem:s25+$0x30];
	_ =	sdelay $0x4  }
0x32: {  	v3 =	vshll.u32 v2, $0x3  }
0x33: {  	v2 =	vand.u32 $0xF, v2;
	v3 =	vand.u32 $0xFFFFFF80, v3  }
0x34: {  	v2 =	vor.u32 v2, v3;
	_ =	sdelay $0x4  }
0x35: {  	[tilespmem:v2+s11+$0x0] =	vst.idx.add.f32.msk $0xffff, v1  }
0x36: {  	v2 =	vld [tilespmem:s25+$0x40];
	_ =	sdelay $0x4  }
0x37: {  	v3 =	vshll.u32 v2, $0x3  }
0x38: {  	v2 =	vand.u32 $0xF, v2;
	v3 =	vand.u32 $0xFFFFFF80, v3  }
0x39: {  	v2 =	vor.u32 v2, v3;
	_ =	sdelay $0x4  }
0x3a: {  	[tilespmem:v2+s11+$0x0] =	vst.idx.add.f32.msk $0xffff, v1  }
0x3b: {  	v2 =	vld [tilespmem:s25+$0x50];
	_ =	sdelay $0x4  }
0x3c: {  	v3 =	vshll.u32 v2, $0x3  }
0x3d: {  	v2 =	vand.u32 $0xF, v2;
	v3 =	vand.u32 $0xFFFFFF80, v3  }
0x3e: {  	v2 =	vor.u32 v2, v3;
	_ =	sdelay $0x4  }
0x3f: {  	[tilespmem:v2+s11+$0x0] =	vst.idx.add.f32.msk $0xffff, v1  }
0x40: {  	v2 =	vld [tilespmem:s25+$0x60];
	_ =	sdelay $0x4  }
0x41: {  	v3 =	vshll.u32 v2, $0x3  }
0x42: {  	v2 =	vand.u32 $0xF, v2;
	v3 =	vand.u32 $0xFFFFFF80, v3  }
0x43: {  	v2 =	vor.u32 v2, v3;
	_ =	sdelay $0x4  }
0x44: {  	[tilespmem:v2+s11+$0x0] =	vst.idx.add.f32.msk $0xffff, v1  }
0x45: {  	v2 =	vld [tilespmem:s25+$0x70];
	_ =	sdelay $0x4  }
0x46: {  	v3 =	vshll.u32 v2, $0x3  }
0x47: {  	v2 =	vand.u32 $0xF, v2;
	v3 =	vand.u32 $0xFFFFFF80, v3  }
0x48: {  	p0 =	sne.s32 s24, $0x9E00;
	v2 =	vor.u32 v2, v3  }
.Ltmp1:
0x49: {  	_ = 	snop;
	(pc) =	sbr.rel @p0 .LBB2_4-.Ltmp1, $2  }
0x4a: {  	_ =	sdelay $0x2  }
0x4b: {  	s24 =	sadd.s32 $0x200, s24;
	[tilespmem:v2+s11+$0x0] =	vst.idx.add.f32.msk $0xffff, v1  }
0x4c: {  	[bflag:$0x0] =	sbarrier.arrive $0xFFFF  }
0x4d: {  	[spmem:s2] =	stream.indirect.scatter.add.f32 [tilespmem:s11], [sflag:$0x1], $0x10, s10, s12, $0xb8;
	[tilespmem:$0x16E80] =	vst v63  }
0x4e: {  	_ =	swait.ge [sflag:s9], $0x800  }
0x4f: {  	[sflag:s9] =	ssyncset.done $0x0  }
0x50: {  	[sflag:s9] =	ssyncadd.s32 $0xFFFFF800  }
0x51: {  	[spmem:s2] =	stream.indirect.scatter.add.f32 [tilespmem:s14], [sflag:$0x1], $0x10, s13, s12, $0xb8;
	[tilespmem:$0x16E80] =	vst v63  }
0x52: {  	_ =	swait.ge [sflag:s9], $0x800  }
0x53: {  	[sflag:s9] =	ssyncset.done $0x0  }
0x54: {  	[sflag:s9] =	ssyncadd.s32 $0xFFFFF800  }
0x55: {  	[spmem:s2] =	stream.indirect.scatter.add.f32 [tilespmem:s16], [sflag:$0x1], $0x10, s15, s12, $0xb8;
	[tilespmem:$0x16E80] =	vst v63  }
0x56: {  	_ =	swait.ge [sflag:s9], $0x800  }
0x57: {  	[sflag:s9] =	ssyncset.done $0x0  }
0x58: {  	[sflag:s9] =	ssyncadd.s32 $0xFFFFF800  }
0x59: {  	[spmem:s2] =	stream.indirect.scatter.add.f32 [tilespmem:s18], [sflag:$0x1], $0x10, s17, s12, $0xb8;
	[tilespmem:$0x16E80] =	vst v63  }
0x5a: {  	_ =	swait.ge [sflag:s9], $0x800  }
0x5b: {  	[sflag:s9] =	ssyncset.done $0x0  }
0x5c: {  	[sflag:s9] =	ssyncadd.s32 $0xFFFFF800  }
0x5d: {  	[spmem:s2] =	stream.indirect.scatter.add.f32 [tilespmem:s20], [sflag:$0x1], $0x10, s19, s12, $0xb8;
	[tilespmem:$0x16E80] =	vst v63  }
0x5e: {  	_ =	swait.ge [sflag:s9], $0x800  }
0x5f: {  	s23 =	sadd.s32 $0x1, s23;
	[sflag:s9] =	ssyncset.done $0x0  }
0x60: {  	p0 =	sne.s32 s23, s8;
	[sflag:s9] =	ssyncadd.s32 $0xFFFFF800  }
.Ltmp2:
0x61: {  	s24 =	sshrl.u32 s6, $0x3;
	[bflag:$0x0] =	sbarrier.arrive $0xFFFF;
	(pc) =	sbr.rel @p0 .LBB2_1-.Ltmp2, $4  }
0x62: {  	[hbm:s21], [sflag:s22] =	dma.local [spmem:s24], $0x280  }
0x63: {  	_ =	swait.ge [sflag:s9], $0x280  }
0x64: {  	[sflag:s9] =	ssyncset.done $0x0  }
0x65: {  	[sflag:s9] =	ssyncadd.s32 $0xFFFFFD80  }
0x66: {  	_ =	sfence.sel $0x180000  }
0x67: {  	[bflag:$0x0] =	sbarrier.arrive $0xFFFF  }
0x68: {  	p0 =	sne.s32 s1, $0x0;
	_ =	strace $0x90000047  }
0x69: {  	s0 =	sadd.s32 @!p0 $0x100000, s0;
	[bflag:$0x2] =	sbarrier.arrive $0xFFFF  }
0x6a: {  	[sflag:s0] =	ssyncadd.tile.s32 @!p0 $0x1;
	_ =	shalt  }
.Lfunc_end2:
_tile_overlayer_lowered:
.L_overlay_start_2:
0x6b: {  	(tag) =	ssettag $0x2  }
0x6c: {  	s0 =	rddreg [dreg:$0x0];
	s2 =	stileid.u32  }
0x6d: {  	s1 =	rddreg [dreg:$0x1];
	p0 =	sne.s32 s2, $0x0  }
0x6e: {  	s3 =	rddreg [dreg:$0x2];
	[bflag:$0x3] =	sbarrier.arrive $0xFFFF;
	s2 =	simm.s32 @!p0 $0x1C01  }
0x6f: {  	[timem:s3], [sflag:s2] =	dma.local @!p0 [hbm:s0], s1  }
0x70: {  	s0 =	simm.s32 @!p0 $0x1  }
0x71: {  	_ =	swait.ge @!p0 [sflag:s0], s1  }
0x72: {  	s1 =	ssub.s32 @!p0 $0x0, s1;
	[sflag:s0] =	ssyncset.done @!p0 $0x0  }
0x73: {  	[sflag:s0] =	ssyncadd.s32 @!p0 s1  }
0x74: {  	[bflag:$0x3] =	sbarrier.arrive $0xFFFF  }
0x75: {  	_ =	shalt  }

</sc_bundles>
